<compile_context>
chip_gen: v7x
topology: tpu7x:2x2x1
jax: 0.10.2.dev20260603
libtpu: 0.0.44.dev20260713+nightly
codegen_flags: <defaults>
</compile_context>

<pallas_src>
import functools

import numpy as np

import jax
import jax.numpy as jnp
from jax import lax
from jax.experimental import pallas as pl
from jax.experimental.pallas import tpu as pltpu
from jax.experimental.pallas import tpu_sc as plsc

N = 10000
D = 128
E = 320000

NUM_CORES = 2
NUM_SUBCORES = 16
NUM_WORKERS = NUM_CORES * NUM_SUBCORES

CHUNK = 64
NP = 10112
PAD_ROWS = NP - N

N_CHUNKS = 160
EDGES_PER_TILE = N_CHUNKS * CHUNK
EP = EDGES_PER_TILE * NUM_WORKERS
ROWS_PER_TILE_NP = NP // NUM_SUBCORES


NBUF = 5
SLAB = 10
N_SLABS = N_CHUNKS // SLAB
FULL_SUPERS = SLAB // NBUF - 1


def _make_sc_aggregate():
    mesh = plsc.VectorSubcoreMesh(core_axis_name="c", subcore_axis_name="s")

    @functools.partial(
        pl.kernel,
        out_type=jax.ShapeDtypeStruct((NUM_CORES, NP, D), jnp.float32),
        mesh=mesh,
        scratch_types=[
            [pltpu.VMEM((SLAB, CHUNK), jnp.int32) for _ in range(2)],
            [pltpu.VMEM((SLAB, CHUNK), jnp.int32) for _ in range(2)],
            [pltpu.VMEM((CHUNK, D), jnp.float32) for _ in range(NBUF)],
            pltpu.VMEM_SHARED((NP, D), jnp.float32),
            [pltpu.SemaphoreType.DMA for _ in range(NBUF)],
            [pltpu.SemaphoreType.DMA for _ in range(NBUF)],
            [pltpu.SemaphoreType.DMA for _ in range(2)],
        ],
    )
    def agg(feat_hbm, src_hbm, dst_hbm, zeros_hbm, out_hbm,
            src_J, dst_J, rows, acc, gsems, ssems, isems):
        cid = lax.axis_index("c")
        sid = lax.axis_index("s")
        wid = cid * NUM_SUBCORES + sid

        def fire_gather(p, b, r):
            pltpu.async_copy(feat_hbm.at[src_J[p].at[r]], rows[b], gsems[b])

        def wait_gather(p, b, r):
            pltpu.make_async_copy(feat_hbm.at[src_J[p].at[r]], rows[b],
                                  gsems[b]).wait()

        def fire_scatter(p, b, r):
            pltpu.async_copy(rows[b], acc.at[dst_J[p].at[r]], ssems[b],
                             add=True)

        def wait_scatter(p, b, r):
            pltpu.make_async_copy(rows[b], acc.at[dst_J[p].at[r]],
                                  ssems[b]).wait()

        def fire_idx(t, p):
            pltpu.async_copy(src_hbm.at[wid, t], src_J[p], isems[p])
            pltpu.async_copy(dst_hbm.at[wid, t], dst_J[p], isems[p])

        def wait_idx(t, p):
            pltpu.make_async_copy(src_hbm.at[wid, t], src_J[p],
                                  isems[p]).wait()
            pltpu.make_async_copy(dst_hbm.at[wid, t], dst_J[p],
                                  isems[p]).wait()

        pltpu.sync_copy(src_hbm.at[wid, 0], src_J[0])
        pltpu.sync_copy(dst_hbm.at[wid, 0], dst_J[0])
        fire_idx(1, 1)
        for b in range(NBUF):
            fire_gather(0, b, b)

        pltpu.sync_copy(
            zeros_hbm.at[pl.ds(sid * ROWS_PER_TILE_NP, ROWS_PER_TILE_NP)],
            acc.at[pl.ds(sid * ROWS_PER_TILE_NP, ROWS_PER_TILE_NP)],
        )
        plsc.subcore_barrier()

        def slab_proc(t, p):
            def super_body(s, _):
                i0 = s * NBUF
                for b in range(NBUF):
                    wait_gather(p, b, i0 + b)
                    fire_scatter(p, b, i0 + b)
                for b in range(NBUF):
                    wait_scatter(p, b, i0 + b)
                    fire_gather(p, b, i0 + NBUF + b)
                return 0

            lax.fori_loop(0, FULL_SUPERS, super_body, 0)

            not_last = t + 1 < N_SLABS

            @pl.when(not_last)
            def _():
                wait_idx(t + 1, 1 - p)

            i0 = FULL_SUPERS * NBUF
            for b in range(NBUF):
                wait_gather(p, b, i0 + b)
                fire_scatter(p, b, i0 + b)
            for b in range(NBUF):
                wait_scatter(p, b, i0 + b)

                @pl.when(not_last)
                def _():
                    fire_gather(1 - p, b, b)

            @pl.when(t + 2 < N_SLABS)
            def _():
                fire_idx(t + 2, p)

        def double_slab(tt, _):
            slab_proc(2 * tt, 0)
            slab_proc(2 * tt + 1, 1)
            return 0

        lax.fori_loop(0, N_SLABS // 2, double_slab, 0)
        plsc.subcore_barrier()

        pltpu.sync_copy(
            acc.at[pl.ds(sid * ROWS_PER_TILE_NP, ROWS_PER_TILE_NP)],
            out_hbm.at[cid, pl.ds(sid * ROWS_PER_TILE_NP, ROWS_PER_TILE_NP)],
        )

    return agg


_sc_aggregate = _make_sc_aggregate()


def _make_tc_linear(apply_relu: bool):
    BLK = 1000

    def body(p0_ref, p1_ref, w_ref, b_ref, out_ref):
        s = p0_ref[0] + p1_ref[0]
        y = jnp.dot(s, w_ref[...], preferred_element_type=jnp.float32)
        y = y + b_ref[...]
        if apply_relu:
            y = jnp.maximum(y, 0.0)
        out_ref[...] = y

    return pl.pallas_call(
        body,
        grid=(N // BLK,),
        in_specs=[
            pl.BlockSpec((1, BLK, D), lambda i: (0, i, 0)),
            pl.BlockSpec((1, BLK, D), lambda i: (1, i, 0)),
            pl.BlockSpec((D, D), lambda i: (0, 0)),
            pl.BlockSpec((1, D), lambda i: (0, 0)),
        ],
        out_specs=pl.BlockSpec((BLK, D), lambda i: (i, 0)),
        out_shape=jax.ShapeDtypeStruct((N, D), jnp.float32),
    )


_tc_linear_relu = _make_tc_linear(True)
_tc_linear = _make_tc_linear(False)


def kernel(x, edge_index, W1, b1, W2, b2):
    src = edge_index[0]
    dst = edge_index[1]

    n_pad = EP - E
    pad_ids = np.arange(n_pad, dtype=np.int32)
    srcp = jnp.concatenate([src, jnp.asarray(pad_ids % N)]).reshape(
        NUM_WORKERS, N_SLABS, SLAB, CHUNK)
    dstp = jnp.concatenate([dst, jnp.asarray(N + pad_ids % PAD_ROWS)]).reshape(
        NUM_WORKERS, N_SLABS, SLAB, CHUNK)

    zeros = jnp.asarray(np.zeros((NP, D), np.float32))
    b1r = b1.reshape(1, D)
    b2r = b2.reshape(1, D)

    parts1 = _sc_aggregate(x, srcp, dstp, zeros)
    f2 = _tc_linear_relu(parts1, parts1, W1, b1r)
    parts2 = _sc_aggregate(f2, srcp, dstp, zeros)
    f4 = _tc_linear(parts2, parts2, W2, b2r)
    return f4

# --- scband reference (transcript-rebuilt; emitter-appended) ---
"""Pipeline reference for scband-model-68771016343879 (READ-ONLY COPY).

The authoritative reference and input builder live on the scoring server;
editing this copy changes nothing except your own understanding.
"""

import jax, jax.numpy as jnp
import numpy as np

N = 10000
E = 320000
D = 128


def setup_inputs(seed: int = 0) -> dict:
    key = jax.random.key(seed)
    k1, k2, k3, k4 = jax.random.split(key, 4)
    x = jax.random.normal(k1, (N, D), dtype=jnp.float32)
    edge_index = jax.random.randint(k2, (2, E), 0, N, dtype=jnp.int32)
    # fc1: Linear(dim1=128, dim2=128); fc2: Linear(dim2=128, dim3=128)
    W1 = jax.random.normal(k3, (D, D), dtype=jnp.float32) * (1.0 / np.sqrt(D))
    b1 = jnp.zeros((D,), dtype=jnp.float32)
    W2 = jax.random.normal(k4, (D, D), dtype=jnp.float32) * (1.0 / np.sqrt(D))
    b2 = jnp.zeros((D,), dtype=jnp.float32)
    return {"x": x, "edge_index": edge_index, "W1": W1, "b1": b1, "W2": W2, "b2": b2}


def reference(x, edge_index, W1, b1, W2, b2):
    # DGL update_all(copy_u('feat','m'), sum('m','f1')) == scatter-add of src features into dst nodes
    src = edge_index[0]
    dst = edge_index[1]
    # first GCN aggregation
    f1 = jax.ops.segment_sum(jnp.take(x, src, axis=0), dst, num_segments=N)
    # fc1 + relu
    ff1 = f1 @ W1 + b1
    f2 = jax.nn.relu(ff1)
    # second GCN aggregation
    f3 = jax.ops.segment_sum(jnp.take(f2, src, axis=0), dst, num_segments=N)
    # fc2
    f4 = f3 @ W2 + b2
    return f4

if __name__ == "__main__":
    import jax
    _d = setup_inputs()
    print(jax.jit(kernel)(*tuple(_d.values())))

</pallas_src>

<mosaic_0001>
#map = affine_map<(d0, d1) -> (0, 0)>
#map1 = affine_map<(d0, d1) -> (0, 0, 0, 0)>
#map2 = affine_map<(d0, d1) -> (0, 0, 0)>
module attributes {stable_mosaic.version = 14 : i64} {
  func.func @agg(%arg0: i32, %arg1: i32, %arg2: memref<10000x128xf32, #tpu.memory_space<hbm>>, %arg3: memref<32x16x10x64xi32, #tpu.memory_space<hbm>>, %arg4: memref<32x16x10x64xi32, #tpu.memory_space<hbm>>, %arg5: memref<10112x128xf32, #tpu.memory_space<hbm>>, %arg6: memref<2x10112x128xf32, #tpu.memory_space<hbm>>, %arg7: memref<10x64xi32, #tpu.memory_space<vmem>>, %arg8: memref<10x64xi32, #tpu.memory_space<vmem>>, %arg9: memref<10x64xi32, #tpu.memory_space<vmem>>, %arg10: memref<10x64xi32, #tpu.memory_space<vmem>>, %arg11: memref<64x128xf32, #tpu.memory_space<vmem>>, %arg12: memref<64x128xf32, #tpu.memory_space<vmem>>, %arg13: memref<64x128xf32, #tpu.memory_space<vmem>>, %arg14: memref<64x128xf32, #tpu.memory_space<vmem>>, %arg15: memref<64x128xf32, #tpu.memory_space<vmem>>, %arg16: memref<10112x128xf32, #tpu.memory_space<vmem_shared>>, %arg17: memref<!tpu.dma_semaphore, #tpu.memory_space<semaphore_mem>>, %arg18: memref<!tpu.dma_semaphore, #tpu.memory_space<semaphore_mem>>, %arg19: memref<!tpu.dma_semaphore, #tpu.memory_space<semaphore_mem>>, %arg20: memref<!tpu.dma_semaphore, #tpu.memory_space<semaphore_mem>>, %arg21: memref<!tpu.dma_semaphore, #tpu.memory_space<semaphore_mem>>, %arg22: memref<!tpu.dma_semaphore, #tpu.memory_space<semaphore_mem>>, %arg23: memref<!tpu.dma_semaphore, #tpu.memory_space<semaphore_mem>>, %arg24: memref<!tpu.dma_semaphore, #tpu.memory_space<semaphore_mem>>, %arg25: memref<!tpu.dma_semaphore, #tpu.memory_space<semaphore_mem>>, %arg26: memref<!tpu.dma_semaphore, #tpu.memory_space<semaphore_mem>>, %arg27: memref<!tpu.dma_semaphore, #tpu.memory_space<semaphore_mem>>, %arg28: memref<!tpu.dma_semaphore, #tpu.memory_space<semaphore_mem>>) attributes {dimension_semantics = [#tpu.dimension_semantics<core_parallel>, #tpu.dimension_semantics<subcore_parallel>], iteration_bounds = array<i64: 2, 16>, scalar_prefetch = 0 : i64, scratch_operands = 22 : i64, tpu.core_type = #tpu.core_type<sc_vector_subcore>, window_params = [{transform_indices = #map}, {transform_indices = #map1}, {transform_indices = #map1}, {transform_indices = #map}, {transform_indices = #map2}]} {
    %mul3A = arith.constant 16 : i32
    %mul3A_0 = arith.muli %arg0, %mul3A : i32
    %add3A = arith.addi %mul3A_0, %arg1 : i32
    %run_scoped3A = arith.constant 0 : i32
    "tpu.region"() ({
      %run_scoped3A_69 = tpu.sem_alloc : memref<!tpu.dma_semaphore, #tpu.memory_space<semaphore_mem>>
      %dma_start3A_70 = arith.constant 0 : i32
      %dma_start3A_71 = arith.constant 0 : i32
      %dma_start3A_72 = tpu.memref_slice %arg3[%add3A, %run_scoped3A, %dma_start3A_70, %dma_start3A_71] : memref<32x16x10x64xi32, #tpu.memory_space<hbm>> -> memref<1x1x10x64xi32, #tpu.memory_space<hbm>>
      %dma_start3A_73 = tpu.memref_squeeze %dma_start3A_72 : memref<1x1x10x64xi32, #tpu.memory_space<hbm>> -> memref<10x64xi32, #tpu.memory_space<hbm>>
      %dma_start3A_74 = arith.constant 0 : i32
      %dma_start3A_75 = arith.constant 0 : i32
      %dma_start3A_76 = tpu.memref_slice %arg3[%add3A, %run_scoped3A, %dma_start3A_74, %dma_start3A_75] : memref<32x16x10x64xi32, #tpu.memory_space<hbm>> -> memref<1x1x10x64xi32, #tpu.memory_space<hbm>>
      %dma_start3A_77 = tpu.memref_squeeze %dma_start3A_76 : memref<1x1x10x64xi32, #tpu.memory_space<hbm>> -> memref<10x64xi32, #tpu.memory_space<hbm>>
      tpu.enqueue_dma source(%dma_start3A_77 : memref<10x64xi32, #tpu.memory_space<hbm>>) target(%arg7 : memref<10x64xi32, #tpu.memory_space<vmem>>) target_semaphore(%run_scoped3A_69 : memref<!tpu.dma_semaphore, #tpu.memory_space<semaphore_mem>>)
      %dma_wait3A = arith.constant 0 : i32
      %dma_wait3A_78 = arith.constant 0 : i32
      %dma_wait3A_79 = tpu.memref_slice %arg3[%add3A, %run_scoped3A, %dma_wait3A, %dma_wait3A_78] : memref<32x16x10x64xi32, #tpu.memory_space<hbm>> -> memref<1x1x10x64xi32, #tpu.memory_space<hbm>>
      %dma_wait3A_80 = tpu.memref_squeeze %dma_wait3A_79 : memref<1x1x10x64xi32, #tpu.memory_space<hbm>> -> memref<10x64xi32, #tpu.memory_space<hbm>>
      %dma_wait3A_81 = arith.constant 0 : i32
      %dma_wait3A_82 = arith.constant 0 : i32
      %dma_wait3A_83 = tpu.memref_slice %arg3[%add3A, %run_scoped3A, %dma_wait3A_81, %dma_wait3A_82] : memref<32x16x10x64xi32, #tpu.memory_space<hbm>> -> memref<1x1x10x64xi32, #tpu.memory_space<hbm>>
      %dma_wait3A_84 = tpu.memref_squeeze %dma_wait3A_83 : memref<1x1x10x64xi32, #tpu.memory_space<hbm>> -> memref<10x64xi32, #tpu.memory_space<hbm>>
      tpu.wait_dma2 semaphore(%run_scoped3A_69 : memref<!tpu.dma_semaphore, #tpu.memory_space<semaphore_mem>>) src(%dma_wait3A_84 : memref<10x64xi32, #tpu.memory_space<hbm>>) dst(%arg7 : memref<10x64xi32, #tpu.memory_space<vmem>>)
      tpu.yield
    }) : () -> ()
    %run_scoped3A_1 = arith.constant 0 : i32
    "tpu.region"() ({
      %run_scoped3A_69 = tpu.sem_alloc : memref<!tpu.dma_semaphore, #tpu.memory_space<semaphore_mem>>
      %dma_start3A_70 = arith.constant 0 : i32
      %dma_start3A_71 = arith.constant 0 : i32
      %dma_start3A_72 = tpu.memref_slice %arg4[%add3A, %run_scoped3A_1, %dma_start3A_70, %dma_start3A_71] : memref<32x16x10x64xi32, #tpu.memory_space<hbm>> -> memref<1x1x10x64xi32, #tpu.memory_space<hbm>>
      %dma_start3A_73 = tpu.memref_squeeze %dma_start3A_72 : memref<1x1x10x64xi32, #tpu.memory_space<hbm>> -> memref<10x64xi32, #tpu.memory_space<hbm>>
      %dma_start3A_74 = arith.constant 0 : i32
      %dma_start3A_75 = arith.constant 0 : i32
      %dma_start3A_76 = tpu.memref_slice %arg4[%add3A, %run_scoped3A_1, %dma_start3A_74, %dma_start3A_75] : memref<32x16x10x64xi32, #tpu.memory_space<hbm>> -> memref<1x1x10x64xi32, #tpu.memory_space<hbm>>
      %dma_start3A_77 = tpu.memref_squeeze %dma_start3A_76 : memref<1x1x10x64xi32, #tpu.memory_space<hbm>> -> memref<10x64xi32, #tpu.memory_space<hbm>>
      tpu.enqueue_dma source(%dma_start3A_77 : memref<10x64xi32, #tpu.memory_space<hbm>>) target(%arg9 : memref<10x64xi32, #tpu.memory_space<vmem>>) target_semaphore(%run_scoped3A_69 : memref<!tpu.dma_semaphore, #tpu.memory_space<semaphore_mem>>)
      %dma_wait3A = arith.constant 0 : i32
      %dma_wait3A_78 = arith.constant 0 : i32
      %dma_wait3A_79 = tpu.memref_slice %arg4[%add3A, %run_scoped3A_1, %dma_wait3A, %dma_wait3A_78] : memref<32x16x10x64xi32, #tpu.memory_space<hbm>> -> memref<1x1x10x64xi32, #tpu.memory_space<hbm>>
      %dma_wait3A_80 = tpu.memref_squeeze %dma_wait3A_79 : memref<1x1x10x64xi32, #tpu.memory_space<hbm>> -> memref<10x64xi32, #tpu.memory_space<hbm>>
      %dma_wait3A_81 = arith.constant 0 : i32
      %dma_wait3A_82 = arith.constant 0 : i32
      %dma_wait3A_83 = tpu.memref_slice %arg4[%add3A, %run_scoped3A_1, %dma_wait3A_81, %dma_wait3A_82] : memref<32x16x10x64xi32, #tpu.memory_space<hbm>> -> memref<1x1x10x64xi32, #tpu.memory_space<hbm>>
      %dma_wait3A_84 = tpu.memref_squeeze %dma_wait3A_83 : memref<1x1x10x64xi32, #tpu.memory_space<hbm>> -> memref<10x64xi32, #tpu.memory_space<hbm>>
      tpu.wait_dma2 semaphore(%run_scoped3A_69 : memref<!tpu.dma_semaphore, #tpu.memory_space<semaphore_mem>>) src(%dma_wait3A_84 : memref<10x64xi32, #tpu.memory_space<hbm>>) dst(%arg9 : memref<10x64xi32, #tpu.memory_space<vmem>>)
      tpu.yield
    }) : () -> ()
    %dma_start3A = arith.constant 1 : i32
    %dma_start3A_2 = arith.constant 0 : i32
    %dma_start3A_3 = arith.constant 0 : i32
    %dma_start3A_4 = tpu.memref_slice %arg3[%add3A, %dma_start3A, %dma_start3A_2, %dma_start3A_3] : memref<32x16x10x64xi32, #tpu.memory_space<hbm>> -> memref<1x1x10x64xi32, #tpu.memory_space<hbm>>
    %dma_start3A_5 = tpu.memref_squeeze %dma_start3A_4 : memref<1x1x10x64xi32, #tpu.memory_space<hbm>> -> memref<10x64xi32, #tpu.memory_space<hbm>>
    %dma_start3A_6 = arith.constant 0 : i32
    %dma_start3A_7 = arith.constant 0 : i32
    %dma_start3A_8 = tpu.memref_slice %arg3[%add3A, %dma_start3A, %dma_start3A_6, %dma_start3A_7] : memref<32x16x10x64xi32, #tpu.memory_space<hbm>> -> memref<1x1x10x64xi32, #tpu.memory_space<hbm>>
    %dma_start3A_9 = tpu.memref_squeeze %dma_start3A_8 : memref<1x1x10x64xi32, #tpu.memory_space<hbm>> -> memref<10x64xi32, #tpu.memory_space<hbm>>
    tpu.enqueue_dma source(%dma_start3A_9 : memref<10x64xi32, #tpu.memory_space<hbm>>) target(%arg8 : memref<10x64xi32, #tpu.memory_space<vmem>>) target_semaphore(%arg28 : memref<!tpu.dma_semaphore, #tpu.memory_space<semaphore_mem>>)
    %dma_start3A_10 = arith.constant 1 : i32
    %dma_start3A_11 = arith.constant 0 : i32
    %dma_start3A_12 = arith.constant 0 : i32
    %dma_start3A_13 = tpu.memref_slice %arg4[%add3A, %dma_start3A_10, %dma_start3A_11, %dma_start3A_12] : memref<32x16x10x64xi32, #tpu.memory_space<hbm>> -> memref<1x1x10x64xi32, #tpu.memory_space<hbm>>
    %dma_start3A_14 = tpu.memref_squeeze %dma_start3A_13 : memref<1x1x10x64xi32, #tpu.memory_space<hbm>> -> memref<10x64xi32, #tpu.memory_space<hbm>>
    %dma_start3A_15 = arith.constant 0 : i32
    %dma_start3A_16 = arith.constant 0 : i32
    %dma_start3A_17 = tpu.memref_slice %arg4[%add3A, %dma_start3A_10, %dma_start3A_15, %dma_start3A_16] : memref<32x16x10x64xi32, #tpu.memory_space<hbm>> -> memref<1x1x10x64xi32, #tpu.memory_space<hbm>>
    %dma_start3A_18 = tpu.memref_squeeze %dma_start3A_17 : memref<1x1x10x64xi32, #tpu.memory_space<hbm>> -> memref<10x64xi32, #tpu.memory_space<hbm>>
    tpu.enqueue_dma source(%dma_start3A_18 : memref<10x64xi32, #tpu.memory_space<hbm>>) target(%arg10 : memref<10x64xi32, #tpu.memory_space<vmem>>) target_semaphore(%arg28 : memref<!tpu.dma_semaphore, #tpu.memory_space<semaphore_mem>>)
    %dma_start3A_19 = arith.constant 0 : i32
    %dma_start3A_20 = arith.constant 0 : i32
    %dma_start3A_21 = tpu.memref_slice %arg7[%dma_start3A_19, %dma_start3A_20] : memref<10x64xi32, #tpu.memory_space<vmem>> -> memref<1x64xi32, #tpu.memory_space<vmem>>
    %dma_start3A_22 = tpu.memref_squeeze %dma_start3A_21 : memref<1x64xi32, #tpu.memory_space<vmem>> -> memref<64xi32, #tpu.memory_space<vmem>>
    %dma_start3A_23 = arith.constant 0 : i32
    %dma_start3A_24 = arith.constant 0 : i32
    %dma_start3A_25 = tpu.memref_slice %arg2[%dma_start3A_23, %dma_start3A_24] : memref<10000x128xf32, #tpu.memory_space<hbm>> -> memref<10000x128xf32, #tpu.memory_space<hbm>>
    tpu.enqueue_indirect_dma source(%dma_start3A_25 : memref<10000x128xf32, #tpu.memory_space<hbm>>) target(%arg11 : memref<64x128xf32, #tpu.memory_space<vmem>>) offsets(%dma_start3A_22 : memref<64xi32, #tpu.memory_space<vmem>>) semaphore(%arg17 : memref<!tpu.dma_semaphore, #tpu.memory_space<semaphore_mem>>)
    %dma_start3A_26 = arith.constant 1 : i32
    %dma_start3A_27 = arith.constant 0 : i32
    %dma_start3A_28 = tpu.memref_slice %arg7[%dma_start3A_26, %dma_start3A_27] : memref<10x64xi32, #tpu.memory_space<vmem>> -> memref<1x64xi32, #tpu.memory_space<vmem>>
    %dma_start3A_29 = tpu.memref_squeeze %dma_start3A_28 : memref<1x64xi32, #tpu.memory_space<vmem>> -> memref<64xi32, #tpu.memory_space<vmem>>
    %dma_start3A_30 = arith.constant 0 : i32
    %dma_start3A_31 = arith.constant 0 : i32
    %dma_start3A_32 = tpu.memref_slice %arg2[%dma_start3A_30, %dma_start3A_31] : memref<10000x128xf32, #tpu.memory_space<hbm>> -> memref<10000x128xf32, #tpu.memory_space<hbm>>
    tpu.enqueue_indirect_dma source(%dma_start3A_32 : memref<10000x128xf32, #tpu.memory_space<hbm>>) target(%arg12 : memref<64x128xf32, #tpu.memory_space<vmem>>) offsets(%dma_start3A_29 : memref<64xi32, #tpu.memory_space<vmem>>) semaphore(%arg18 : memref<!tpu.dma_semaphore, #tpu.memory_space<semaphore_mem>>)
    %dma_start3A_33 = arith.constant 2 : i32
    %dma_start3A_34 = arith.constant 0 : i32
    %dma_start3A_35 = tpu.memref_slice %arg7[%dma_start3A_33, %dma_start3A_34] : memref<10x64xi32, #tpu.memory_space<vmem>> -> memref<1x64xi32, #tpu.memory_space<vmem>>
    %dma_start3A_36 = tpu.memref_squeeze %dma_start3A_35 : memref<1x64xi32, #tpu.memory_space<vmem>> -> memref<64xi32, #tpu.memory_space<vmem>>
    %dma_start3A_37 = arith.constant 0 : i32
    %dma_start3A_38 = arith.constant 0 : i32
    %dma_start3A_39 = tpu.memref_slice %arg2[%dma_start3A_37, %dma_start3A_38] : memref<10000x128xf32, #tpu.memory_space<hbm>> -> memref<10000x128xf32, #tpu.memory_space<hbm>>
    tpu.enqueue_indirect_dma source(%dma_start3A_39 : memref<10000x128xf32, #tpu.memory_space<hbm>>) target(%arg13 : memref<64x128xf32, #tpu.memory_space<vmem>>) offsets(%dma_start3A_36 : memref<64xi32, #tpu.memory_space<vmem>>) semaphore(%arg19 : memref<!tpu.dma_semaphore, #tpu.memory_space<semaphore_mem>>)
    %dma_start3A_40 = arith.constant 3 : i32
    %dma_start3A_41 = arith.constant 0 : i32
    %dma_start3A_42 = tpu.memref_slice %arg7[%dma_start3A_40, %dma_start3A_41] : memref<10x64xi32, #tpu.memory_space<vmem>> -> memref<1x64xi32, #tpu.memory_space<vmem>>
    %dma_start3A_43 = tpu.memref_squeeze %dma_start3A_42 : memref<1x64xi32, #tpu.memory_space<vmem>> -> memref<64xi32, #tpu.memory_space<vmem>>
    %dma_start3A_44 = arith.constant 0 : i32
    %dma_start3A_45 = arith.constant 0 : i32
    %dma_start3A_46 = tpu.memref_slice %arg2[%dma_start3A_44, %dma_start3A_45] : memref<10000x128xf32, #tpu.memory_space<hbm>> -> memref<10000x128xf32, #tpu.memory_space<hbm>>
    tpu.enqueue_indirect_dma source(%dma_start3A_46 : memref<10000x128xf32, #tpu.memory_space<hbm>>) target(%arg14 : memref<64x128xf32, #tpu.memory_space<vmem>>) offsets(%dma_start3A_43 : memref<64xi32, #tpu.memory_space<vmem>>) semaphore(%arg20 : memref<!tpu.dma_semaphore, #tpu.memory_space<semaphore_mem>>)
    %dma_start3A_47 = arith.constant 4 : i32
    %dma_start3A_48 = arith.constant 0 : i32
    %dma_start3A_49 = tpu.memref_slice %arg7[%dma_start3A_47, %dma_start3A_48] : memref<10x64xi32, #tpu.memory_space<vmem>> -> memref<1x64xi32, #tpu.memory_space<vmem>>
    %dma_start3A_50 = tpu.memref_squeeze %dma_start3A_49 : memref<1x64xi32, #tpu.memory_space<vmem>> -> memref<64xi32, #tpu.memory_space<vmem>>
    %dma_start3A_51 = arith.constant 0 : i32
    %dma_start3A_52 = arith.constant 0 : i32
    %dma_start3A_53 = tpu.memref_slice %arg2[%dma_start3A_51, %dma_start3A_52] : memref<10000x128xf32, #tpu.memory_space<hbm>> -> memref<10000x128xf32, #tpu.memory_space<hbm>>
    tpu.enqueue_indirect_dma source(%dma_start3A_53 : memref<10000x128xf32, #tpu.memory_space<hbm>>) target(%arg15 : memref<64x128xf32, #tpu.memory_space<vmem>>) offsets(%dma_start3A_50 : memref<64xi32, #tpu.memory_space<vmem>>) semaphore(%arg21 : memref<!tpu.dma_semaphore, #tpu.memory_space<semaphore_mem>>)
    %mul3A_54 = arith.constant 632 : i32
    %mul3A_55 = arith.muli %arg1, %mul3A_54 : i32
    %mul3A_56 = arith.constant 632 : i32
    %mul3A_57 = arith.muli %arg1, %mul3A_56 : i32
    "tpu.region"() ({
      %run_scoped3A_69 = tpu.sem_alloc : memref<!tpu.dma_semaphore, #tpu.memory_space<semaphore_mem>>
      %dma_start3A_70 = arith.constant 0 : i32
      %dma_start3A_71 = tpu.memref_slice %arg16[%mul3A_57, %dma_start3A_70] : memref<10112x128xf32, #tpu.memory_space<vmem_shared>> -> memref<632x128xf32, #tpu.memory_space<vmem_shared>>
      %dma_start3A_72 = arith.constant 0 : i32
      %dma_start3A_73 = tpu.memref_slice %arg5[%mul3A_55, %dma_start3A_72] : memref<10112x128xf32, #tpu.memory_space<hbm>> -> memref<632x128xf32, #tpu.memory_space<hbm>>
      tpu.enqueue_dma source(%dma_start3A_73 : memref<632x128xf32, #tpu.memory_space<hbm>>) target(%dma_start3A_71 : memref<632x128xf32, #tpu.memory_space<vmem_shared>>) target_semaphore(%run_scoped3A_69 : memref<!tpu.dma_semaphore, #tpu.memory_space<semaphore_mem>>)
      %dma_wait3A = arith.constant 0 : i32
      %dma_wait3A_74 = tpu.memref_slice %arg16[%mul3A_57, %dma_wait3A] : memref<10112x128xf32, #tpu.memory_space<vmem_shared>> -> memref<632x128xf32, #tpu.memory_space<vmem_shared>>
      %dma_wait3A_75 = arith.constant 0 : i32
      %dma_wait3A_76 = tpu.memref_slice %arg5[%mul3A_55, %dma_wait3A_75] : memref<10112x128xf32, #tpu.memory_space<hbm>> -> memref<632x128xf32, #tpu.memory_space<hbm>>
      tpu.wait_dma2 semaphore(%run_scoped3A_69 : memref<!tpu.dma_semaphore, #tpu.memory_space<semaphore_mem>>) src(%dma_wait3A_76 : memref<632x128xf32, #tpu.memory_space<hbm>>) dst(%dma_wait3A_74 : memref<632x128xf32, #tpu.memory_space<vmem_shared>>)
      tpu.yield
    }) : () -> ()
    %barrier3A = arith.constant 0 : index
    tpu.barrier barrier_id(%barrier3A)
    %scan3A = arith.constant 0 : i32
    %scan3A_58 = arith.constant 0 : i32
    %scan3A_59 = arith.constant 8 : i32
    %scan3A_60 = arith.addi %scan3A_58, %scan3A_59 : i32
    %scan3A_61 = arith.constant 1 : i32
    %scan3A_62 = scf.for %scan3A_69 = %scan3A_58 to %scan3A_60 step %scan3A_61 iter_args(%scan3A_70 = %scan3A) -> (i32)  : i32 {
      %mul3A_71 = arith.constant 2 : i32
      %mul3A_72 = arith.muli %mul3A_71, %scan3A_69 : i32
      %scan3A_73 = arith.constant 0 : i32
      %scan3A_74 = arith.constant 0 : i32
      %mul3A_75 = arith.constant 5 : i32
      %mul3A_76 = arith.muli %scan3A_74, %mul3A_75 : i32
      %add3A_77 = arith.constant 0 : i32
      %add3A_78 = arith.addi %mul3A_76, %add3A_77 : i32
      %dma_wait3A = arith.constant 0 : i32
      %dma_wait3A_79 = tpu.memref_slice %arg7[%add3A_78, %dma_wait3A] : memref<10x64xi32, #tpu.memory_space<vmem>> -> memref<1x64xi32, #tpu.memory_space<vmem>>
      %dma_wait3A_80 = tpu.memref_squeeze %dma_wait3A_79 : memref<1x64xi32, #tpu.memory_space<vmem>> -> memref<64xi32, #tpu.memory_space<vmem>>
      %dma_wait3A_81 = arith.constant 0 : i32
      %dma_wait3A_82 = arith.constant 0 : i32
      %dma_wait3A_83 = tpu.memref_slice %arg2[%dma_wait3A_81, %dma_wait3A_82] : memref<10000x128xf32, #tpu.memory_space<hbm>> -> memref<10000x128xf32, #tpu.memory_space<hbm>>
      tpu.wait_indirect_dma semaphore(%arg17 : memref<!tpu.dma_semaphore, #tpu.memory_space<semaphore_mem>>) src(%dma_wait3A_83 : memref<10000x128xf32, #tpu.memory_space<hbm>>) dst(%arg11 : memref<64x128xf32, #tpu.memory_space<vmem>>)
      %add3A_84 = arith.constant 0 : i32
      %add3A_85 = arith.addi %mul3A_76, %add3A_84 : i32
      %dma_start3A_86 = arith.constant 0 : i32
      %dma_start3A_87 = tpu.memref_slice %arg9[%add3A_85, %dma_start3A_86] : memref<10x64xi32, #tpu.memory_space<vmem>> -> memref<1x64xi32, #tpu.memory_space<vmem>>
      %dma_start3A_88 = tpu.memref_squeeze %dma_start3A_87 : memref<1x64xi32, #tpu.memory_space<vmem>> -> memref<64xi32, #tpu.memory_space<vmem>>
      %dma_start3A_89 = arith.constant 0 : i32
      %dma_start3A_90 = arith.constant 0 : i32
      %dma_start3A_91 = tpu.memref_slice %arg16[%dma_start3A_89, %dma_start3A_90] : memref<10112x128xf32, #tpu.memory_space<vmem_shared>> -> memref<10112x128xf32, #tpu.memory_space<vmem_shared>>
      tpu.enqueue_indirect_dma source(%arg11 : memref<64x128xf32, #tpu.memory_space<vmem>>) target(%dma_start3A_91 : memref<10112x128xf32, #tpu.memory_space<vmem_shared>>) offsets(%dma_start3A_88 : memref<64xi32, #tpu.memory_space<vmem>>) semaphore(%arg22 : memref<!tpu.dma_semaphore, #tpu.memory_space<semaphore_mem>>) {add = true}
      %add3A_92 = arith.constant 1 : i32
      %add3A_93 = arith.addi %mul3A_76, %add3A_92 : i32
      %dma_wait3A_94 = arith.constant 0 : i32
      %dma_wait3A_95 = tpu.memref_slice %arg7[%add3A_93, %dma_wait3A_94] : memref<10x64xi32, #tpu.memory_space<vmem>> -> memref<1x64xi32, #tpu.memory_space<vmem>>
      %dma_wait3A_96 = tpu.memref_squeeze %dma_wait3A_95 : memref<1x64xi32, #tpu.memory_space<vmem>> -> memref<64xi32, #tpu.memory_space<vmem>>
      %dma_wait3A_97 = arith.constant 0 : i32
      %dma_wait3A_98 = arith.constant 0 : i32
      %dma_wait3A_99 = tpu.memref_slice %arg2[%dma_wait3A_97, %dma_wait3A_98] : memref<10000x128xf32, #tpu.memory_space<hbm>> -> memref<10000x128xf32, #tpu.memory_space<hbm>>
      tpu.wait_indirect_dma semaphore(%arg18 : memref<!tpu.dma_semaphore, #tpu.memory_space<semaphore_mem>>) src(%dma_wait3A_99 : memref<10000x128xf32, #tpu.memory_space<hbm>>) dst(%arg12 : memref<64x128xf32, #tpu.memory_space<vmem>>)
      %add3A_100 = arith.constant 1 : i32
      %add3A_101 = arith.addi %mul3A_76, %add3A_100 : i32
      %dma_start3A_102 = arith.constant 0 : i32
      %dma_start3A_103 = tpu.memref_slice %arg9[%add3A_101, %dma_start3A_102] : memref<10x64xi32, #tpu.memory_space<vmem>> -> memref<1x64xi32, #tpu.memory_space<vmem>>
      %dma_start3A_104 = tpu.memref_squeeze %dma_start3A_103 : memref<1x64xi32, #tpu.memory_space<vmem>> -> memref<64xi32, #tpu.memory_space<vmem>>
      %dma_start3A_105 = arith.constant 0 : i32
      %dma_start3A_106 = arith.constant 0 : i32
      %dma_start3A_107 = tpu.memref_slice %arg16[%dma_start3A_105, %dma_start3A_106] : memref<10112x128xf32, #tpu.memory_space<vmem_shared>> -> memref<10112x128xf32, #tpu.memory_space<vmem_shared>>
      tpu.enqueue_indirect_dma source(%arg12 : memref<64x128xf32, #tpu.memory_space<vmem>>) target(%dma_start3A_107 : memref<10112x128xf32, #tpu.memory_space<vmem_shared>>) offsets(%dma_start3A_104 : memref<64xi32, #tpu.memory_space<vmem>>) semaphore(%arg23 : memref<!tpu.dma_semaphore, #tpu.memory_space<semaphore_mem>>) {add = true}
      %add3A_108 = arith.constant 2 : i32
      %add3A_109 = arith.addi %mul3A_76, %add3A_108 : i32
      %dma_wait3A_110 = arith.constant 0 : i32
      %dma_wait3A_111 = tpu.memref_slice %arg7[%add3A_109, %dma_wait3A_110] : memref<10x64xi32, #tpu.memory_space<vmem>> -> memref<1x64xi32, #tpu.memory_space<vmem>>
      %dma_wait3A_112 = tpu.memref_squeeze %dma_wait3A_111 : memref<1x64xi32, #tpu.memory_space<vmem>> -> memref<64xi32, #tpu.memory_space<vmem>>
      %dma_wait3A_113 = arith.constant 0 : i32
      %dma_wait3A_114 = arith.constant 0 : i32
      %dma_wait3A_115 = tpu.memref_slice %arg2[%dma_wait3A_113, %dma_wait3A_114] : memref<10000x128xf32, #tpu.memory_space<hbm>> -> memref<10000x128xf32, #tpu.memory_space<hbm>>
      tpu.wait_indirect_dma semaphore(%arg19 : memref<!tpu.dma_semaphore, #tpu.memory_space<semaphore_mem>>) src(%dma_wait3A_115 : memref<10000x128xf32, #tpu.memory_space<hbm>>) dst(%arg13 : memref<64x128xf32, #tpu.memory_space<vmem>>)
      %add3A_116 = arith.constant 2 : i32
      %add3A_117 = arith.addi %mul3A_76, %add3A_116 : i32
      %dma_start3A_118 = arith.constant 0 : i32
      %dma_start3A_119 = tpu.memref_slice %arg9[%add3A_117, %dma_start3A_118] : memref<10x64xi32, #tpu.memory_space<vmem>> -> memref<1x64xi32, #tpu.memory_space<vmem>>
      %dma_start3A_120 = tpu.memref_squeeze %dma_start3A_119 : memref<1x64xi32, #tpu.memory_space<vmem>> -> memref<64xi32, #tpu.memory_space<vmem>>
      %dma_start3A_121 = arith.constant 0 : i32
      %dma_start3A_122 = arith.constant 0 : i32
      %dma_start3A_123 = tpu.memref_slice %arg16[%dma_start3A_121, %dma_start3A_122] : memref<10112x128xf32, #tpu.memory_space<vmem_shared>> -> memref<10112x128xf32, #tpu.memory_space<vmem_shared>>
      tpu.enqueue_indirect_dma source(%arg13 : memref<64x128xf32, #tpu.memory_space<vmem>>) target(%dma_start3A_123 : memref<10112x128xf32, #tpu.memory_space<vmem_shared>>) offsets(%dma_start3A_120 : memref<64xi32, #tpu.memory_space<vmem>>) semaphore(%arg24 : memref<!tpu.dma_semaphore, #tpu.memory_space<semaphore_mem>>) {add = true}
      %add3A_124 = arith.constant 3 : i32
      %add3A_125 = arith.addi %mul3A_76, %add3A_124 : i32
      %dma_wait3A_126 = arith.constant 0 : i32
      %dma_wait3A_127 = tpu.memref_slice %arg7[%add3A_125, %dma_wait3A_126] : memref<10x64xi32, #tpu.memory_space<vmem>> -> memref<1x64xi32, #tpu.memory_space<vmem>>
      %dma_wait3A_128 = tpu.memref_squeeze %dma_wait3A_127 : memref<1x64xi32, #tpu.memory_space<vmem>> -> memref<64xi32, #tpu.memory_space<vmem>>
      %dma_wait3A_129 = arith.constant 0 : i32
      %dma_wait3A_130 = arith.constant 0 : i32
      %dma_wait3A_131 = tpu.memref_slice %arg2[%dma_wait3A_129, %dma_wait3A_130] : memref<10000x128xf32, #tpu.memory_space<hbm>> -> memref<10000x128xf32, #tpu.memory_space<hbm>>
      tpu.wait_indirect_dma semaphore(%arg20 : memref<!tpu.dma_semaphore, #tpu.memory_space<semaphore_mem>>) src(%dma_wait3A_131 : memref<10000x128xf32, #tpu.memory_space<hbm>>) dst(%arg14 : memref<64x128xf32, #tpu.memory_space<vmem>>)
      %add3A_132 = arith.constant 3 : i32
      %add3A_133 = arith.addi %mul3A_76, %add3A_132 : i32
      %dma_start3A_134 = arith.constant 0 : i32
      %dma_start3A_135 = tpu.memref_slice %arg9[%add3A_133, %dma_start3A_134] : memref<10x64xi32, #tpu.memory_space<vmem>> -> memref<1x64xi32, #tpu.memory_space<vmem>>
      %dma_start3A_136 = tpu.memref_squeeze %dma_start3A_135 : memref<1x64xi32, #tpu.memory_space<vmem>> -> memref<64xi32, #tpu.memory_space<vmem>>
      %dma_start3A_137 = arith.constant 0 : i32
      %dma_start3A_138 = arith.constant 0 : i32
      %dma_start3A_139 = tpu.memref_slice %arg16[%dma_start3A_137, %dma_start3A_138] : memref<10112x128xf32, #tpu.memory_space<vmem_shared>> -> memref<10112x128xf32, #tpu.memory_space<vmem_shared>>
      tpu.enqueue_indirect_dma source(%arg14 : memref<64x128xf32, #tpu.memory_space<vmem>>) target(%dma_start3A_139 : memref<10112x128xf32, #tpu.memory_space<vmem_shared>>) offsets(%dma_start3A_136 : memref<64xi32, #tpu.memory_space<vmem>>) semaphore(%arg25 : memref<!tpu.dma_semaphore, #tpu.memory_space<semaphore_mem>>) {add = true}
      %add3A_140 = arith.constant 4 : i32
      %add3A_141 = arith.addi %mul3A_76, %add3A_140 : i32
      %dma_wait3A_142 = arith.constant 0 : i32
      %dma_wait3A_143 = tpu.memref_slice %arg7[%add3A_141, %dma_wait3A_142] : memref<10x64xi32, #tpu.memory_space<vmem>> -> memref<1x64xi32, #tpu.memory_space<vmem>>
      %dma_wait3A_144 = tpu.memref_squeeze %dma_wait3A_143 : memref<1x64xi32, #tpu.memory_space<vmem>> -> memref<64xi32, #tpu.memory_space<vmem>>
      %dma_wait3A_145 = arith.constant 0 : i32
      %dma_wait3A_146 = arith.constant 0 : i32
      %dma_wait3A_147 = tpu.memref_slice %arg2[%dma_wait3A_145, %dma_wait3A_146] : memref<10000x128xf32, #tpu.memory_space<hbm>> -> memref<10000x128xf32, #tpu.memory_space<hbm>>
      tpu.wait_indirect_dma semaphore(%arg21 : memref<!tpu.dma_semaphore, #tpu.memory_space<semaphore_mem>>) src(%dma_wait3A_147 : memref<10000x128xf32, #tpu.memory_space<hbm>>) dst(%arg15 : memref<64x128xf32, #tpu.memory_space<vmem>>)
      %add3A_148 = arith.constant 4 : i32
      %add3A_149 = arith.addi %mul3A_76, %add3A_148 : i32
      %dma_start3A_150 = arith.constant 0 : i32
      %dma_start3A_151 = tpu.memref_slice %arg9[%add3A_149, %dma_start3A_150] : memref<10x64xi32, #tpu.memory_space<vmem>> -> memref<1x64xi32, #tpu.memory_space<vmem>>
      %dma_start3A_152 = tpu.memref_squeeze %dma_start3A_151 : memref<1x64xi32, #tpu.memory_space<vmem>> -> memref<64xi32, #tpu.memory_space<vmem>>
      %dma_start3A_153 = arith.constant 0 : i32
      %dma_start3A_154 = arith.constant 0 : i32
      %dma_start3A_155 = tpu.memref_slice %arg16[%dma_start3A_153, %dma_start3A_154] : memref<10112x128xf32, #tpu.memory_space<vmem_shared>> -> memref<10112x128xf32, #tpu.memory_space<vmem_shared>>
      tpu.enqueue_indirect_dma source(%arg15 : memref<64x128xf32, #tpu.memory_space<vmem>>) target(%dma_start3A_155 : memref<10112x128xf32, #tpu.memory_space<vmem_shared>>) offsets(%dma_start3A_152 : memref<64xi32, #tpu.memory_space<vmem>>) semaphore(%arg26 : memref<!tpu.dma_semaphore, #tpu.memory_space<semaphore_mem>>) {add = true}
      %add3A_156 = arith.constant 0 : i32
      %add3A_157 = arith.addi %mul3A_76, %add3A_156 : i32
      %dma_wait3A_158 = arith.constant 0 : i32
      %dma_wait3A_159 = tpu.memref_slice %arg9[%add3A_157, %dma_wait3A_158] : memref<10x64xi32, #tpu.memory_space<vmem>> -> memref<1x64xi32, #tpu.memory_space<vmem>>
      %dma_wait3A_160 = tpu.memref_squeeze %dma_wait3A_159 : memref<1x64xi32, #tpu.memory_space<vmem>> -> memref<64xi32, #tpu.memory_space<vmem>>
      %dma_wait3A_161 = arith.constant 0 : i32
      %dma_wait3A_162 = arith.constant 0 : i32
      %dma_wait3A_163 = tpu.memref_slice %arg16[%dma_wait3A_161, %dma_wait3A_162] : memref<10112x128xf32, #tpu.memory_space<vmem_shared>> -> memref<10112x128xf32, #tpu.memory_space<vmem_shared>>
      tpu.wait_indirect_dma semaphore(%arg22 : memref<!tpu.dma_semaphore, #tpu.memory_space<semaphore_mem>>) src(%arg11 : memref<64x128xf32, #tpu.memory_space<vmem>>) dst(%dma_wait3A_163 : memref<10112x128xf32, #tpu.memory_space<vmem_shared>>)
      %add3A_164 = arith.constant 5 : i32
      %add3A_165 = arith.addi %mul3A_76, %add3A_164 : i32
      %add3A_166 = arith.constant 0 : i32
      %add3A_167 = arith.addi %add3A_165, %add3A_166 : i32
      %dma_start3A_168 = arith.constant 0 : i32
      %dma_start3A_169 = tpu.memref_slice %arg7[%add3A_167, %dma_start3A_168] : memref<10x64xi32, #tpu.memory_space<vmem>> -> memref<1x64xi32, #tpu.memory_space<vmem>>
      %dma_start3A_170 = tpu.memref_squeeze %dma_start3A_169 : memref<1x64xi32, #tpu.memory_space<vmem>> -> memref<64xi32, #tpu.memory_space<vmem>>
      %dma_start3A_171 = arith.constant 0 : i32
      %dma_start3A_172 = arith.constant 0 : i32
      %dma_start3A_173 = tpu.memref_slice %arg2[%dma_start3A_171, %dma_start3A_172] : memref<10000x128xf32, #tpu.memory_space<hbm>> -> memref<10000x128xf32, #tpu.memory_space<hbm>>
      tpu.enqueue_indirect_dma source(%dma_start3A_173 : memref<10000x128xf32, #tpu.memory_space<hbm>>) target(%arg11 : memref<64x128xf32, #tpu.memory_space<vmem>>) offsets(%dma_start3A_170 : memref<64xi32, #tpu.memory_space<vmem>>) semaphore(%arg17 : memref<!tpu.dma_semaphore, #tpu.memory_space<semaphore_mem>>)
      %add3A_174 = arith.constant 1 : i32
      %add3A_175 = arith.addi %mul3A_76, %add3A_174 : i32
      %dma_wait3A_176 = arith.constant 0 : i32
      %dma_wait3A_177 = tpu.memref_slice %arg9[%add3A_175, %dma_wait3A_176] : memref<10x64xi32, #tpu.memory_space<vmem>> -> memref<1x64xi32, #tpu.memory_space<vmem>>
      %dma_wait3A_178 = tpu.memref_squeeze %dma_wait3A_177 : memref<1x64xi32, #tpu.memory_space<vmem>> -> memref<64xi32, #tpu.memory_space<vmem>>
      %dma_wait3A_179 = arith.constant 0 : i32
      %dma_wait3A_180 = arith.constant 0 : i32
      %dma_wait3A_181 = tpu.memref_slice %arg16[%dma_wait3A_179, %dma_wait3A_180] : memref<10112x128xf32, #tpu.memory_space<vmem_shared>> -> memref<10112x128xf32, #tpu.memory_space<vmem_shared>>
      tpu.wait_indirect_dma semaphore(%arg23 : memref<!tpu.dma_semaphore, #tpu.memory_space<semaphore_mem>>) src(%arg12 : memref<64x128xf32, #tpu.memory_space<vmem>>) dst(%dma_wait3A_181 : memref<10112x128xf32, #tpu.memory_space<vmem_shared>>)
      %add3A_182 = arith.constant 5 : i32
      %add3A_183 = arith.addi %mul3A_76, %add3A_182 : i32
      %add3A_184 = arith.constant 1 : i32
      %add3A_185 = arith.addi %add3A_183, %add3A_184 : i32
      %dma_start3A_186 = arith.constant 0 : i32
      %dma_start3A_187 = tpu.memref_slice %arg7[%add3A_185, %dma_start3A_186] : memref<10x64xi32, #tpu.memory_space<vmem>> -> memref<1x64xi32, #tpu.memory_space<vmem>>
      %dma_start3A_188 = tpu.memref_squeeze %dma_start3A_187 : memref<1x64xi32, #tpu.memory_space<vmem>> -> memref<64xi32, #tpu.memory_space<vmem>>
      %dma_start3A_189 = arith.constant 0 : i32
      %dma_start3A_190 = arith.constant 0 : i32
      %dma_start3A_191 = tpu.memref_slice %arg2[%dma_start3A_189, %dma_start3A_190] : memref<10000x128xf32, #tpu.memory_space<hbm>> -> memref<10000x128xf32, #tpu.memory_space<hbm>>
      tpu.enqueue_indirect_dma source(%dma_start3A_191 : memref<10000x128xf32, #tpu.memory_space<hbm>>) target(%arg12 : memref<64x128xf32, #tpu.memory_space<vmem>>) offsets(%dma_start3A_188 : memref<64xi32, #tpu.memory_space<vmem>>) semaphore(%arg18 : memref<!tpu.dma_semaphore, #tpu.memory_space<semaphore_mem>>)
      %add3A_192 = arith.constant 2 : i32
      %add3A_193 = arith.addi %mul3A_76, %add3A_192 : i32
      %dma_wait3A_194 = arith.constant 0 : i32
      %dma_wait3A_195 = tpu.memref_slice %arg9[%add3A_193, %dma_wait3A_194] : memref<10x64xi32, #tpu.memory_space<vmem>> -> memref<1x64xi32, #tpu.memory_space<vmem>>
      %dma_wait3A_196 = tpu.memref_squeeze %dma_wait3A_195 : memref<1x64xi32, #tpu.memory_space<vmem>> -> memref<64xi32, #tpu.memory_space<vmem>>
      %dma_wait3A_197 = arith.constant 0 : i32
      %dma_wait3A_198 = arith.constant 0 : i32
      %dma_wait3A_199 = tpu.memref_slice %arg16[%dma_wait3A_197, %dma_wait3A_198] : memref<10112x128xf32, #tpu.memory_space<vmem_shared>> -> memref<10112x128xf32, #tpu.memory_space<vmem_shared>>
      tpu.wait_indirect_dma semaphore(%arg24 : memref<!tpu.dma_semaphore, #tpu.memory_space<semaphore_mem>>) src(%arg13 : memref<64x128xf32, #tpu.memory_space<vmem>>) dst(%dma_wait3A_199 : memref<10112x128xf32, #tpu.memory_space<vmem_shared>>)
      %add3A_200 = arith.constant 5 : i32
      %add3A_201 = arith.addi %mul3A_76, %add3A_200 : i32
      %add3A_202 = arith.constant 2 : i32
      %add3A_203 = arith.addi %add3A_201, %add3A_202 : i32
      %dma_start3A_204 = arith.constant 0 : i32
      %dma_start3A_205 = tpu.memref_slice %arg7[%add3A_203, %dma_start3A_204] : memref<10x64xi32, #tpu.memory_space<vmem>> -> memref<1x64xi32, #tpu.memory_space<vmem>>
      %dma_start3A_206 = tpu.memref_squeeze %dma_start3A_205 : memref<1x64xi32, #tpu.memory_space<vmem>> -> memref<64xi32, #tpu.memory_space<vmem>>
      %dma_start3A_207 = arith.constant 0 : i32
      %dma_start3A_208 = arith.constant 0 : i32
      %dma_start3A_209 = tpu.memref_slice %arg2[%dma_start3A_207, %dma_start3A_208] : memref<10000x128xf32, #tpu.memory_space<hbm>> -> memref<10000x128xf32, #tpu.memory_space<hbm>>
      tpu.enqueue_indirect_dma source(%dma_start3A_209 : memref<10000x128xf32, #tpu.memory_space<hbm>>) target(%arg13 : memref<64x128xf32, #tpu.memory_space<vmem>>) offsets(%dma_start3A_206 : memref<64xi32, #tpu.memory_space<vmem>>) semaphore(%arg19 : memref<!tpu.dma_semaphore, #tpu.memory_space<semaphore_mem>>)
      %add3A_210 = arith.constant 3 : i32
      %add3A_211 = arith.addi %mul3A_76, %add3A_210 : i32
      %dma_wait3A_212 = arith.constant 0 : i32
      %dma_wait3A_213 = tpu.memref_slice %arg9[%add3A_211, %dma_wait3A_212] : memref<10x64xi32, #tpu.memory_space<vmem>> -> memref<1x64xi32, #tpu.memory_space<vmem>>
      %dma_wait3A_214 = tpu.memref_squeeze %dma_wait3A_213 : memref<1x64xi32, #tpu.memory_space<vmem>> -> memref<64xi32, #tpu.memory_space<vmem>>
      %dma_wait3A_215 = arith.constant 0 : i32
      %dma_wait3A_216 = arith.constant 0 : i32
      %dma_wait3A_217 = tpu.memref_slice %arg16[%dma_wait3A_215, %dma_wait3A_216] : memref<10112x128xf32, #tpu.memory_space<vmem_shared>> -> memref<10112x128xf32, #tpu.memory_space<vmem_shared>>
      tpu.wait_indirect_dma semaphore(%arg25 : memref<!tpu.dma_semaphore, #tpu.memory_space<semaphore_mem>>) src(%arg14 : memref<64x128xf32, #tpu.memory_space<vmem>>) dst(%dma_wait3A_217 : memref<10112x128xf32, #tpu.memory_space<vmem_shared>>)
      %add3A_218 = arith.constant 5 : i32
      %add3A_219 = arith.addi %mul3A_76, %add3A_218 : i32
      %add3A_220 = arith.constant 3 : i32
      %add3A_221 = arith.addi %add3A_219, %add3A_220 : i32
      %dma_start3A_222 = arith.constant 0 : i32
      %dma_start3A_223 = tpu.memref_slice %arg7[%add3A_221, %dma_start3A_222] : memref<10x64xi32, #tpu.memory_space<vmem>> -> memref<1x64xi32, #tpu.memory_space<vmem>>
      %dma_start3A_224 = tpu.memref_squeeze %dma_start3A_223 : memref<1x64xi32, #tpu.memory_space<vmem>> -> memref<64xi32, #tpu.memory_space<vmem>>
      %dma_start3A_225 = arith.constant 0 : i32
      %dma_start3A_226 = arith.constant 0 : i32
      %dma_start3A_227 = tpu.memref_slice %arg2[%dma_start3A_225, %dma_start3A_226] : memref<10000x128xf32, #tpu.memory_space<hbm>> -> memref<10000x128xf32, #tpu.memory_space<hbm>>
      tpu.enqueue_indirect_dma source(%dma_start3A_227 : memref<10000x128xf32, #tpu.memory_space<hbm>>) target(%arg14 : memref<64x128xf32, #tpu.memory_space<vmem>>) offsets(%dma_start3A_224 : memref<64xi32, #tpu.memory_space<vmem>>) semaphore(%arg20 : memref<!tpu.dma_semaphore, #tpu.memory_space<semaphore_mem>>)
      %add3A_228 = arith.constant 4 : i32
      %add3A_229 = arith.addi %mul3A_76, %add3A_228 : i32
      %dma_wait3A_230 = arith.constant 0 : i32
      %dma_wait3A_231 = tpu.memref_slice %arg9[%add3A_229, %dma_wait3A_230] : memref<10x64xi32, #tpu.memory_space<vmem>> -> memref<1x64xi32, #tpu.memory_space<vmem>>
      %dma_wait3A_232 = tpu.memref_squeeze %dma_wait3A_231 : memref<1x64xi32, #tpu.memory_space<vmem>> -> memref<64xi32, #tpu.memory_space<vmem>>
      %dma_wait3A_233 = arith.constant 0 : i32
      %dma_wait3A_234 = arith.constant 0 : i32
      %dma_wait3A_235 = tpu.memref_slice %arg16[%dma_wait3A_233, %dma_wait3A_234] : memref<10112x128xf32, #tpu.memory_space<vmem_shared>> -> memref<10112x128xf32, #tpu.memory_space<vmem_shared>>
      tpu.wait_indirect_dma semaphore(%arg26 : memref<!tpu.dma_semaphore, #tpu.memory_space<semaphore_mem>>) src(%arg15 : memref<64x128xf32, #tpu.memory_space<vmem>>) dst(%dma_wait3A_235 : memref<10112x128xf32, #tpu.memory_space<vmem_shared>>)
      %add3A_236 = arith.constant 5 : i32
      %add3A_237 = arith.addi %mul3A_76, %add3A_236 : i32
      %add3A_238 = arith.constant 4 : i32
      %add3A_239 = arith.addi %add3A_237, %add3A_238 : i32
      %dma_start3A_240 = arith.constant 0 : i32
      %dma_start3A_241 = tpu.memref_slice %arg7[%add3A_239, %dma_start3A_240] : memref<10x64xi32, #tpu.memory_space<vmem>> -> memref<1x64xi32, #tpu.memory_space<vmem>>
      %dma_start3A_242 = tpu.memref_squeeze %dma_start3A_241 : memref<1x64xi32, #tpu.memory_space<vmem>> -> memref<64xi32, #tpu.memory_space<vmem>>
      %dma_start3A_243 = arith.constant 0 : i32
      %dma_start3A_244 = arith.constant 0 : i32
      %dma_start3A_245 = tpu.memref_slice %arg2[%dma_start3A_243, %dma_start3A_244] : memref<10000x128xf32, #tpu.memory_space<hbm>> -> memref<10000x128xf32, #tpu.memory_space<hbm>>
      tpu.enqueue_indirect_dma source(%dma_start3A_245 : memref<10000x128xf32, #tpu.memory_space<hbm>>) target(%arg15 : memref<64x128xf32, #tpu.memory_space<vmem>>) offsets(%dma_start3A_242 : memref<64xi32, #tpu.memory_space<vmem>>) semaphore(%arg21 : memref<!tpu.dma_semaphore, #tpu.memory_space<semaphore_mem>>)
      %scan3A_246 = arith.constant 0 : i32
      %scan3A_247 = arith.constant 1 : i32
      %add3A_248 = arith.constant 1 : i32
      %add3A_249 = arith.addi %mul3A_72, %add3A_248 : i32
      %lt3A = arith.constant 16 : i32
      %lt3A_250 = arith.cmpi slt, %add3A_249, %lt3A : i32
      %convert_element_type3A = arith.extui %lt3A_250 : i1 to i32
      %cond3A = arith.constant 0 : i32
      %cond3A_251 = arith.cmpi ne, %convert_element_type3A, %cond3A : i32
      scf.if %cond3A_251 {
        %add3A_694 = arith.constant 1 : i32
        %add3A_695 = arith.addi %mul3A_72, %add3A_694 : i32
        %dma_wait3A_696 = arith.constant 0 : i32
        %dma_wait3A_697 = arith.constant 0 : i32
        %dma_wait3A_698 = tpu.memref_slice %arg3[%add3A, %add3A_695, %dma_wait3A_696, %dma_wait3A_697] : memref<32x16x10x64xi32, #tpu.memory_space<hbm>> -> memref<1x1x10x64xi32, #tpu.memory_space<hbm>>
        %dma_wait3A_699 = tpu.memref_squeeze %dma_wait3A_698 : memref<1x1x10x64xi32, #tpu.memory_space<hbm>> -> memref<10x64xi32, #tpu.memory_space<hbm>>
        %dma_wait3A_700 = arith.constant 0 : i32
        %dma_wait3A_701 = arith.constant 0 : i32
        %dma_wait3A_702 = tpu.memref_slice %arg3[%add3A, %add3A_695, %dma_wait3A_700, %dma_wait3A_701] : memref<32x16x10x64xi32, #tpu.memory_space<hbm>> -> memref<1x1x10x64xi32, #tpu.memory_space<hbm>>
        %dma_wait3A_703 = tpu.memref_squeeze %dma_wait3A_702 : memref<1x1x10x64xi32, #tpu.memory_space<hbm>> -> memref<10x64xi32, #tpu.memory_space<hbm>>
        tpu.wait_dma2 semaphore(%arg28 : memref<!tpu.dma_semaphore, #tpu.memory_space<semaphore_mem>>) src(%dma_wait3A_703 : memref<10x64xi32, #tpu.memory_space<hbm>>) dst(%arg8 : memref<10x64xi32, #tpu.memory_space<vmem>>)
        %dma_wait3A_704 = arith.constant 0 : i32
        %dma_wait3A_705 = arith.constant 0 : i32
        %dma_wait3A_706 = tpu.memref_slice %arg4[%add3A, %add3A_695, %dma_wait3A_704, %dma_wait3A_705] : memref<32x16x10x64xi32, #tpu.memory_space<hbm>> -> memref<1x1x10x64xi32, #tpu.memory_space<hbm>>
        %dma_wait3A_707 = tpu.memref_squeeze %dma_wait3A_706 : memref<1x1x10x64xi32, #tpu.memory_space<hbm>> -> memref<10x64xi32, #tpu.memory_space<hbm>>
        %dma_wait3A_708 = arith.constant 0 : i32
        %dma_wait3A_709 = arith.constant 0 : i32
        %dma_wait3A_710 = tpu.memref_slice %arg4[%add3A, %add3A_695, %dma_wait3A_708, %dma_wait3A_709] : memref<32x16x10x64xi32, #tpu.memory_space<hbm>> -> memref<1x1x10x64xi32, #tpu.memory_space<hbm>>
        %dma_wait3A_711 = tpu.memref_squeeze %dma_wait3A_710 : memref<1x1x10x64xi32, #tpu.memory_space<hbm>> -> memref<10x64xi32, #tpu.memory_space<hbm>>
        tpu.wait_dma2 semaphore(%arg28 : memref<!tpu.dma_semaphore, #tpu.memory_space<semaphore_mem>>) src(%dma_wait3A_711 : memref<10x64xi32, #tpu.memory_space<hbm>>) dst(%arg10 : memref<10x64xi32, #tpu.memory_space<vmem>>)
      } else {
      }
      %dma_wait3A_252 = arith.constant 5 : i32
      %dma_wait3A_253 = arith.constant 0 : i32
      %dma_wait3A_254 = tpu.memref_slice %arg7[%dma_wait3A_252, %dma_wait3A_253] : memref<10x64xi32, #tpu.memory_space<vmem>> -> memref<1x64xi32, #tpu.memory_space<vmem>>
      %dma_wait3A_255 = tpu.memref_squeeze %dma_wait3A_254 : memref<1x64xi32, #tpu.memory_space<vmem>> -> memref<64xi32, #tpu.memory_space<vmem>>
      %dma_wait3A_256 = arith.constant 0 : i32
      %dma_wait3A_257 = arith.constant 0 : i32
      %dma_wait3A_258 = tpu.memref_slice %arg2[%dma_wait3A_256, %dma_wait3A_257] : memref<10000x128xf32, #tpu.memory_space<hbm>> -> memref<10000x128xf32, #tpu.memory_space<hbm>>
      tpu.wait_indirect_dma semaphore(%arg17 : memref<!tpu.dma_semaphore, #tpu.memory_space<semaphore_mem>>) src(%dma_wait3A_258 : memref<10000x128xf32, #tpu.memory_space<hbm>>) dst(%arg11 : memref<64x128xf32, #tpu.memory_space<vmem>>)
      %dma_start3A_259 = arith.constant 5 : i32
      %dma_start3A_260 = arith.constant 0 : i32
      %dma_start3A_261 = tpu.memref_slice %arg9[%dma_start3A_259, %dma_start3A_260] : memref<10x64xi32, #tpu.memory_space<vmem>> -> memref<1x64xi32, #tpu.memory_space<vmem>>
      %dma_start3A_262 = tpu.memref_squeeze %dma_start3A_261 : memref<1x64xi32, #tpu.memory_space<vmem>> -> memref<64xi32, #tpu.memory_space<vmem>>
      %dma_start3A_263 = arith.constant 0 : i32
      %dma_start3A_264 = arith.constant 0 : i32
      %dma_start3A_265 = tpu.memref_slice %arg16[%dma_start3A_263, %dma_start3A_264] : memref<10112x128xf32, #tpu.memory_space<vmem_shared>> -> memref<10112x128xf32, #tpu.memory_space<vmem_shared>>
      tpu.enqueue_indirect_dma source(%arg11 : memref<64x128xf32, #tpu.memory_space<vmem>>) target(%dma_start3A_265 : memref<10112x128xf32, #tpu.memory_space<vmem_shared>>) offsets(%dma_start3A_262 : memref<64xi32, #tpu.memory_space<vmem>>) semaphore(%arg22 : memref<!tpu.dma_semaphore, #tpu.memory_space<semaphore_mem>>) {add = true}
      %dma_wait3A_266 = arith.constant 6 : i32
      %dma_wait3A_267 = arith.constant 0 : i32
      %dma_wait3A_268 = tpu.memref_slice %arg7[%dma_wait3A_266, %dma_wait3A_267] : memref<10x64xi32, #tpu.memory_space<vmem>> -> memref<1x64xi32, #tpu.memory_space<vmem>>
      %dma_wait3A_269 = tpu.memref_squeeze %dma_wait3A_268 : memref<1x64xi32, #tpu.memory_space<vmem>> -> memref<64xi32, #tpu.memory_space<vmem>>
      %dma_wait3A_270 = arith.constant 0 : i32
      %dma_wait3A_271 = arith.constant 0 : i32
      %dma_wait3A_272 = tpu.memref_slice %arg2[%dma_wait3A_270, %dma_wait3A_271] : memref<10000x128xf32, #tpu.memory_space<hbm>> -> memref<10000x128xf32, #tpu.memory_space<hbm>>
      tpu.wait_indirect_dma semaphore(%arg18 : memref<!tpu.dma_semaphore, #tpu.memory_space<semaphore_mem>>) src(%dma_wait3A_272 : memref<10000x128xf32, #tpu.memory_space<hbm>>) dst(%arg12 : memref<64x128xf32, #tpu.memory_space<vmem>>)
      %dma_start3A_273 = arith.constant 6 : i32
      %dma_start3A_274 = arith.constant 0 : i32
      %dma_start3A_275 = tpu.memref_slice %arg9[%dma_start3A_273, %dma_start3A_274] : memref<10x64xi32, #tpu.memory_space<vmem>> -> memref<1x64xi32, #tpu.memory_space<vmem>>
      %dma_start3A_276 = tpu.memref_squeeze %dma_start3A_275 : memref<1x64xi32, #tpu.memory_space<vmem>> -> memref<64xi32, #tpu.memory_space<vmem>>
      %dma_start3A_277 = arith.constant 0 : i32
      %dma_start3A_278 = arith.constant 0 : i32
      %dma_start3A_279 = tpu.memref_slice %arg16[%dma_start3A_277, %dma_start3A_278] : memref<10112x128xf32, #tpu.memory_space<vmem_shared>> -> memref<10112x128xf32, #tpu.memory_space<vmem_shared>>
      tpu.enqueue_indirect_dma source(%arg12 : memref<64x128xf32, #tpu.memory_space<vmem>>) target(%dma_start3A_279 : memref<10112x128xf32, #tpu.memory_space<vmem_shared>>) offsets(%dma_start3A_276 : memref<64xi32, #tpu.memory_space<vmem>>) semaphore(%arg23 : memref<!tpu.dma_semaphore, #tpu.memory_space<semaphore_mem>>) {add = true}
      %dma_wait3A_280 = arith.constant 7 : i32
      %dma_wait3A_281 = arith.constant 0 : i32
      %dma_wait3A_282 = tpu.memref_slice %arg7[%dma_wait3A_280, %dma_wait3A_281] : memref<10x64xi32, #tpu.memory_space<vmem>> -> memref<1x64xi32, #tpu.memory_space<vmem>>
      %dma_wait3A_283 = tpu.memref_squeeze %dma_wait3A_282 : memref<1x64xi32, #tpu.memory_space<vmem>> -> memref<64xi32, #tpu.memory_space<vmem>>
      %dma_wait3A_284 = arith.constant 0 : i32
      %dma_wait3A_285 = arith.constant 0 : i32
      %dma_wait3A_286 = tpu.memref_slice %arg2[%dma_wait3A_284, %dma_wait3A_285] : memref<10000x128xf32, #tpu.memory_space<hbm>> -> memref<10000x128xf32, #tpu.memory_space<hbm>>
      tpu.wait_indirect_dma semaphore(%arg19 : memref<!tpu.dma_semaphore, #tpu.memory_space<semaphore_mem>>) src(%dma_wait3A_286 : memref<10000x128xf32, #tpu.memory_space<hbm>>) dst(%arg13 : memref<64x128xf32, #tpu.memory_space<vmem>>)
      %dma_start3A_287 = arith.constant 7 : i32
      %dma_start3A_288 = arith.constant 0 : i32
      %dma_start3A_289 = tpu.memref_slice %arg9[%dma_start3A_287, %dma_start3A_288] : memref<10x64xi32, #tpu.memory_space<vmem>> -> memref<1x64xi32, #tpu.memory_space<vmem>>
      %dma_start3A_290 = tpu.memref_squeeze %dma_start3A_289 : memref<1x64xi32, #tpu.memory_space<vmem>> -> memref<64xi32, #tpu.memory_space<vmem>>
      %dma_start3A_291 = arith.constant 0 : i32
      %dma_start3A_292 = arith.constant 0 : i32
      %dma_start3A_293 = tpu.memref_slice %arg16[%dma_start3A_291, %dma_start3A_292] : memref<10112x128xf32, #tpu.memory_space<vmem_shared>> -> memref<10112x128xf32, #tpu.memory_space<vmem_shared>>
      tpu.enqueue_indirect_dma source(%arg13 : memref<64x128xf32, #tpu.memory_space<vmem>>) target(%dma_start3A_293 : memref<10112x128xf32, #tpu.memory_space<vmem_shared>>) offsets(%dma_start3A_290 : memref<64xi32, #tpu.memory_space<vmem>>) semaphore(%arg24 : memref<!tpu.dma_semaphore, #tpu.memory_space<semaphore_mem>>) {add = true}
      %dma_wait3A_294 = arith.constant 8 : i32
      %dma_wait3A_295 = arith.constant 0 : i32
      %dma_wait3A_296 = tpu.memref_slice %arg7[%dma_wait3A_294, %dma_wait3A_295] : memref<10x64xi32, #tpu.memory_space<vmem>> -> memref<1x64xi32, #tpu.memory_space<vmem>>
      %dma_wait3A_297 = tpu.memref_squeeze %dma_wait3A_296 : memref<1x64xi32, #tpu.memory_space<vmem>> -> memref<64xi32, #tpu.memory_space<vmem>>
      %dma_wait3A_298 = arith.constant 0 : i32
      %dma_wait3A_299 = arith.constant 0 : i32
      %dma_wait3A_300 = tpu.memref_slice %arg2[%dma_wait3A_298, %dma_wait3A_299] : memref<10000x128xf32, #tpu.memory_space<hbm>> -> memref<10000x128xf32, #tpu.memory_space<hbm>>
      tpu.wait_indirect_dma semaphore(%arg20 : memref<!tpu.dma_semaphore, #tpu.memory_space<semaphore_mem>>) src(%dma_wait3A_300 : memref<10000x128xf32, #tpu.memory_space<hbm>>) dst(%arg14 : memref<64x128xf32, #tpu.memory_space<vmem>>)
      %dma_start3A_301 = arith.constant 8 : i32
      %dma_start3A_302 = arith.constant 0 : i32
      %dma_start3A_303 = tpu.memref_slice %arg9[%dma_start3A_301, %dma_start3A_302] : memref<10x64xi32, #tpu.memory_space<vmem>> -> memref<1x64xi32, #tpu.memory_space<vmem>>
      %dma_start3A_304 = tpu.memref_squeeze %dma_start3A_303 : memref<1x64xi32, #tpu.memory_space<vmem>> -> memref<64xi32, #tpu.memory_space<vmem>>
      %dma_start3A_305 = arith.constant 0 : i32
      %dma_start3A_306 = arith.constant 0 : i32
      %dma_start3A_307 = tpu.memref_slice %arg16[%dma_start3A_305, %dma_start3A_306] : memref<10112x128xf32, #tpu.memory_space<vmem_shared>> -> memref<10112x128xf32, #tpu.memory_space<vmem_shared>>
      tpu.enqueue_indirect_dma source(%arg14 : memref<64x128xf32, #tpu.memory_space<vmem>>) target(%dma_start3A_307 : memref<10112x128xf32, #tpu.memory_space<vmem_shared>>) offsets(%dma_start3A_304 : memref<64xi32, #tpu.memory_space<vmem>>) semaphore(%arg25 : memref<!tpu.dma_semaphore, #tpu.memory_space<semaphore_mem>>) {add = true}
      %dma_wait3A_308 = arith.constant 9 : i32
      %dma_wait3A_309 = arith.constant 0 : i32
      %dma_wait3A_310 = tpu.memref_slice %arg7[%dma_wait3A_308, %dma_wait3A_309] : memref<10x64xi32, #tpu.memory_space<vmem>> -> memref<1x64xi32, #tpu.memory_space<vmem>>
      %dma_wait3A_311 = tpu.memref_squeeze %dma_wait3A_310 : memref<1x64xi32, #tpu.memory_space<vmem>> -> memref<64xi32, #tpu.memory_space<vmem>>
      %dma_wait3A_312 = arith.constant 0 : i32
      %dma_wait3A_313 = arith.constant 0 : i32
      %dma_wait3A_314 = tpu.memref_slice %arg2[%dma_wait3A_312, %dma_wait3A_313] : memref<10000x128xf32, #tpu.memory_space<hbm>> -> memref<10000x128xf32, #tpu.memory_space<hbm>>
      tpu.wait_indirect_dma semaphore(%arg21 : memref<!tpu.dma_semaphore, #tpu.memory_space<semaphore_mem>>) src(%dma_wait3A_314 : memref<10000x128xf32, #tpu.memory_space<hbm>>) dst(%arg15 : memref<64x128xf32, #tpu.memory_space<vmem>>)
      %dma_start3A_315 = arith.constant 9 : i32
      %dma_start3A_316 = arith.constant 0 : i32
      %dma_start3A_317 = tpu.memref_slice %arg9[%dma_start3A_315, %dma_start3A_316] : memref<10x64xi32, #tpu.memory_space<vmem>> -> memref<1x64xi32, #tpu.memory_space<vmem>>
      %dma_start3A_318 = tpu.memref_squeeze %dma_start3A_317 : memref<1x64xi32, #tpu.memory_space<vmem>> -> memref<64xi32, #tpu.memory_space<vmem>>
      %dma_start3A_319 = arith.constant 0 : i32
      %dma_start3A_320 = arith.constant 0 : i32
      %dma_start3A_321 = tpu.memref_slice %arg16[%dma_start3A_319, %dma_start3A_320] : memref<10112x128xf32, #tpu.memory_space<vmem_shared>> -> memref<10112x128xf32, #tpu.memory_space<vmem_shared>>
      tpu.enqueue_indirect_dma source(%arg15 : memref<64x128xf32, #tpu.memory_space<vmem>>) target(%dma_start3A_321 : memref<10112x128xf32, #tpu.memory_space<vmem_shared>>) offsets(%dma_start3A_318 : memref<64xi32, #tpu.memory_space<vmem>>) semaphore(%arg26 : memref<!tpu.dma_semaphore, #tpu.memory_space<semaphore_mem>>) {add = true}
      %dma_wait3A_322 = arith.constant 5 : i32
      %dma_wait3A_323 = arith.constant 0 : i32
      %dma_wait3A_324 = tpu.memref_slice %arg9[%dma_wait3A_322, %dma_wait3A_323] : memref<10x64xi32, #tpu.memory_space<vmem>> -> memref<1x64xi32, #tpu.memory_space<vmem>>
      %dma_wait3A_325 = tpu.memref_squeeze %dma_wait3A_324 : memref<1x64xi32, #tpu.memory_space<vmem>> -> memref<64xi32, #tpu.memory_space<vmem>>
      %dma_wait3A_326 = arith.constant 0 : i32
      %dma_wait3A_327 = arith.constant 0 : i32
      %dma_wait3A_328 = tpu.memref_slice %arg16[%dma_wait3A_326, %dma_wait3A_327] : memref<10112x128xf32, #tpu.memory_space<vmem_shared>> -> memref<10112x128xf32, #tpu.memory_space<vmem_shared>>
      tpu.wait_indirect_dma semaphore(%arg22 : memref<!tpu.dma_semaphore, #tpu.memory_space<semaphore_mem>>) src(%arg11 : memref<64x128xf32, #tpu.memory_space<vmem>>) dst(%dma_wait3A_328 : memref<10112x128xf32, #tpu.memory_space<vmem_shared>>)
      %convert_element_type3A_329 = arith.extui %lt3A_250 : i1 to i32
      %cond3A_330 = arith.constant 0 : i32
      %cond3A_331 = arith.cmpi ne, %convert_element_type3A_329, %cond3A_330 : i32
      scf.if %cond3A_331 {
        %dma_start3A_694 = arith.constant 0 : i32
        %dma_start3A_695 = arith.constant 0 : i32
        %dma_start3A_696 = tpu.memref_slice %arg8[%dma_start3A_694, %dma_start3A_695] : memref<10x64xi32, #tpu.memory_space<vmem>> -> memref<1x64xi32, #tpu.memory_space<vmem>>
        %dma_start3A_697 = tpu.memref_squeeze %dma_start3A_696 : memref<1x64xi32, #tpu.memory_space<vmem>> -> memref<64xi32, #tpu.memory_space<vmem>>
        %dma_start3A_698 = arith.constant 0 : i32
        %dma_start3A_699 = arith.constant 0 : i32
        %dma_start3A_700 = tpu.memref_slice %arg2[%dma_start3A_698, %dma_start3A_699] : memref<10000x128xf32, #tpu.memory_space<hbm>> -> memref<10000x128xf32, #tpu.memory_space<hbm>>
        tpu.enqueue_indirect_dma source(%dma_start3A_700 : memref<10000x128xf32, #tpu.memory_space<hbm>>) target(%arg11 : memref<64x128xf32, #tpu.memory_space<vmem>>) offsets(%dma_start3A_697 : memref<64xi32, #tpu.memory_space<vmem>>) semaphore(%arg17 : memref<!tpu.dma_semaphore, #tpu.memory_space<semaphore_mem>>)
      } else {
      }
      %dma_wait3A_332 = arith.constant 6 : i32
      %dma_wait3A_333 = arith.constant 0 : i32
      %dma_wait3A_334 = tpu.memref_slice %arg9[%dma_wait3A_332, %dma_wait3A_333] : memref<10x64xi32, #tpu.memory_space<vmem>> -> memref<1x64xi32, #tpu.memory_space<vmem>>
      %dma_wait3A_335 = tpu.memref_squeeze %dma_wait3A_334 : memref<1x64xi32, #tpu.memory_space<vmem>> -> memref<64xi32, #tpu.memory_space<vmem>>
      %dma_wait3A_336 = arith.constant 0 : i32
      %dma_wait3A_337 = arith.constant 0 : i32
      %dma_wait3A_338 = tpu.memref_slice %arg16[%dma_wait3A_336, %dma_wait3A_337] : memref<10112x128xf32, #tpu.memory_space<vmem_shared>> -> memref<10112x128xf32, #tpu.memory_space<vmem_shared>>
      tpu.wait_indirect_dma semaphore(%arg23 : memref<!tpu.dma_semaphore, #tpu.memory_space<semaphore_mem>>) src(%arg12 : memref<64x128xf32, #tpu.memory_space<vmem>>) dst(%dma_wait3A_338 : memref<10112x128xf32, #tpu.memory_space<vmem_shared>>)
      %convert_element_type3A_339 = arith.extui %lt3A_250 : i1 to i32
      %cond3A_340 = arith.constant 0 : i32
      %cond3A_341 = arith.cmpi ne, %convert_element_type3A_339, %cond3A_340 : i32
      scf.if %cond3A_341 {
        %dma_start3A_694 = arith.constant 1 : i32
        %dma_start3A_695 = arith.constant 0 : i32
        %dma_start3A_696 = tpu.memref_slice %arg8[%dma_start3A_694, %dma_start3A_695] : memref<10x64xi32, #tpu.memory_space<vmem>> -> memref<1x64xi32, #tpu.memory_space<vmem>>
        %dma_start3A_697 = tpu.memref_squeeze %dma_start3A_696 : memref<1x64xi32, #tpu.memory_space<vmem>> -> memref<64xi32, #tpu.memory_space<vmem>>
        %dma_start3A_698 = arith.constant 0 : i32
        %dma_start3A_699 = arith.constant 0 : i32
        %dma_start3A_700 = tpu.memref_slice %arg2[%dma_start3A_698, %dma_start3A_699] : memref<10000x128xf32, #tpu.memory_space<hbm>> -> memref<10000x128xf32, #tpu.memory_space<hbm>>
        tpu.enqueue_indirect_dma source(%dma_start3A_700 : memref<10000x128xf32, #tpu.memory_space<hbm>>) target(%arg12 : memref<64x128xf32, #tpu.memory_space<vmem>>) offsets(%dma_start3A_697 : memref<64xi32, #tpu.memory_space<vmem>>) semaphore(%arg18 : memref<!tpu.dma_semaphore, #tpu.memory_space<semaphore_mem>>)
      } else {
      }
      %dma_wait3A_342 = arith.constant 7 : i32
      %dma_wait3A_343 = arith.constant 0 : i32
      %dma_wait3A_344 = tpu.memref_slice %arg9[%dma_wait3A_342, %dma_wait3A_343] : memref<10x64xi32, #tpu.memory_space<vmem>> -> memref<1x64xi32, #tpu.memory_space<vmem>>
      %dma_wait3A_345 = tpu.memref_squeeze %dma_wait3A_344 : memref<1x64xi32, #tpu.memory_space<vmem>> -> memref<64xi32, #tpu.memory_space<vmem>>
      %dma_wait3A_346 = arith.constant 0 : i32
      %dma_wait3A_347 = arith.constant 0 : i32
      %dma_wait3A_348 = tpu.memref_slice %arg16[%dma_wait3A_346, %dma_wait3A_347] : memref<10112x128xf32, #tpu.memory_space<vmem_shared>> -> memref<10112x128xf32, #tpu.memory_space<vmem_shared>>
      tpu.wait_indirect_dma semaphore(%arg24 : memref<!tpu.dma_semaphore, #tpu.memory_space<semaphore_mem>>) src(%arg13 : memref<64x128xf32, #tpu.memory_space<vmem>>) dst(%dma_wait3A_348 : memref<10112x128xf32, #tpu.memory_space<vmem_shared>>)
      %convert_element_type3A_349 = arith.extui %lt3A_250 : i1 to i32
      %cond3A_350 = arith.constant 0 : i32
      %cond3A_351 = arith.cmpi ne, %convert_element_type3A_349, %cond3A_350 : i32
      scf.if %cond3A_351 {
        %dma_start3A_694 = arith.constant 2 : i32
        %dma_start3A_695 = arith.constant 0 : i32
        %dma_start3A_696 = tpu.memref_slice %arg8[%dma_start3A_694, %dma_start3A_695] : memref<10x64xi32, #tpu.memory_space<vmem>> -> memref<1x64xi32, #tpu.memory_space<vmem>>
        %dma_start3A_697 = tpu.memref_squeeze %dma_start3A_696 : memref<1x64xi32, #tpu.memory_space<vmem>> -> memref<64xi32, #tpu.memory_space<vmem>>
        %dma_start3A_698 = arith.constant 0 : i32
        %dma_start3A_699 = arith.constant 0 : i32
        %dma_start3A_700 = tpu.memref_slice %arg2[%dma_start3A_698, %dma_start3A_699] : memref<10000x128xf32, #tpu.memory_space<hbm>> -> memref<10000x128xf32, #tpu.memory_space<hbm>>
        tpu.enqueue_indirect_dma source(%dma_start3A_700 : memref<10000x128xf32, #tpu.memory_space<hbm>>) target(%arg13 : memref<64x128xf32, #tpu.memory_space<vmem>>) offsets(%dma_start3A_697 : memref<64xi32, #tpu.memory_space<vmem>>) semaphore(%arg19 : memref<!tpu.dma_semaphore, #tpu.memory_space<semaphore_mem>>)
      } else {
      }
      %dma_wait3A_352 = arith.constant 8 : i32
      %dma_wait3A_353 = arith.constant 0 : i32
      %dma_wait3A_354 = tpu.memref_slice %arg9[%dma_wait3A_352, %dma_wait3A_353] : memref<10x64xi32, #tpu.memory_space<vmem>> -> memref<1x64xi32, #tpu.memory_space<vmem>>
      %dma_wait3A_355 = tpu.memref_squeeze %dma_wait3A_354 : memref<1x64xi32, #tpu.memory_space<vmem>> -> memref<64xi32, #tpu.memory_space<vmem>>
      %dma_wait3A_356 = arith.constant 0 : i32
      %dma_wait3A_357 = arith.constant 0 : i32
      %dma_wait3A_358 = tpu.memref_slice %arg16[%dma_wait3A_356, %dma_wait3A_357] : memref<10112x128xf32, #tpu.memory_space<vmem_shared>> -> memref<10112x128xf32, #tpu.memory_space<vmem_shared>>
      tpu.wait_indirect_dma semaphore(%arg25 : memref<!tpu.dma_semaphore, #tpu.memory_space<semaphore_mem>>) src(%arg14 : memref<64x128xf32, #tpu.memory_space<vmem>>) dst(%dma_wait3A_358 : memref<10112x128xf32, #tpu.memory_space<vmem_shared>>)
      %convert_element_type3A_359 = arith.extui %lt3A_250 : i1 to i32
      %cond3A_360 = arith.constant 0 : i32
      %cond3A_361 = arith.cmpi ne, %convert_element_type3A_359, %cond3A_360 : i32
      scf.if %cond3A_361 {
        %dma_start3A_694 = arith.constant 3 : i32
        %dma_start3A_695 = arith.constant 0 : i32
        %dma_start3A_696 = tpu.memref_slice %arg8[%dma_start3A_694, %dma_start3A_695] : memref<10x64xi32, #tpu.memory_space<vmem>> -> memref<1x64xi32, #tpu.memory_space<vmem>>
        %dma_start3A_697 = tpu.memref_squeeze %dma_start3A_696 : memref<1x64xi32, #tpu.memory_space<vmem>> -> memref<64xi32, #tpu.memory_space<vmem>>
        %dma_start3A_698 = arith.constant 0 : i32
        %dma_start3A_699 = arith.constant 0 : i32
        %dma_start3A_700 = tpu.memref_slice %arg2[%dma_start3A_698, %dma_start3A_699] : memref<10000x128xf32, #tpu.memory_space<hbm>> -> memref<10000x128xf32, #tpu.memory_space<hbm>>
        tpu.enqueue_indirect_dma source(%dma_start3A_700 : memref<10000x128xf32, #tpu.memory_space<hbm>>) target(%arg14 : memref<64x128xf32, #tpu.memory_space<vmem>>) offsets(%dma_start3A_697 : memref<64xi32, #tpu.memory_space<vmem>>) semaphore(%arg20 : memref<!tpu.dma_semaphore, #tpu.memory_space<semaphore_mem>>)
      } else {
      }
      %dma_wait3A_362 = arith.constant 9 : i32
      %dma_wait3A_363 = arith.constant 0 : i32
      %dma_wait3A_364 = tpu.memref_slice %arg9[%dma_wait3A_362, %dma_wait3A_363] : memref<10x64xi32, #tpu.memory_space<vmem>> -> memref<1x64xi32, #tpu.memory_space<vmem>>
      %dma_wait3A_365 = tpu.memref_squeeze %dma_wait3A_364 : memref<1x64xi32, #tpu.memory_space<vmem>> -> memref<64xi32, #tpu.memory_space<vmem>>
      %dma_wait3A_366 = arith.constant 0 : i32
      %dma_wait3A_367 = arith.constant 0 : i32
      %dma_wait3A_368 = tpu.memref_slice %arg16[%dma_wait3A_366, %dma_wait3A_367] : memref<10112x128xf32, #tpu.memory_space<vmem_shared>> -> memref<10112x128xf32, #tpu.memory_space<vmem_shared>>
      tpu.wait_indirect_dma semaphore(%arg26 : memref<!tpu.dma_semaphore, #tpu.memory_space<semaphore_mem>>) src(%arg15 : memref<64x128xf32, #tpu.memory_space<vmem>>) dst(%dma_wait3A_368 : memref<10112x128xf32, #tpu.memory_space<vmem_shared>>)
      %convert_element_type3A_369 = arith.extui %lt3A_250 : i1 to i32
      %cond3A_370 = arith.constant 0 : i32
      %cond3A_371 = arith.cmpi ne, %convert_element_type3A_369, %cond3A_370 : i32
      scf.if %cond3A_371 {
        %dma_start3A_694 = arith.constant 4 : i32
        %dma_start3A_695 = arith.constant 0 : i32
        %dma_start3A_696 = tpu.memref_slice %arg8[%dma_start3A_694, %dma_start3A_695] : memref<10x64xi32, #tpu.memory_space<vmem>> -> memref<1x64xi32, #tpu.memory_space<vmem>>
        %dma_start3A_697 = tpu.memref_squeeze %dma_start3A_696 : memref<1x64xi32, #tpu.memory_space<vmem>> -> memref<64xi32, #tpu.memory_space<vmem>>
        %dma_start3A_698 = arith.constant 0 : i32
        %dma_start3A_699 = arith.constant 0 : i32
        %dma_start3A_700 = tpu.memref_slice %arg2[%dma_start3A_698, %dma_start3A_699] : memref<10000x128xf32, #tpu.memory_space<hbm>> -> memref<10000x128xf32, #tpu.memory_space<hbm>>
        tpu.enqueue_indirect_dma source(%dma_start3A_700 : memref<10000x128xf32, #tpu.memory_space<hbm>>) target(%arg15 : memref<64x128xf32, #tpu.memory_space<vmem>>) offsets(%dma_start3A_697 : memref<64xi32, #tpu.memory_space<vmem>>) semaphore(%arg21 : memref<!tpu.dma_semaphore, #tpu.memory_space<semaphore_mem>>)
      } else {
      }
      %add3A_372 = arith.constant 2 : i32
      %add3A_373 = arith.addi %mul3A_72, %add3A_372 : i32
      %lt3A_374 = arith.constant 16 : i32
      %lt3A_375 = arith.cmpi slt, %add3A_373, %lt3A_374 : i32
      %convert_element_type3A_376 = arith.extui %lt3A_375 : i1 to i32
      %cond3A_377 = arith.constant 0 : i32
      %cond3A_378 = arith.cmpi ne, %convert_element_type3A_376, %cond3A_377 : i32
      scf.if %cond3A_378 {
        %add3A_694 = arith.constant 2 : i32
        %add3A_695 = arith.addi %mul3A_72, %add3A_694 : i32
        %dma_start3A_696 = arith.constant 0 : i32
        %dma_start3A_697 = arith.constant 0 : i32
        %dma_start3A_698 = tpu.memref_slice %arg3[%add3A, %add3A_695, %dma_start3A_696, %dma_start3A_697] : memref<32x16x10x64xi32, #tpu.memory_space<hbm>> -> memref<1x1x10x64xi32, #tpu.memory_space<hbm>>
        %dma_start3A_699 = tpu.memref_squeeze %dma_start3A_698 : memref<1x1x10x64xi32, #tpu.memory_space<hbm>> -> memref<10x64xi32, #tpu.memory_space<hbm>>
        %dma_start3A_700 = arith.constant 0 : i32
        %dma_start3A_701 = arith.constant 0 : i32
        %dma_start3A_702 = tpu.memref_slice %arg3[%add3A, %add3A_695, %dma_start3A_700, %dma_start3A_701] : memref<32x16x10x64xi32, #tpu.memory_space<hbm>> -> memref<1x1x10x64xi32, #tpu.memory_space<hbm>>
        %dma_start3A_703 = tpu.memref_squeeze %dma_start3A_702 : memref<1x1x10x64xi32, #tpu.memory_space<hbm>> -> memref<10x64xi32, #tpu.memory_space<hbm>>
        tpu.enqueue_dma source(%dma_start3A_703 : memref<10x64xi32, #tpu.memory_space<hbm>>) target(%arg7 : memref<10x64xi32, #tpu.memory_space<vmem>>) target_semaphore(%arg27 : memref<!tpu.dma_semaphore, #tpu.memory_space<semaphore_mem>>)
        %dma_start3A_704 = arith.constant 0 : i32
        %dma_start3A_705 = arith.constant 0 : i32
        %dma_start3A_706 = tpu.memref_slice %arg4[%add3A, %add3A_695, %dma_start3A_704, %dma_start3A_705] : memref<32x16x10x64xi32, #tpu.memory_space<hbm>> -> memref<1x1x10x64xi32, #tpu.memory_space<hbm>>
        %dma_start3A_707 = tpu.memref_squeeze %dma_start3A_706 : memref<1x1x10x64xi32, #tpu.memory_space<hbm>> -> memref<10x64xi32, #tpu.memory_space<hbm>>
        %dma_start3A_708 = arith.constant 0 : i32
        %dma_start3A_709 = arith.constant 0 : i32
        %dma_start3A_710 = tpu.memref_slice %arg4[%add3A, %add3A_695, %dma_start3A_708, %dma_start3A_709] : memref<32x16x10x64xi32, #tpu.memory_space<hbm>> -> memref<1x1x10x64xi32, #tpu.memory_space<hbm>>
        %dma_start3A_711 = tpu.memref_squeeze %dma_start3A_710 : memref<1x1x10x64xi32, #tpu.memory_space<hbm>> -> memref<10x64xi32, #tpu.memory_space<hbm>>
        tpu.enqueue_dma source(%dma_start3A_711 : memref<10x64xi32, #tpu.memory_space<hbm>>) target(%arg9 : memref<10x64xi32, #tpu.memory_space<vmem>>) target_semaphore(%arg27 : memref<!tpu.dma_semaphore, #tpu.memory_space<semaphore_mem>>)
      } else {
      }
      %mul3A_379 = arith.constant 2 : i32
      %mul3A_380 = arith.muli %mul3A_379, %scan3A_69 : i32
      %add3A_381 = arith.constant 1 : i32
      %add3A_382 = arith.addi %mul3A_380, %add3A_381 : i32
      %scan3A_383 = arith.constant 0 : i32
      %scan3A_384 = arith.constant 0 : i32
      %mul3A_385 = arith.constant 5 : i32
      %mul3A_386 = arith.muli %scan3A_384, %mul3A_385 : i32
      %add3A_387 = arith.constant 0 : i32
      %add3A_388 = arith.addi %mul3A_386, %add3A_387 : i32
      %dma_wait3A_389 = arith.constant 0 : i32
      %dma_wait3A_390 = tpu.memref_slice %arg8[%add3A_388, %dma_wait3A_389] : memref<10x64xi32, #tpu.memory_space<vmem>> -> memref<1x64xi32, #tpu.memory_space<vmem>>
      %dma_wait3A_391 = tpu.memref_squeeze %dma_wait3A_390 : memref<1x64xi32, #tpu.memory_space<vmem>> -> memref<64xi32, #tpu.memory_space<vmem>>
      %dma_wait3A_392 = arith.constant 0 : i32
      %dma_wait3A_393 = arith.constant 0 : i32
      %dma_wait3A_394 = tpu.memref_slice %arg2[%dma_wait3A_392, %dma_wait3A_393] : memref<10000x128xf32, #tpu.memory_space<hbm>> -> memref<10000x128xf32, #tpu.memory_space<hbm>>
      tpu.wait_indirect_dma semaphore(%arg17 : memref<!tpu.dma_semaphore, #tpu.memory_space<semaphore_mem>>) src(%dma_wait3A_394 : memref<10000x128xf32, #tpu.memory_space<hbm>>) dst(%arg11 : memref<64x128xf32, #tpu.memory_space<vmem>>)
      %add3A_395 = arith.constant 0 : i32
      %add3A_396 = arith.addi %mul3A_386, %add3A_395 : i32
      %dma_start3A_397 = arith.constant 0 : i32
      %dma_start3A_398 = tpu.memref_slice %arg10[%add3A_396, %dma_start3A_397] : memref<10x64xi32, #tpu.memory_space<vmem>> -> memref<1x64xi32, #tpu.memory_space<vmem>>
      %dma_start3A_399 = tpu.memref_squeeze %dma_start3A_398 : memref<1x64xi32, #tpu.memory_space<vmem>> -> memref<64xi32, #tpu.memory_space<vmem>>
      %dma_start3A_400 = arith.constant 0 : i32
      %dma_start3A_401 = arith.constant 0 : i32
      %dma_start3A_402 = tpu.memref_slice %arg16[%dma_start3A_400, %dma_start3A_401] : memref<10112x128xf32, #tpu.memory_space<vmem_shared>> -> memref<10112x128xf32, #tpu.memory_space<vmem_shared>>
      tpu.enqueue_indirect_dma source(%arg11 : memref<64x128xf32, #tpu.memory_space<vmem>>) target(%dma_start3A_402 : memref<10112x128xf32, #tpu.memory_space<vmem_shared>>) offsets(%dma_start3A_399 : memref<64xi32, #tpu.memory_space<vmem>>) semaphore(%arg22 : memref<!tpu.dma_semaphore, #tpu.memory_space<semaphore_mem>>) {add = true}
      %add3A_403 = arith.constant 1 : i32
      %add3A_404 = arith.addi %mul3A_386, %add3A_403 : i32
      %dma_wait3A_405 = arith.constant 0 : i32
      %dma_wait3A_406 = tpu.memref_slice %arg8[%add3A_404, %dma_wait3A_405] : memref<10x64xi32, #tpu.memory_space<vmem>> -> memref<1x64xi32, #tpu.memory_space<vmem>>
      %dma_wait3A_407 = tpu.memref_squeeze %dma_wait3A_406 : memref<1x64xi32, #tpu.memory_space<vmem>> -> memref<64xi32, #tpu.memory_space<vmem>>
      %dma_wait3A_408 = arith.constant 0 : i32
      %dma_wait3A_409 = arith.constant 0 : i32
      %dma_wait3A_410 = tpu.memref_slice %arg2[%dma_wait3A_408, %dma_wait3A_409] : memref<10000x128xf32, #tpu.memory_space<hbm>> -> memref<10000x128xf32, #tpu.memory_space<hbm>>
      tpu.wait_indirect_dma semaphore(%arg18 : memref<!tpu.dma_semaphore, #tpu.memory_space<semaphore_mem>>) src(%dma_wait3A_410 : memref<10000x128xf32, #tpu.memory_space<hbm>>) dst(%arg12 : memref<64x128xf32, #tpu.memory_space<vmem>>)
      %add3A_411 = arith.constant 1 : i32
      %add3A_412 = arith.addi %mul3A_386, %add3A_411 : i32
      %dma_start3A_413 = arith.constant 0 : i32
      %dma_start3A_414 = tpu.memref_slice %arg10[%add3A_412, %dma_start3A_413] : memref<10x64xi32, #tpu.memory_space<vmem>> -> memref<1x64xi32, #tpu.memory_space<vmem>>
      %dma_start3A_415 = tpu.memref_squeeze %dma_start3A_414 : memref<1x64xi32, #tpu.memory_space<vmem>> -> memref<64xi32, #tpu.memory_space<vmem>>
      %dma_start3A_416 = arith.constant 0 : i32
      %dma_start3A_417 = arith.constant 0 : i32
      %dma_start3A_418 = tpu.memref_slice %arg16[%dma_start3A_416, %dma_start3A_417] : memref<10112x128xf32, #tpu.memory_space<vmem_shared>> -> memref<10112x128xf32, #tpu.memory_space<vmem_shared>>
      tpu.enqueue_indirect_dma source(%arg12 : memref<64x128xf32, #tpu.memory_space<vmem>>) target(%dma_start3A_418 : memref<10112x128xf32, #tpu.memory_space<vmem_shared>>) offsets(%dma_start3A_415 : memref<64xi32, #tpu.memory_space<vmem>>) semaphore(%arg23 : memref<!tpu.dma_semaphore, #tpu.memory_space<semaphore_mem>>) {add = true}
      %add3A_419 = arith.constant 2 : i32
      %add3A_420 = arith.addi %mul3A_386, %add3A_419 : i32
      %dma_wait3A_421 = arith.constant 0 : i32
      %dma_wait3A_422 = tpu.memref_slice %arg8[%add3A_420, %dma_wait3A_421] : memref<10x64xi32, #tpu.memory_space<vmem>> -> memref<1x64xi32, #tpu.memory_space<vmem>>
      %dma_wait3A_423 = tpu.memref_squeeze %dma_wait3A_422 : memref<1x64xi32, #tpu.memory_space<vmem>> -> memref<64xi32, #tpu.memory_space<vmem>>
      %dma_wait3A_424 = arith.constant 0 : i32
      %dma_wait3A_425 = arith.constant 0 : i32
      %dma_wait3A_426 = tpu.memref_slice %arg2[%dma_wait3A_424, %dma_wait3A_425] : memref<10000x128xf32, #tpu.memory_space<hbm>> -> memref<10000x128xf32, #tpu.memory_space<hbm>>
      tpu.wait_indirect_dma semaphore(%arg19 : memref<!tpu.dma_semaphore, #tpu.memory_space<semaphore_mem>>) src(%dma_wait3A_426 : memref<10000x128xf32, #tpu.memory_space<hbm>>) dst(%arg13 : memref<64x128xf32, #tpu.memory_space<vmem>>)
      %add3A_427 = arith.constant 2 : i32
      %add3A_428 = arith.addi %mul3A_386, %add3A_427 : i32
      %dma_start3A_429 = arith.constant 0 : i32
      %dma_start3A_430 = tpu.memref_slice %arg10[%add3A_428, %dma_start3A_429] : memref<10x64xi32, #tpu.memory_space<vmem>> -> memref<1x64xi32, #tpu.memory_space<vmem>>
      %dma_start3A_431 = tpu.memref_squeeze %dma_start3A_430 : memref<1x64xi32, #tpu.memory_space<vmem>> -> memref<64xi32, #tpu.memory_space<vmem>>
      %dma_start3A_432 = arith.constant 0 : i32
      %dma_start3A_433 = arith.constant 0 : i32
      %dma_start3A_434 = tpu.memref_slice %arg16[%dma_start3A_432, %dma_start3A_433] : memref<10112x128xf32, #tpu.memory_space<vmem_shared>> -> memref<10112x128xf32, #tpu.memory_space<vmem_shared>>
      tpu.enqueue_indirect_dma source(%arg13 : memref<64x128xf32, #tpu.memory_space<vmem>>) target(%dma_start3A_434 : memref<10112x128xf32, #tpu.memory_space<vmem_shared>>) offsets(%dma_start3A_431 : memref<64xi32, #tpu.memory_space<vmem>>) semaphore(%arg24 : memref<!tpu.dma_semaphore, #tpu.memory_space<semaphore_mem>>) {add = true}
      %add3A_435 = arith.constant 3 : i32
      %add3A_436 = arith.addi %mul3A_386, %add3A_435 : i32
      %dma_wait3A_437 = arith.constant 0 : i32
      %dma_wait3A_438 = tpu.memref_slice %arg8[%add3A_436, %dma_wait3A_437] : memref<10x64xi32, #tpu.memory_space<vmem>> -> memref<1x64xi32, #tpu.memory_space<vmem>>
      %dma_wait3A_439 = tpu.memref_squeeze %dma_wait3A_438 : memref<1x64xi32, #tpu.memory_space<vmem>> -> memref<64xi32, #tpu.memory_space<vmem>>
      %dma_wait3A_440 = arith.constant 0 : i32
      %dma_wait3A_441 = arith.constant 0 : i32
      %dma_wait3A_442 = tpu.memref_slice %arg2[%dma_wait3A_440, %dma_wait3A_441] : memref<10000x128xf32, #tpu.memory_space<hbm>> -> memref<10000x128xf32, #tpu.memory_space<hbm>>
      tpu.wait_indirect_dma semaphore(%arg20 : memref<!tpu.dma_semaphore, #tpu.memory_space<semaphore_mem>>) src(%dma_wait3A_442 : memref<10000x128xf32, #tpu.memory_space<hbm>>) dst(%arg14 : memref<64x128xf32, #tpu.memory_space<vmem>>)
      %add3A_443 = arith.constant 3 : i32
      %add3A_444 = arith.addi %mul3A_386, %add3A_443 : i32
      %dma_start3A_445 = arith.constant 0 : i32
      %dma_start3A_446 = tpu.memref_slice %arg10[%add3A_444, %dma_start3A_445] : memref<10x64xi32, #tpu.memory_space<vmem>> -> memref<1x64xi32, #tpu.memory_space<vmem>>
      %dma_start3A_447 = tpu.memref_squeeze %dma_start3A_446 : memref<1x64xi32, #tpu.memory_space<vmem>> -> memref<64xi32, #tpu.memory_space<vmem>>
      %dma_start3A_448 = arith.constant 0 : i32
      %dma_start3A_449 = arith.constant 0 : i32
      %dma_start3A_450 = tpu.memref_slice %arg16[%dma_start3A_448, %dma_start3A_449] : memref<10112x128xf32, #tpu.memory_space<vmem_shared>> -> memref<10112x128xf32, #tpu.memory_space<vmem_shared>>
      tpu.enqueue_indirect_dma source(%arg14 : memref<64x128xf32, #tpu.memory_space<vmem>>) target(%dma_start3A_450 : memref<10112x128xf32, #tpu.memory_space<vmem_shared>>) offsets(%dma_start3A_447 : memref<64xi32, #tpu.memory_space<vmem>>) semaphore(%arg25 : memref<!tpu.dma_semaphore, #tpu.memory_space<semaphore_mem>>) {add = true}
      %add3A_451 = arith.constant 4 : i32
      %add3A_452 = arith.addi %mul3A_386, %add3A_451 : i32
      %dma_wait3A_453 = arith.constant 0 : i32
      %dma_wait3A_454 = tpu.memref_slice %arg8[%add3A_452, %dma_wait3A_453] : memref<10x64xi32, #tpu.memory_space<vmem>> -> memref<1x64xi32, #tpu.memory_space<vmem>>
      %dma_wait3A_455 = tpu.memref_squeeze %dma_wait3A_454 : memref<1x64xi32, #tpu.memory_space<vmem>> -> memref<64xi32, #tpu.memory_space<vmem>>
      %dma_wait3A_456 = arith.constant 0 : i32
      %dma_wait3A_457 = arith.constant 0 : i32
      %dma_wait3A_458 = tpu.memref_slice %arg2[%dma_wait3A_456, %dma_wait3A_457] : memref<10000x128xf32, #tpu.memory_space<hbm>> -> memref<10000x128xf32, #tpu.memory_space<hbm>>
      tpu.wait_indirect_dma semaphore(%arg21 : memref<!tpu.dma_semaphore, #tpu.memory_space<semaphore_mem>>) src(%dma_wait3A_458 : memref<10000x128xf32, #tpu.memory_space<hbm>>) dst(%arg15 : memref<64x128xf32, #tpu.memory_space<vmem>>)
      %add3A_459 = arith.constant 4 : i32
      %add3A_460 = arith.addi %mul3A_386, %add3A_459 : i32
      %dma_start3A_461 = arith.constant 0 : i32
      %dma_start3A_462 = tpu.memref_slice %arg10[%add3A_460, %dma_start3A_461] : memref<10x64xi32, #tpu.memory_space<vmem>> -> memref<1x64xi32, #tpu.memory_space<vmem>>
      %dma_start3A_463 = tpu.memref_squeeze %dma_start3A_462 : memref<1x64xi32, #tpu.memory_space<vmem>> -> memref<64xi32, #tpu.memory_space<vmem>>
      %dma_start3A_464 = arith.constant 0 : i32
      %dma_start3A_465 = arith.constant 0 : i32
      %dma_start3A_466 = tpu.memref_slice %arg16[%dma_start3A_464, %dma_start3A_465] : memref<10112x128xf32, #tpu.memory_space<vmem_shared>> -> memref<10112x128xf32, #tpu.memory_space<vmem_shared>>
      tpu.enqueue_indirect_dma source(%arg15 : memref<64x128xf32, #tpu.memory_space<vmem>>) target(%dma_start3A_466 : memref<10112x128xf32, #tpu.memory_space<vmem_shared>>) offsets(%dma_start3A_463 : memref<64xi32, #tpu.memory_space<vmem>>) semaphore(%arg26 : memref<!tpu.dma_semaphore, #tpu.memory_space<semaphore_mem>>) {add = true}
      %add3A_467 = arith.constant 0 : i32
      %add3A_468 = arith.addi %mul3A_386, %add3A_467 : i32
      %dma_wait3A_469 = arith.constant 0 : i32
      %dma_wait3A_470 = tpu.memref_slice %arg10[%add3A_468, %dma_wait3A_469] : memref<10x64xi32, #tpu.memory_space<vmem>> -> memref<1x64xi32, #tpu.memory_space<vmem>>
      %dma_wait3A_471 = tpu.memref_squeeze %dma_wait3A_470 : memref<1x64xi32, #tpu.memory_space<vmem>> -> memref<64xi32, #tpu.memory_space<vmem>>
      %dma_wait3A_472 = arith.constant 0 : i32
      %dma_wait3A_473 = arith.constant 0 : i32
      %dma_wait3A_474 = tpu.memref_slice %arg16[%dma_wait3A_472, %dma_wait3A_473] : memref<10112x128xf32, #tpu.memory_space<vmem_shared>> -> memref<10112x128xf32, #tpu.memory_space<vmem_shared>>
      tpu.wait_indirect_dma semaphore(%arg22 : memref<!tpu.dma_semaphore, #tpu.memory_space<semaphore_mem>>) src(%arg11 : memref<64x128xf32, #tpu.memory_space<vmem>>) dst(%dma_wait3A_474 : memref<10112x128xf32, #tpu.memory_space<vmem_shared>>)
      %add3A_475 = arith.constant 5 : i32
      %add3A_476 = arith.addi %mul3A_386, %add3A_475 : i32
      %add3A_477 = arith.constant 0 : i32
      %add3A_478 = arith.addi %add3A_476, %add3A_477 : i32
      %dma_start3A_479 = arith.constant 0 : i32
      %dma_start3A_480 = tpu.memref_slice %arg8[%add3A_478, %dma_start3A_479] : memref<10x64xi32, #tpu.memory_space<vmem>> -> memref<1x64xi32, #tpu.memory_space<vmem>>
      %dma_start3A_481 = tpu.memref_squeeze %dma_start3A_480 : memref<1x64xi32, #tpu.memory_space<vmem>> -> memref<64xi32, #tpu.memory_space<vmem>>
      %dma_start3A_482 = arith.constant 0 : i32
      %dma_start3A_483 = arith.constant 0 : i32
      %dma_start3A_484 = tpu.memref_slice %arg2[%dma_start3A_482, %dma_start3A_483] : memref<10000x128xf32, #tpu.memory_space<hbm>> -> memref<10000x128xf32, #tpu.memory_space<hbm>>
      tpu.enqueue_indirect_dma source(%dma_start3A_484 : memref<10000x128xf32, #tpu.memory_space<hbm>>) target(%arg11 : memref<64x128xf32, #tpu.memory_space<vmem>>) offsets(%dma_start3A_481 : memref<64xi32, #tpu.memory_space<vmem>>) semaphore(%arg17 : memref<!tpu.dma_semaphore, #tpu.memory_space<semaphore_mem>>)
      %add3A_485 = arith.constant 1 : i32
      %add3A_486 = arith.addi %mul3A_386, %add3A_485 : i32
      %dma_wait3A_487 = arith.constant 0 : i32
      %dma_wait3A_488 = tpu.memref_slice %arg10[%add3A_486, %dma_wait3A_487] : memref<10x64xi32, #tpu.memory_space<vmem>> -> memref<1x64xi32, #tpu.memory_space<vmem>>
      %dma_wait3A_489 = tpu.memref_squeeze %dma_wait3A_488 : memref<1x64xi32, #tpu.memory_space<vmem>> -> memref<64xi32, #tpu.memory_space<vmem>>
      %dma_wait3A_490 = arith.constant 0 : i32
      %dma_wait3A_491 = arith.constant 0 : i32
      %dma_wait3A_492 = tpu.memref_slice %arg16[%dma_wait3A_490, %dma_wait3A_491] : memref<10112x128xf32, #tpu.memory_space<vmem_shared>> -> memref<10112x128xf32, #tpu.memory_space<vmem_shared>>
      tpu.wait_indirect_dma semaphore(%arg23 : memref<!tpu.dma_semaphore, #tpu.memory_space<semaphore_mem>>) src(%arg12 : memref<64x128xf32, #tpu.memory_space<vmem>>) dst(%dma_wait3A_492 : memref<10112x128xf32, #tpu.memory_space<vmem_shared>>)
      %add3A_493 = arith.constant 5 : i32
      %add3A_494 = arith.addi %mul3A_386, %add3A_493 : i32
      %add3A_495 = arith.constant 1 : i32
      %add3A_496 = arith.addi %add3A_494, %add3A_495 : i32
      %dma_start3A_497 = arith.constant 0 : i32
      %dma_start3A_498 = tpu.memref_slice %arg8[%add3A_496, %dma_start3A_497] : memref<10x64xi32, #tpu.memory_space<vmem>> -> memref<1x64xi32, #tpu.memory_space<vmem>>
      %dma_start3A_499 = tpu.memref_squeeze %dma_start3A_498 : memref<1x64xi32, #tpu.memory_space<vmem>> -> memref<64xi32, #tpu.memory_space<vmem>>
      %dma_start3A_500 = arith.constant 0 : i32
      %dma_start3A_501 = arith.constant 0 : i32
      %dma_start3A_502 = tpu.memref_slice %arg2[%dma_start3A_500, %dma_start3A_501] : memref<10000x128xf32, #tpu.memory_space<hbm>> -> memref<10000x128xf32, #tpu.memory_space<hbm>>
      tpu.enqueue_indirect_dma source(%dma_start3A_502 : memref<10000x128xf32, #tpu.memory_space<hbm>>) target(%arg12 : memref<64x128xf32, #tpu.memory_space<vmem>>) offsets(%dma_start3A_499 : memref<64xi32, #tpu.memory_space<vmem>>) semaphore(%arg18 : memref<!tpu.dma_semaphore, #tpu.memory_space<semaphore_mem>>)
      %add3A_503 = arith.constant 2 : i32
      %add3A_504 = arith.addi %mul3A_386, %add3A_503 : i32
      %dma_wait3A_505 = arith.constant 0 : i32
      %dma_wait3A_506 = tpu.memref_slice %arg10[%add3A_504, %dma_wait3A_505] : memref<10x64xi32, #tpu.memory_space<vmem>> -> memref<1x64xi32, #tpu.memory_space<vmem>>
      %dma_wait3A_507 = tpu.memref_squeeze %dma_wait3A_506 : memref<1x64xi32, #tpu.memory_space<vmem>> -> memref<64xi32, #tpu.memory_space<vmem>>
      %dma_wait3A_508 = arith.constant 0 : i32
      %dma_wait3A_509 = arith.constant 0 : i32
      %dma_wait3A_510 = tpu.memref_slice %arg16[%dma_wait3A_508, %dma_wait3A_509] : memref<10112x128xf32, #tpu.memory_space<vmem_shared>> -> memref<10112x128xf32, #tpu.memory_space<vmem_shared>>
      tpu.wait_indirect_dma semaphore(%arg24 : memref<!tpu.dma_semaphore, #tpu.memory_space<semaphore_mem>>) src(%arg13 : memref<64x128xf32, #tpu.memory_space<vmem>>) dst(%dma_wait3A_510 : memref<10112x128xf32, #tpu.memory_space<vmem_shared>>)
      %add3A_511 = arith.constant 5 : i32
      %add3A_512 = arith.addi %mul3A_386, %add3A_511 : i32
      %add3A_513 = arith.constant 2 : i32
      %add3A_514 = arith.addi %add3A_512, %add3A_513 : i32
      %dma_start3A_515 = arith.constant 0 : i32
      %dma_start3A_516 = tpu.memref_slice %arg8[%add3A_514, %dma_start3A_515] : memref<10x64xi32, #tpu.memory_space<vmem>> -> memref<1x64xi32, #tpu.memory_space<vmem>>
      %dma_start3A_517 = tpu.memref_squeeze %dma_start3A_516 : memref<1x64xi32, #tpu.memory_space<vmem>> -> memref<64xi32, #tpu.memory_space<vmem>>
      %dma_start3A_518 = arith.constant 0 : i32
      %dma_start3A_519 = arith.constant 0 : i32
      %dma_start3A_520 = tpu.memref_slice %arg2[%dma_start3A_518, %dma_start3A_519] : memref<10000x128xf32, #tpu.memory_space<hbm>> -> memref<10000x128xf32, #tpu.memory_space<hbm>>
      tpu.enqueue_indirect_dma source(%dma_start3A_520 : memref<10000x128xf32, #tpu.memory_space<hbm>>) target(%arg13 : memref<64x128xf32, #tpu.memory_space<vmem>>) offsets(%dma_start3A_517 : memref<64xi32, #tpu.memory_space<vmem>>) semaphore(%arg19 : memref<!tpu.dma_semaphore, #tpu.memory_space<semaphore_mem>>)
      %add3A_521 = arith.constant 3 : i32
      %add3A_522 = arith.addi %mul3A_386, %add3A_521 : i32
      %dma_wait3A_523 = arith.constant 0 : i32
      %dma_wait3A_524 = tpu.memref_slice %arg10[%add3A_522, %dma_wait3A_523] : memref<10x64xi32, #tpu.memory_space<vmem>> -> memref<1x64xi32, #tpu.memory_space<vmem>>
      %dma_wait3A_525 = tpu.memref_squeeze %dma_wait3A_524 : memref<1x64xi32, #tpu.memory_space<vmem>> -> memref<64xi32, #tpu.memory_space<vmem>>
      %dma_wait3A_526 = arith.constant 0 : i32
      %dma_wait3A_527 = arith.constant 0 : i32
      %dma_wait3A_528 = tpu.memref_slice %arg16[%dma_wait3A_526, %dma_wait3A_527] : memref<10112x128xf32, #tpu.memory_space<vmem_shared>> -> memref<10112x128xf32, #tpu.memory_space<vmem_shared>>
      tpu.wait_indirect_dma semaphore(%arg25 : memref<!tpu.dma_semaphore, #tpu.memory_space<semaphore_mem>>) src(%arg14 : memref<64x128xf32, #tpu.memory_space<vmem>>) dst(%dma_wait3A_528 : memref<10112x128xf32, #tpu.memory_space<vmem_shared>>)
      %add3A_529 = arith.constant 5 : i32
      %add3A_530 = arith.addi %mul3A_386, %add3A_529 : i32
      %add3A_531 = arith.constant 3 : i32
      %add3A_532 = arith.addi %add3A_530, %add3A_531 : i32
      %dma_start3A_533 = arith.constant 0 : i32
      %dma_start3A_534 = tpu.memref_slice %arg8[%add3A_532, %dma_start3A_533] : memref<10x64xi32, #tpu.memory_space<vmem>> -> memref<1x64xi32, #tpu.memory_space<vmem>>
      %dma_start3A_535 = tpu.memref_squeeze %dma_start3A_534 : memref<1x64xi32, #tpu.memory_space<vmem>> -> memref<64xi32, #tpu.memory_space<vmem>>
      %dma_start3A_536 = arith.constant 0 : i32
      %dma_start3A_537 = arith.constant 0 : i32
      %dma_start3A_538 = tpu.memref_slice %arg2[%dma_start3A_536, %dma_start3A_537] : memref<10000x128xf32, #tpu.memory_space<hbm>> -> memref<10000x128xf32, #tpu.memory_space<hbm>>
      tpu.enqueue_indirect_dma source(%dma_start3A_538 : memref<10000x128xf32, #tpu.memory_space<hbm>>) target(%arg14 : memref<64x128xf32, #tpu.memory_space<vmem>>) offsets(%dma_start3A_535 : memref<64xi32, #tpu.memory_space<vmem>>) semaphore(%arg20 : memref<!tpu.dma_semaphore, #tpu.memory_space<semaphore_mem>>)
      %add3A_539 = arith.constant 4 : i32
      %add3A_540 = arith.addi %mul3A_386, %add3A_539 : i32
      %dma_wait3A_541 = arith.constant 0 : i32
      %dma_wait3A_542 = tpu.memref_slice %arg10[%add3A_540, %dma_wait3A_541] : memref<10x64xi32, #tpu.memory_space<vmem>> -> memref<1x64xi32, #tpu.memory_space<vmem>>
      %dma_wait3A_543 = tpu.memref_squeeze %dma_wait3A_542 : memref<1x64xi32, #tpu.memory_space<vmem>> -> memref<64xi32, #tpu.memory_space<vmem>>
      %dma_wait3A_544 = arith.constant 0 : i32
      %dma_wait3A_545 = arith.constant 0 : i32
      %dma_wait3A_546 = tpu.memref_slice %arg16[%dma_wait3A_544, %dma_wait3A_545] : memref<10112x128xf32, #tpu.memory_space<vmem_shared>> -> memref<10112x128xf32, #tpu.memory_space<vmem_shared>>
      tpu.wait_indirect_dma semaphore(%arg26 : memref<!tpu.dma_semaphore, #tpu.memory_space<semaphore_mem>>) src(%arg15 : memref<64x128xf32, #tpu.memory_space<vmem>>) dst(%dma_wait3A_546 : memref<10112x128xf32, #tpu.memory_space<vmem_shared>>)
      %add3A_547 = arith.constant 5 : i32
      %add3A_548 = arith.addi %mul3A_386, %add3A_547 : i32
      %add3A_549 = arith.constant 4 : i32
      %add3A_550 = arith.addi %add3A_548, %add3A_549 : i32
      %dma_start3A_551 = arith.constant 0 : i32
      %dma_start3A_552 = tpu.memref_slice %arg8[%add3A_550, %dma_start3A_551] : memref<10x64xi32, #tpu.memory_space<vmem>> -> memref<1x64xi32, #tpu.memory_space<vmem>>
      %dma_start3A_553 = tpu.memref_squeeze %dma_start3A_552 : memref<1x64xi32, #tpu.memory_space<vmem>> -> memref<64xi32, #tpu.memory_space<vmem>>
      %dma_start3A_554 = arith.constant 0 : i32
      %dma_start3A_555 = arith.constant 0 : i32
      %dma_start3A_556 = tpu.memref_slice %arg2[%dma_start3A_554, %dma_start3A_555] : memref<10000x128xf32, #tpu.memory_space<hbm>> -> memref<10000x128xf32, #tpu.memory_space<hbm>>
      tpu.enqueue_indirect_dma source(%dma_start3A_556 : memref<10000x128xf32, #tpu.memory_space<hbm>>) target(%arg15 : memref<64x128xf32, #tpu.memory_space<vmem>>) offsets(%dma_start3A_553 : memref<64xi32, #tpu.memory_space<vmem>>) semaphore(%arg21 : memref<!tpu.dma_semaphore, #tpu.memory_space<semaphore_mem>>)
      %scan3A_557 = arith.constant 0 : i32
      %scan3A_558 = arith.constant 1 : i32
      %add3A_559 = arith.constant 1 : i32
      %add3A_560 = arith.addi %add3A_382, %add3A_559 : i32
      %lt3A_561 = arith.constant 16 : i32
      %lt3A_562 = arith.cmpi slt, %add3A_560, %lt3A_561 : i32
      %convert_element_type3A_563 = arith.extui %lt3A_562 : i1 to i32
      %cond3A_564 = arith.constant 0 : i32
      %cond3A_565 = arith.cmpi ne, %convert_element_type3A_563, %cond3A_564 : i32
      scf.if %cond3A_565 {
        %add3A_694 = arith.constant 1 : i32
        %add3A_695 = arith.addi %add3A_382, %add3A_694 : i32
        %dma_wait3A_696 = arith.constant 0 : i32
        %dma_wait3A_697 = arith.constant 0 : i32
        %dma_wait3A_698 = tpu.memref_slice %arg3[%add3A, %add3A_695, %dma_wait3A_696, %dma_wait3A_697] : memref<32x16x10x64xi32, #tpu.memory_space<hbm>> -> memref<1x1x10x64xi32, #tpu.memory_space<hbm>>
        %dma_wait3A_699 = tpu.memref_squeeze %dma_wait3A_698 : memref<1x1x10x64xi32, #tpu.memory_space<hbm>> -> memref<10x64xi32, #tpu.memory_space<hbm>>
        %dma_wait3A_700 = arith.constant 0 : i32
        %dma_wait3A_701 = arith.constant 0 : i32
        %dma_wait3A_702 = tpu.memref_slice %arg3[%add3A, %add3A_695, %dma_wait3A_700, %dma_wait3A_701] : memref<32x16x10x64xi32, #tpu.memory_space<hbm>> -> memref<1x1x10x64xi32, #tpu.memory_space<hbm>>
        %dma_wait3A_703 = tpu.memref_squeeze %dma_wait3A_702 : memref<1x1x10x64xi32, #tpu.memory_space<hbm>> -> memref<10x64xi32, #tpu.memory_space<hbm>>
        tpu.wait_dma2 semaphore(%arg27 : memref<!tpu.dma_semaphore, #tpu.memory_space<semaphore_mem>>) src(%dma_wait3A_703 : memref<10x64xi32, #tpu.memory_space<hbm>>) dst(%arg7 : memref<10x64xi32, #tpu.memory_space<vmem>>)
        %dma_wait3A_704 = arith.constant 0 : i32
        %dma_wait3A_705 = arith.constant 0 : i32
        %dma_wait3A_706 = tpu.memref_slice %arg4[%add3A, %add3A_695, %dma_wait3A_704, %dma_wait3A_705] : memref<32x16x10x64xi32, #tpu.memory_space<hbm>> -> memref<1x1x10x64xi32, #tpu.memory_space<hbm>>
        %dma_wait3A_707 = tpu.memref_squeeze %dma_wait3A_706 : memref<1x1x10x64xi32, #tpu.memory_space<hbm>> -> memref<10x64xi32, #tpu.memory_space<hbm>>
        %dma_wait3A_708 = arith.constant 0 : i32
        %dma_wait3A_709 = arith.constant 0 : i32
        %dma_wait3A_710 = tpu.memref_slice %arg4[%add3A, %add3A_695, %dma_wait3A_708, %dma_wait3A_709] : memref<32x16x10x64xi32, #tpu.memory_space<hbm>> -> memref<1x1x10x64xi32, #tpu.memory_space<hbm>>
        %dma_wait3A_711 = tpu.memref_squeeze %dma_wait3A_710 : memref<1x1x10x64xi32, #tpu.memory_space<hbm>> -> memref<10x64xi32, #tpu.memory_space<hbm>>
        tpu.wait_dma2 semaphore(%arg27 : memref<!tpu.dma_semaphore, #tpu.memory_space<semaphore_mem>>) src(%dma_wait3A_711 : memref<10x64xi32, #tpu.memory_space<hbm>>) dst(%arg9 : memref<10x64xi32, #tpu.memory_space<vmem>>)
      } else {
      }
      %dma_wait3A_566 = arith.constant 5 : i32
      %dma_wait3A_567 = arith.constant 0 : i32
      %dma_wait3A_568 = tpu.memref_slice %arg8[%dma_wait3A_566, %dma_wait3A_567] : memref<10x64xi32, #tpu.memory_space<vmem>> -> memref<1x64xi32, #tpu.memory_space<vmem>>
      %dma_wait3A_569 = tpu.memref_squeeze %dma_wait3A_568 : memref<1x64xi32, #tpu.memory_space<vmem>> -> memref<64xi32, #tpu.memory_space<vmem>>
      %dma_wait3A_570 = arith.constant 0 : i32
      %dma_wait3A_571 = arith.constant 0 : i32
      %dma_wait3A_572 = tpu.memref_slice %arg2[%dma_wait3A_570, %dma_wait3A_571] : memref<10000x128xf32, #tpu.memory_space<hbm>> -> memref<10000x128xf32, #tpu.memory_space<hbm>>
      tpu.wait_indirect_dma semaphore(%arg17 : memref<!tpu.dma_semaphore, #tpu.memory_space<semaphore_mem>>) src(%dma_wait3A_572 : memref<10000x128xf32, #tpu.memory_space<hbm>>) dst(%arg11 : memref<64x128xf32, #tpu.memory_space<vmem>>)
      %dma_start3A_573 = arith.constant 5 : i32
      %dma_start3A_574 = arith.constant 0 : i32
      %dma_start3A_575 = tpu.memref_slice %arg10[%dma_start3A_573, %dma_start3A_574] : memref<10x64xi32, #tpu.memory_space<vmem>> -> memref<1x64xi32, #tpu.memory_space<vmem>>
      %dma_start3A_576 = tpu.memref_squeeze %dma_start3A_575 : memref<1x64xi32, #tpu.memory_space<vmem>> -> memref<64xi32, #tpu.memory_space<vmem>>
      %dma_start3A_577 = arith.constant 0 : i32
      %dma_start3A_578 = arith.constant 0 : i32
      %dma_start3A_579 = tpu.memref_slice %arg16[%dma_start3A_577, %dma_start3A_578] : memref<10112x128xf32, #tpu.memory_space<vmem_shared>> -> memref<10112x128xf32, #tpu.memory_space<vmem_shared>>
      tpu.enqueue_indirect_dma source(%arg11 : memref<64x128xf32, #tpu.memory_space<vmem>>) target(%dma_start3A_579 : memref<10112x128xf32, #tpu.memory_space<vmem_shared>>) offsets(%dma_start3A_576 : memref<64xi32, #tpu.memory_space<vmem>>) semaphore(%arg22 : memref<!tpu.dma_semaphore, #tpu.memory_space<semaphore_mem>>) {add = true}
      %dma_wait3A_580 = arith.constant 6 : i32
      %dma_wait3A_581 = arith.constant 0 : i32
      %dma_wait3A_582 = tpu.memref_slice %arg8[%dma_wait3A_580, %dma_wait3A_581] : memref<10x64xi32, #tpu.memory_space<vmem>> -> memref<1x64xi32, #tpu.memory_space<vmem>>
      %dma_wait3A_583 = tpu.memref_squeeze %dma_wait3A_582 : memref<1x64xi32, #tpu.memory_space<vmem>> -> memref<64xi32, #tpu.memory_space<vmem>>
      %dma_wait3A_584 = arith.constant 0 : i32
      %dma_wait3A_585 = arith.constant 0 : i32
      %dma_wait3A_586 = tpu.memref_slice %arg2[%dma_wait3A_584, %dma_wait3A_585] : memref<10000x128xf32, #tpu.memory_space<hbm>> -> memref<10000x128xf32, #tpu.memory_space<hbm>>
      tpu.wait_indirect_dma semaphore(%arg18 : memref<!tpu.dma_semaphore, #tpu.memory_space<semaphore_mem>>) src(%dma_wait3A_586 : memref<10000x128xf32, #tpu.memory_space<hbm>>) dst(%arg12 : memref<64x128xf32, #tpu.memory_space<vmem>>)
      %dma_start3A_587 = arith.constant 6 : i32
      %dma_start3A_588 = arith.constant 0 : i32
      %dma_start3A_589 = tpu.memref_slice %arg10[%dma_start3A_587, %dma_start3A_588] : memref<10x64xi32, #tpu.memory_space<vmem>> -> memref<1x64xi32, #tpu.memory_space<vmem>>
      %dma_start3A_590 = tpu.memref_squeeze %dma_start3A_589 : memref<1x64xi32, #tpu.memory_space<vmem>> -> memref<64xi32, #tpu.memory_space<vmem>>
      %dma_start3A_591 = arith.constant 0 : i32
      %dma_start3A_592 = arith.constant 0 : i32
      %dma_start3A_593 = tpu.memref_slice %arg16[%dma_start3A_591, %dma_start3A_592] : memref<10112x128xf32, #tpu.memory_space<vmem_shared>> -> memref<10112x128xf32, #tpu.memory_space<vmem_shared>>
      tpu.enqueue_indirect_dma source(%arg12 : memref<64x128xf32, #tpu.memory_space<vmem>>) target(%dma_start3A_593 : memref<10112x128xf32, #tpu.memory_space<vmem_shared>>) offsets(%dma_start3A_590 : memref<64xi32, #tpu.memory_space<vmem>>) semaphore(%arg23 : memref<!tpu.dma_semaphore, #tpu.memory_space<semaphore_mem>>) {add = true}
      %dma_wait3A_594 = arith.constant 7 : i32
      %dma_wait3A_595 = arith.constant 0 : i32
      %dma_wait3A_596 = tpu.memref_slice %arg8[%dma_wait3A_594, %dma_wait3A_595] : memref<10x64xi32, #tpu.memory_space<vmem>> -> memref<1x64xi32, #tpu.memory_space<vmem>>
      %dma_wait3A_597 = tpu.memref_squeeze %dma_wait3A_596 : memref<1x64xi32, #tpu.memory_space<vmem>> -> memref<64xi32, #tpu.memory_space<vmem>>
      %dma_wait3A_598 = arith.constant 0 : i32
      %dma_wait3A_599 = arith.constant 0 : i32
      %dma_wait3A_600 = tpu.memref_slice %arg2[%dma_wait3A_598, %dma_wait3A_599] : memref<10000x128xf32, #tpu.memory_space<hbm>> -> memref<10000x128xf32, #tpu.memory_space<hbm>>
      tpu.wait_indirect_dma semaphore(%arg19 : memref<!tpu.dma_semaphore, #tpu.memory_space<semaphore_mem>>) src(%dma_wait3A_600 : memref<10000x128xf32, #tpu.memory_space<hbm>>) dst(%arg13 : memref<64x128xf32, #tpu.memory_space<vmem>>)
      %dma_start3A_601 = arith.constant 7 : i32
      %dma_start3A_602 = arith.constant 0 : i32
      %dma_start3A_603 = tpu.memref_slice %arg10[%dma_start3A_601, %dma_start3A_602] : memref<10x64xi32, #tpu.memory_space<vmem>> -> memref<1x64xi32, #tpu.memory_space<vmem>>
      %dma_start3A_604 = tpu.memref_squeeze %dma_start3A_603 : memref<1x64xi32, #tpu.memory_space<vmem>> -> memref<64xi32, #tpu.memory_space<vmem>>
      %dma_start3A_605 = arith.constant 0 : i32
      %dma_start3A_606 = arith.constant 0 : i32
      %dma_start3A_607 = tpu.memref_slice %arg16[%dma_start3A_605, %dma_start3A_606] : memref<10112x128xf32, #tpu.memory_space<vmem_shared>> -> memref<10112x128xf32, #tpu.memory_space<vmem_shared>>
      tpu.enqueue_indirect_dma source(%arg13 : memref<64x128xf32, #tpu.memory_space<vmem>>) target(%dma_start3A_607 : memref<10112x128xf32, #tpu.memory_space<vmem_shared>>) offsets(%dma_start3A_604 : memref<64xi32, #tpu.memory_space<vmem>>) semaphore(%arg24 : memref<!tpu.dma_semaphore, #tpu.memory_space<semaphore_mem>>) {add = true}
      %dma_wait3A_608 = arith.constant 8 : i32
      %dma_wait3A_609 = arith.constant 0 : i32
      %dma_wait3A_610 = tpu.memref_slice %arg8[%dma_wait3A_608, %dma_wait3A_609] : memref<10x64xi32, #tpu.memory_space<vmem>> -> memref<1x64xi32, #tpu.memory_space<vmem>>
      %dma_wait3A_611 = tpu.memref_squeeze %dma_wait3A_610 : memref<1x64xi32, #tpu.memory_space<vmem>> -> memref<64xi32, #tpu.memory_space<vmem>>
      %dma_wait3A_612 = arith.constant 0 : i32
      %dma_wait3A_613 = arith.constant 0 : i32
      %dma_wait3A_614 = tpu.memref_slice %arg2[%dma_wait3A_612, %dma_wait3A_613] : memref<10000x128xf32, #tpu.memory_space<hbm>> -> memref<10000x128xf32, #tpu.memory_space<hbm>>
      tpu.wait_indirect_dma semaphore(%arg20 : memref<!tpu.dma_semaphore, #tpu.memory_space<semaphore_mem>>) src(%dma_wait3A_614 : memref<10000x128xf32, #tpu.memory_space<hbm>>) dst(%arg14 : memref<64x128xf32, #tpu.memory_space<vmem>>)
      %dma_start3A_615 = arith.constant 8 : i32
      %dma_start3A_616 = arith.constant 0 : i32
      %dma_start3A_617 = tpu.memref_slice %arg10[%dma_start3A_615, %dma_start3A_616] : memref<10x64xi32, #tpu.memory_space<vmem>> -> memref<1x64xi32, #tpu.memory_space<vmem>>
      %dma_start3A_618 = tpu.memref_squeeze %dma_start3A_617 : memref<1x64xi32, #tpu.memory_space<vmem>> -> memref<64xi32, #tpu.memory_space<vmem>>
      %dma_start3A_619 = arith.constant 0 : i32
      %dma_start3A_620 = arith.constant 0 : i32
      %dma_start3A_621 = tpu.memref_slice %arg16[%dma_start3A_619, %dma_start3A_620] : memref<10112x128xf32, #tpu.memory_space<vmem_shared>> -> memref<10112x128xf32, #tpu.memory_space<vmem_shared>>
      tpu.enqueue_indirect_dma source(%arg14 : memref<64x128xf32, #tpu.memory_space<vmem>>) target(%dma_start3A_621 : memref<10112x128xf32, #tpu.memory_space<vmem_shared>>) offsets(%dma_start3A_618 : memref<64xi32, #tpu.memory_space<vmem>>) semaphore(%arg25 : memref<!tpu.dma_semaphore, #tpu.memory_space<semaphore_mem>>) {add = true}
      %dma_wait3A_622 = arith.constant 9 : i32
      %dma_wait3A_623 = arith.constant 0 : i32
      %dma_wait3A_624 = tpu.memref_slice %arg8[%dma_wait3A_622, %dma_wait3A_623] : memref<10x64xi32, #tpu.memory_space<vmem>> -> memref<1x64xi32, #tpu.memory_space<vmem>>
      %dma_wait3A_625 = tpu.memref_squeeze %dma_wait3A_624 : memref<1x64xi32, #tpu.memory_space<vmem>> -> memref<64xi32, #tpu.memory_space<vmem>>
      %dma_wait3A_626 = arith.constant 0 : i32
      %dma_wait3A_627 = arith.constant 0 : i32
      %dma_wait3A_628 = tpu.memref_slice %arg2[%dma_wait3A_626, %dma_wait3A_627] : memref<10000x128xf32, #tpu.memory_space<hbm>> -> memref<10000x128xf32, #tpu.memory_space<hbm>>
      tpu.wait_indirect_dma semaphore(%arg21 : memref<!tpu.dma_semaphore, #tpu.memory_space<semaphore_mem>>) src(%dma_wait3A_628 : memref<10000x128xf32, #tpu.memory_space<hbm>>) dst(%arg15 : memref<64x128xf32, #tpu.memory_space<vmem>>)
      %dma_start3A_629 = arith.constant 9 : i32
      %dma_start3A_630 = arith.constant 0 : i32
      %dma_start3A_631 = tpu.memref_slice %arg10[%dma_start3A_629, %dma_start3A_630] : memref<10x64xi32, #tpu.memory_space<vmem>> -> memref<1x64xi32, #tpu.memory_space<vmem>>
      %dma_start3A_632 = tpu.memref_squeeze %dma_start3A_631 : memref<1x64xi32, #tpu.memory_space<vmem>> -> memref<64xi32, #tpu.memory_space<vmem>>
      %dma_start3A_633 = arith.constant 0 : i32
      %dma_start3A_634 = arith.constant 0 : i32
      %dma_start3A_635 = tpu.memref_slice %arg16[%dma_start3A_633, %dma_start3A_634] : memref<10112x128xf32, #tpu.memory_space<vmem_shared>> -> memref<10112x128xf32, #tpu.memory_space<vmem_shared>>
      tpu.enqueue_indirect_dma source(%arg15 : memref<64x128xf32, #tpu.memory_space<vmem>>) target(%dma_start3A_635 : memref<10112x128xf32, #tpu.memory_space<vmem_shared>>) offsets(%dma_start3A_632 : memref<64xi32, #tpu.memory_space<vmem>>) semaphore(%arg26 : memref<!tpu.dma_semaphore, #tpu.memory_space<semaphore_mem>>) {add = true}
      %dma_wait3A_636 = arith.constant 5 : i32
      %dma_wait3A_637 = arith.constant 0 : i32
      %dma_wait3A_638 = tpu.memref_slice %arg10[%dma_wait3A_636, %dma_wait3A_637] : memref<10x64xi32, #tpu.memory_space<vmem>> -> memref<1x64xi32, #tpu.memory_space<vmem>>
      %dma_wait3A_639 = tpu.memref_squeeze %dma_wait3A_638 : memref<1x64xi32, #tpu.memory_space<vmem>> -> memref<64xi32, #tpu.memory_space<vmem>>
      %dma_wait3A_640 = arith.constant 0 : i32
      %dma_wait3A_641 = arith.constant 0 : i32
      %dma_wait3A_642 = tpu.memref_slice %arg16[%dma_wait3A_640, %dma_wait3A_641] : memref<10112x128xf32, #tpu.memory_space<vmem_shared>> -> memref<10112x128xf32, #tpu.memory_space<vmem_shared>>
      tpu.wait_indirect_dma semaphore(%arg22 : memref<!tpu.dma_semaphore, #tpu.memory_space<semaphore_mem>>) src(%arg11 : memref<64x128xf32, #tpu.memory_space<vmem>>) dst(%dma_wait3A_642 : memref<10112x128xf32, #tpu.memory_space<vmem_shared>>)
      %convert_element_type3A_643 = arith.extui %lt3A_562 : i1 to i32
      %cond3A_644 = arith.constant 0 : i32
      %cond3A_645 = arith.cmpi ne, %convert_element_type3A_643, %cond3A_644 : i32
      scf.if %cond3A_645 {
        %dma_start3A_694 = arith.constant 0 : i32
        %dma_start3A_695 = arith.constant 0 : i32
        %dma_start3A_696 = tpu.memref_slice %arg7[%dma_start3A_694, %dma_start3A_695] : memref<10x64xi32, #tpu.memory_space<vmem>> -> memref<1x64xi32, #tpu.memory_space<vmem>>
        %dma_start3A_697 = tpu.memref_squeeze %dma_start3A_696 : memref<1x64xi32, #tpu.memory_space<vmem>> -> memref<64xi32, #tpu.memory_space<vmem>>
        %dma_start3A_698 = arith.constant 0 : i32
        %dma_start3A_699 = arith.constant 0 : i32
        %dma_start3A_700 = tpu.memref_slice %arg2[%dma_start3A_698, %dma_start3A_699] : memref<10000x128xf32, #tpu.memory_space<hbm>> -> memref<10000x128xf32, #tpu.memory_space<hbm>>
        tpu.enqueue_indirect_dma source(%dma_start3A_700 : memref<10000x128xf32, #tpu.memory_space<hbm>>) target(%arg11 : memref<64x128xf32, #tpu.memory_space<vmem>>) offsets(%dma_start3A_697 : memref<64xi32, #tpu.memory_space<vmem>>) semaphore(%arg17 : memref<!tpu.dma_semaphore, #tpu.memory_space<semaphore_mem>>)
      } else {
      }
      %dma_wait3A_646 = arith.constant 6 : i32
      %dma_wait3A_647 = arith.constant 0 : i32
      %dma_wait3A_648 = tpu.memref_slice %arg10[%dma_wait3A_646, %dma_wait3A_647] : memref<10x64xi32, #tpu.memory_space<vmem>> -> memref<1x64xi32, #tpu.memory_space<vmem>>
      %dma_wait3A_649 = tpu.memref_squeeze %dma_wait3A_648 : memref<1x64xi32, #tpu.memory_space<vmem>> -> memref<64xi32, #tpu.memory_space<vmem>>
      %dma_wait3A_650 = arith.constant 0 : i32
      %dma_wait3A_651 = arith.constant 0 : i32
      %dma_wait3A_652 = tpu.memref_slice %arg16[%dma_wait3A_650, %dma_wait3A_651] : memref<10112x128xf32, #tpu.memory_space<vmem_shared>> -> memref<10112x128xf32, #tpu.memory_space<vmem_shared>>
      tpu.wait_indirect_dma semaphore(%arg23 : memref<!tpu.dma_semaphore, #tpu.memory_space<semaphore_mem>>) src(%arg12 : memref<64x128xf32, #tpu.memory_space<vmem>>) dst(%dma_wait3A_652 : memref<10112x128xf32, #tpu.memory_space<vmem_shared>>)
      %convert_element_type3A_653 = arith.extui %lt3A_562 : i1 to i32
      %cond3A_654 = arith.constant 0 : i32
      %cond3A_655 = arith.cmpi ne, %convert_element_type3A_653, %cond3A_654 : i32
      scf.if %cond3A_655 {
        %dma_start3A_694 = arith.constant 1 : i32
        %dma_start3A_695 = arith.constant 0 : i32
        %dma_start3A_696 = tpu.memref_slice %arg7[%dma_start3A_694, %dma_start3A_695] : memref<10x64xi32, #tpu.memory_space<vmem>> -> memref<1x64xi32, #tpu.memory_space<vmem>>
        %dma_start3A_697 = tpu.memref_squeeze %dma_start3A_696 : memref<1x64xi32, #tpu.memory_space<vmem>> -> memref<64xi32, #tpu.memory_space<vmem>>
        %dma_start3A_698 = arith.constant 0 : i32
        %dma_start3A_699 = arith.constant 0 : i32
        %dma_start3A_700 = tpu.memref_slice %arg2[%dma_start3A_698, %dma_start3A_699] : memref<10000x128xf32, #tpu.memory_space<hbm>> -> memref<10000x128xf32, #tpu.memory_space<hbm>>
        tpu.enqueue_indirect_dma source(%dma_start3A_700 : memref<10000x128xf32, #tpu.memory_space<hbm>>) target(%arg12 : memref<64x128xf32, #tpu.memory_space<vmem>>) offsets(%dma_start3A_697 : memref<64xi32, #tpu.memory_space<vmem>>) semaphore(%arg18 : memref<!tpu.dma_semaphore, #tpu.memory_space<semaphore_mem>>)
      } else {
      }
      %dma_wait3A_656 = arith.constant 7 : i32
      %dma_wait3A_657 = arith.constant 0 : i32
      %dma_wait3A_658 = tpu.memref_slice %arg10[%dma_wait3A_656, %dma_wait3A_657] : memref<10x64xi32, #tpu.memory_space<vmem>> -> memref<1x64xi32, #tpu.memory_space<vmem>>
      %dma_wait3A_659 = tpu.memref_squeeze %dma_wait3A_658 : memref<1x64xi32, #tpu.memory_space<vmem>> -> memref<64xi32, #tpu.memory_space<vmem>>
      %dma_wait3A_660 = arith.constant 0 : i32
      %dma_wait3A_661 = arith.constant 0 : i32
      %dma_wait3A_662 = tpu.memref_slice %arg16[%dma_wait3A_660, %dma_wait3A_661] : memref<10112x128xf32, #tpu.memory_space<vmem_shared>> -> memref<10112x128xf32, #tpu.memory_space<vmem_shared>>
      tpu.wait_indirect_dma semaphore(%arg24 : memref<!tpu.dma_semaphore, #tpu.memory_space<semaphore_mem>>) src(%arg13 : memref<64x128xf32, #tpu.memory_space<vmem>>) dst(%dma_wait3A_662 : memref<10112x128xf32, #tpu.memory_space<vmem_shared>>)
      %convert_element_type3A_663 = arith.extui %lt3A_562 : i1 to i32
      %cond3A_664 = arith.constant 0 : i32
      %cond3A_665 = arith.cmpi ne, %convert_element_type3A_663, %cond3A_664 : i32
      scf.if %cond3A_665 {
        %dma_start3A_694 = arith.constant 2 : i32
        %dma_start3A_695 = arith.constant 0 : i32
        %dma_start3A_696 = tpu.memref_slice %arg7[%dma_start3A_694, %dma_start3A_695] : memref<10x64xi32, #tpu.memory_space<vmem>> -> memref<1x64xi32, #tpu.memory_space<vmem>>
        %dma_start3A_697 = tpu.memref_squeeze %dma_start3A_696 : memref<1x64xi32, #tpu.memory_space<vmem>> -> memref<64xi32, #tpu.memory_space<vmem>>
        %dma_start3A_698 = arith.constant 0 : i32
        %dma_start3A_699 = arith.constant 0 : i32
        %dma_start3A_700 = tpu.memref_slice %arg2[%dma_start3A_698, %dma_start3A_699] : memref<10000x128xf32, #tpu.memory_space<hbm>> -> memref<10000x128xf32, #tpu.memory_space<hbm>>
        tpu.enqueue_indirect_dma source(%dma_start3A_700 : memref<10000x128xf32, #tpu.memory_space<hbm>>) target(%arg13 : memref<64x128xf32, #tpu.memory_space<vmem>>) offsets(%dma_start3A_697 : memref<64xi32, #tpu.memory_space<vmem>>) semaphore(%arg19 : memref<!tpu.dma_semaphore, #tpu.memory_space<semaphore_mem>>)
      } else {
      }
      %dma_wait3A_666 = arith.constant 8 : i32
      %dma_wait3A_667 = arith.constant 0 : i32
      %dma_wait3A_668 = tpu.memref_slice %arg10[%dma_wait3A_666, %dma_wait3A_667] : memref<10x64xi32, #tpu.memory_space<vmem>> -> memref<1x64xi32, #tpu.memory_space<vmem>>
      %dma_wait3A_669 = tpu.memref_squeeze %dma_wait3A_668 : memref<1x64xi32, #tpu.memory_space<vmem>> -> memref<64xi32, #tpu.memory_space<vmem>>
      %dma_wait3A_670 = arith.constant 0 : i32
      %dma_wait3A_671 = arith.constant 0 : i32
      %dma_wait3A_672 = tpu.memref_slice %arg16[%dma_wait3A_670, %dma_wait3A_671] : memref<10112x128xf32, #tpu.memory_space<vmem_shared>> -> memref<10112x128xf32, #tpu.memory_space<vmem_shared>>
      tpu.wait_indirect_dma semaphore(%arg25 : memref<!tpu.dma_semaphore, #tpu.memory_space<semaphore_mem>>) src(%arg14 : memref<64x128xf32, #tpu.memory_space<vmem>>) dst(%dma_wait3A_672 : memref<10112x128xf32, #tpu.memory_space<vmem_shared>>)
      %convert_element_type3A_673 = arith.extui %lt3A_562 : i1 to i32
      %cond3A_674 = arith.constant 0 : i32
      %cond3A_675 = arith.cmpi ne, %convert_element_type3A_673, %cond3A_674 : i32
      scf.if %cond3A_675 {
        %dma_start3A_694 = arith.constant 3 : i32
        %dma_start3A_695 = arith.constant 0 : i32
        %dma_start3A_696 = tpu.memref_slice %arg7[%dma_start3A_694, %dma_start3A_695] : memref<10x64xi32, #tpu.memory_space<vmem>> -> memref<1x64xi32, #tpu.memory_space<vmem>>
        %dma_start3A_697 = tpu.memref_squeeze %dma_start3A_696 : memref<1x64xi32, #tpu.memory_space<vmem>> -> memref<64xi32, #tpu.memory_space<vmem>>
        %dma_start3A_698 = arith.constant 0 : i32
        %dma_start3A_699 = arith.constant 0 : i32
        %dma_start3A_700 = tpu.memref_slice %arg2[%dma_start3A_698, %dma_start3A_699] : memref<10000x128xf32, #tpu.memory_space<hbm>> -> memref<10000x128xf32, #tpu.memory_space<hbm>>
        tpu.enqueue_indirect_dma source(%dma_start3A_700 : memref<10000x128xf32, #tpu.memory_space<hbm>>) target(%arg14 : memref<64x128xf32, #tpu.memory_space<vmem>>) offsets(%dma_start3A_697 : memref<64xi32, #tpu.memory_space<vmem>>) semaphore(%arg20 : memref<!tpu.dma_semaphore, #tpu.memory_space<semaphore_mem>>)
      } else {
      }
      %dma_wait3A_676 = arith.constant 9 : i32
      %dma_wait3A_677 = arith.constant 0 : i32
      %dma_wait3A_678 = tpu.memref_slice %arg10[%dma_wait3A_676, %dma_wait3A_677] : memref<10x64xi32, #tpu.memory_space<vmem>> -> memref<1x64xi32, #tpu.memory_space<vmem>>
      %dma_wait3A_679 = tpu.memref_squeeze %dma_wait3A_678 : memref<1x64xi32, #tpu.memory_space<vmem>> -> memref<64xi32, #tpu.memory_space<vmem>>
      %dma_wait3A_680 = arith.constant 0 : i32
      %dma_wait3A_681 = arith.constant 0 : i32
      %dma_wait3A_682 = tpu.memref_slice %arg16[%dma_wait3A_680, %dma_wait3A_681] : memref<10112x128xf32, #tpu.memory_space<vmem_shared>> -> memref<10112x128xf32, #tpu.memory_space<vmem_shared>>
      tpu.wait_indirect_dma semaphore(%arg26 : memref<!tpu.dma_semaphore, #tpu.memory_space<semaphore_mem>>) src(%arg15 : memref<64x128xf32, #tpu.memory_space<vmem>>) dst(%dma_wait3A_682 : memref<10112x128xf32, #tpu.memory_space<vmem_shared>>)
      %convert_element_type3A_683 = arith.extui %lt3A_562 : i1 to i32
      %cond3A_684 = arith.constant 0 : i32
      %cond3A_685 = arith.cmpi ne, %convert_element_type3A_683, %cond3A_684 : i32
      scf.if %cond3A_685 {
        %dma_start3A_694 = arith.constant 4 : i32
        %dma_start3A_695 = arith.constant 0 : i32
        %dma_start3A_696 = tpu.memref_slice %arg7[%dma_start3A_694, %dma_start3A_695] : memref<10x64xi32, #tpu.memory_space<vmem>> -> memref<1x64xi32, #tpu.memory_space<vmem>>
        %dma_start3A_697 = tpu.memref_squeeze %dma_start3A_696 : memref<1x64xi32, #tpu.memory_space<vmem>> -> memref<64xi32, #tpu.memory_space<vmem>>
        %dma_start3A_698 = arith.constant 0 : i32
        %dma_start3A_699 = arith.constant 0 : i32
        %dma_start3A_700 = tpu.memref_slice %arg2[%dma_start3A_698, %dma_start3A_699] : memref<10000x128xf32, #tpu.memory_space<hbm>> -> memref<10000x128xf32, #tpu.memory_space<hbm>>
        tpu.enqueue_indirect_dma source(%dma_start3A_700 : memref<10000x128xf32, #tpu.memory_space<hbm>>) target(%arg15 : memref<64x128xf32, #tpu.memory_space<vmem>>) offsets(%dma_start3A_697 : memref<64xi32, #tpu.memory_space<vmem>>) semaphore(%arg21 : memref<!tpu.dma_semaphore, #tpu.memory_space<semaphore_mem>>)
      } else {
      }
      %add3A_686 = arith.constant 2 : i32
      %add3A_687 = arith.addi %add3A_382, %add3A_686 : i32
      %lt3A_688 = arith.constant 16 : i32
      %lt3A_689 = arith.cmpi slt, %add3A_687, %lt3A_688 : i32
      %convert_element_type3A_690 = arith.extui %lt3A_689 : i1 to i32
      %cond3A_691 = arith.constant 0 : i32
      %cond3A_692 = arith.cmpi ne, %convert_element_type3A_690, %cond3A_691 : i32
      scf.if %cond3A_692 {
        %add3A_694 = arith.constant 2 : i32
        %add3A_695 = arith.addi %add3A_382, %add3A_694 : i32
        %dma_start3A_696 = arith.constant 0 : i32
        %dma_start3A_697 = arith.constant 0 : i32
        %dma_start3A_698 = tpu.memref_slice %arg3[%add3A, %add3A_695, %dma_start3A_696, %dma_start3A_697] : memref<32x16x10x64xi32, #tpu.memory_space<hbm>> -> memref<1x1x10x64xi32, #tpu.memory_space<hbm>>
        %dma_start3A_699 = tpu.memref_squeeze %dma_start3A_698 : memref<1x1x10x64xi32, #tpu.memory_space<hbm>> -> memref<10x64xi32, #tpu.memory_space<hbm>>
        %dma_start3A_700 = arith.constant 0 : i32
        %dma_start3A_701 = arith.constant 0 : i32
        %dma_start3A_702 = tpu.memref_slice %arg3[%add3A, %add3A_695, %dma_start3A_700, %dma_start3A_701] : memref<32x16x10x64xi32, #tpu.memory_space<hbm>> -> memref<1x1x10x64xi32, #tpu.memory_space<hbm>>
        %dma_start3A_703 = tpu.memref_squeeze %dma_start3A_702 : memref<1x1x10x64xi32, #tpu.memory_space<hbm>> -> memref<10x64xi32, #tpu.memory_space<hbm>>
        tpu.enqueue_dma source(%dma_start3A_703 : memref<10x64xi32, #tpu.memory_space<hbm>>) target(%arg8 : memref<10x64xi32, #tpu.memory_space<vmem>>) target_semaphore(%arg28 : memref<!tpu.dma_semaphore, #tpu.memory_space<semaphore_mem>>)
        %dma_start3A_704 = arith.constant 0 : i32
        %dma_start3A_705 = arith.constant 0 : i32
        %dma_start3A_706 = tpu.memref_slice %arg4[%add3A, %add3A_695, %dma_start3A_704, %dma_start3A_705] : memref<32x16x10x64xi32, #tpu.memory_space<hbm>> -> memref<1x1x10x64xi32, #tpu.memory_space<hbm>>
        %dma_start3A_707 = tpu.memref_squeeze %dma_start3A_706 : memref<1x1x10x64xi32, #tpu.memory_space<hbm>> -> memref<10x64xi32, #tpu.memory_space<hbm>>
        %dma_start3A_708 = arith.constant 0 : i32
        %dma_start3A_709 = arith.constant 0 : i32
        %dma_start3A_710 = tpu.memref_slice %arg4[%add3A, %add3A_695, %dma_start3A_708, %dma_start3A_709] : memref<32x16x10x64xi32, #tpu.memory_space<hbm>> -> memref<1x1x10x64xi32, #tpu.memory_space<hbm>>
        %dma_start3A_711 = tpu.memref_squeeze %dma_start3A_710 : memref<1x1x10x64xi32, #tpu.memory_space<hbm>> -> memref<10x64xi32, #tpu.memory_space<hbm>>
        tpu.enqueue_dma source(%dma_start3A_711 : memref<10x64xi32, #tpu.memory_space<hbm>>) target(%arg10 : memref<10x64xi32, #tpu.memory_space<vmem>>) target_semaphore(%arg28 : memref<!tpu.dma_semaphore, #tpu.memory_space<semaphore_mem>>)
      } else {
      }
      %scan3A_693 = arith.constant 0 : i32
      scf.yield %scan3A_693 : i32
    }
    %scan3A_63 = arith.constant 8 : i32
    %barrier3A_64 = arith.constant 0 : index
    tpu.barrier barrier_id(%barrier3A_64)
    %mul3A_65 = arith.constant 632 : i32
    %mul3A_66 = arith.muli %arg1, %mul3A_65 : i32
    %mul3A_67 = arith.constant 632 : i32
    %mul3A_68 = arith.muli %arg1, %mul3A_67 : i32
    "tpu.region"() ({
      %run_scoped3A_69 = tpu.sem_alloc : memref<!tpu.dma_semaphore, #tpu.memory_space<semaphore_mem>>
      %dma_start3A_70 = arith.constant 0 : i32
      %dma_start3A_71 = tpu.memref_slice %arg6[%arg0, %mul3A_68, %dma_start3A_70] : memref<2x10112x128xf32, #tpu.memory_space<hbm>> -> memref<1x632x128xf32, #tpu.memory_space<hbm>>
      %dma_start3A_72 = tpu.memref_squeeze %dma_start3A_71 : memref<1x632x128xf32, #tpu.memory_space<hbm>> -> memref<632x128xf32, #tpu.memory_space<hbm>>
      %dma_start3A_73 = arith.constant 0 : i32
      %dma_start3A_74 = tpu.memref_slice %arg16[%mul3A_66, %dma_start3A_73] : memref<10112x128xf32, #tpu.memory_space<vmem_shared>> -> memref<632x128xf32, #tpu.memory_space<vmem_shared>>
      tpu.enqueue_dma source(%dma_start3A_74 : memref<632x128xf32, #tpu.memory_space<vmem_shared>>) target(%dma_start3A_72 : memref<632x128xf32, #tpu.memory_space<hbm>>) target_semaphore(%run_scoped3A_69 : memref<!tpu.dma_semaphore, #tpu.memory_space<semaphore_mem>>)
      %dma_wait3A = arith.constant 0 : i32
      %dma_wait3A_75 = tpu.memref_slice %arg6[%arg0, %mul3A_68, %dma_wait3A] : memref<2x10112x128xf32, #tpu.memory_space<hbm>> -> memref<1x632x128xf32, #tpu.memory_space<hbm>>
      %dma_wait3A_76 = tpu.memref_squeeze %dma_wait3A_75 : memref<1x632x128xf32, #tpu.memory_space<hbm>> -> memref<632x128xf32, #tpu.memory_space<hbm>>
      %dma_wait3A_77 = arith.constant 0 : i32
      %dma_wait3A_78 = tpu.memref_slice %arg16[%mul3A_66, %dma_wait3A_77] : memref<10112x128xf32, #tpu.memory_space<vmem_shared>> -> memref<632x128xf32, #tpu.memory_space<vmem_shared>>
      tpu.wait_dma2 semaphore(%run_scoped3A_69 : memref<!tpu.dma_semaphore, #tpu.memory_space<semaphore_mem>>) src(%dma_wait3A_78 : memref<632x128xf32, #tpu.memory_space<vmem_shared>>) dst(%dma_wait3A_76 : memref<632x128xf32, #tpu.memory_space<hbm>>)
      tpu.yield
    }) : () -> ()
    return
  }
}

#map = affine_map<(d0, d1) -> (0, 0)>
#map1 = affine_map<(d0, d1) -> (0, 0, 0, 0)>
#map2 = affine_map<(d0, d1) -> (0, 0, 0)>
module attributes {stable_mosaic.version = 14 : i64} {
  func.func @agg(%arg0: i32, %arg1: i32, %arg2: memref<10000x128xf32, #tpu.memory_space<hbm>>, %arg3: memref<32x16x10x64xi32, #tpu.memory_space<hbm>>, %arg4: memref<32x16x10x64xi32, #tpu.memory_space<hbm>>, %arg5: memref<10112x128xf32, #tpu.memory_space<hbm>>, %arg6: memref<2x10112x128xf32, #tpu.memory_space<hbm>>, %arg7: memref<10x64xi32, #tpu.memory_space<vmem>>, %arg8: memref<10x64xi32, #tpu.memory_space<vmem>>, %arg9: memref<10x64xi32, #tpu.memory_space<vmem>>, %arg10: memref<10x64xi32, #tpu.memory_space<vmem>>, %arg11: memref<64x128xf32, #tpu.memory_space<vmem>>, %arg12: memref<64x128xf32, #tpu.memory_space<vmem>>, %arg13: memref<64x128xf32, #tpu.memory_space<vmem>>, %arg14: memref<64x128xf32, #tpu.memory_space<vmem>>, %arg15: memref<64x128xf32, #tpu.memory_space<vmem>>, %arg16: memref<10112x128xf32, #tpu.memory_space<vmem_shared>>, %arg17: memref<!tpu.dma_semaphore, #tpu.memory_space<semaphore_mem>>, %arg18: memref<!tpu.dma_semaphore, #tpu.memory_space<semaphore_mem>>, %arg19: memref<!tpu.dma_semaphore, #tpu.memory_space<semaphore_mem>>, %arg20: memref<!tpu.dma_semaphore, #tpu.memory_space<semaphore_mem>>, %arg21: memref<!tpu.dma_semaphore, #tpu.memory_space<semaphore_mem>>, %arg22: memref<!tpu.dma_semaphore, #tpu.memory_space<semaphore_mem>>, %arg23: memref<!tpu.dma_semaphore, #tpu.memory_space<semaphore_mem>>, %arg24: memref<!tpu.dma_semaphore, #tpu.memory_space<semaphore_mem>>, %arg25: memref<!tpu.dma_semaphore, #tpu.memory_space<semaphore_mem>>, %arg26: memref<!tpu.dma_semaphore, #tpu.memory_space<semaphore_mem>>, %arg27: memref<!tpu.dma_semaphore, #tpu.memory_space<semaphore_mem>>, %arg28: memref<!tpu.dma_semaphore, #tpu.memory_space<semaphore_mem>>) attributes {dimension_semantics = [#tpu.dimension_semantics<core_parallel>, #tpu.dimension_semantics<subcore_parallel>], iteration_bounds = array<i64: 2, 16>, scalar_prefetch = 0 : i64, scratch_operands = 22 : i64, tpu.core_type = #tpu.core_type<sc_vector_subcore>, window_params = [{transform_indices = #map}, {transform_indices = #map1}, {transform_indices = #map1}, {transform_indices = #map}, {transform_indices = #map2}]} {
    %mul3A = arith.constant 16 : i32
    %mul3A_0 = arith.muli %arg0, %mul3A : i32
    %add3A = arith.addi %mul3A_0, %arg1 : i32
    %run_scoped3A = arith.constant 0 : i32
    "tpu.region"() ({
      %run_scoped3A_69 = tpu.sem_alloc : memref<!tpu.dma_semaphore, #tpu.memory_space<semaphore_mem>>
      %dma_start3A_70 = arith.constant 0 : i32
      %dma_start3A_71 = arith.constant 0 : i32
      %dma_start3A_72 = tpu.memref_slice %arg3[%add3A, %run_scoped3A, %dma_start3A_70, %dma_start3A_71] : memref<32x16x10x64xi32, #tpu.memory_space<hbm>> -> memref<1x1x10x64xi32, #tpu.memory_space<hbm>>
      %dma_start3A_73 = tpu.memref_squeeze %dma_start3A_72 : memref<1x1x10x64xi32, #tpu.memory_space<hbm>> -> memref<10x64xi32, #tpu.memory_space<hbm>>
      %dma_start3A_74 = arith.constant 0 : i32
      %dma_start3A_75 = arith.constant 0 : i32
      %dma_start3A_76 = tpu.memref_slice %arg3[%add3A, %run_scoped3A, %dma_start3A_74, %dma_start3A_75] : memref<32x16x10x64xi32, #tpu.memory_space<hbm>> -> memref<1x1x10x64xi32, #tpu.memory_space<hbm>>
      %dma_start3A_77 = tpu.memref_squeeze %dma_start3A_76 : memref<1x1x10x64xi32, #tpu.memory_space<hbm>> -> memref<10x64xi32, #tpu.memory_space<hbm>>
      tpu.enqueue_dma source(%dma_start3A_77 : memref<10x64xi32, #tpu.memory_space<hbm>>) target(%arg7 : memref<10x64xi32, #tpu.memory_space<vmem>>) target_semaphore(%run_scoped3A_69 : memref<!tpu.dma_semaphore, #tpu.memory_space<semaphore_mem>>)
      %dma_wait3A = arith.constant 0 : i32
      %dma_wait3A_78 = arith.constant 0 : i32
      %dma_wait3A_79 = tpu.memref_slice %arg3[%add3A, %run_scoped3A, %dma_wait3A, %dma_wait3A_78] : memref<32x16x10x64xi32, #tpu.memory_space<hbm>> -> memref<1x1x10x64xi32, #tpu.memory_space<hbm>>
      %dma_wait3A_80 = tpu.memref_squeeze %dma_wait3A_79 : memref<1x1x10x64xi32, #tpu.memory_space<hbm>> -> memref<10x64xi32, #tpu.memory_space<hbm>>
      %dma_wait3A_81 = arith.constant 0 : i32
      %dma_wait3A_82 = arith.constant 0 : i32
      %dma_wait3A_83 = tpu.memref_slice %arg3[%add3A, %run_scoped3A, %dma_wait3A_81, %dma_wait3A_82] : memref<32x16x10x64xi32, #tpu.memory_space<hbm>> -> memref<1x1x10x64xi32, #tpu.memory_space<hbm>>
      %dma_wait3A_84 = tpu.memref_squeeze %dma_wait3A_83 : memref<1x1x10x64xi32, #tpu.memory_space<hbm>> -> memref<10x64xi32, #tpu.memory_space<hbm>>
      tpu.wait_dma2 semaphore(%run_scoped3A_69 : memref<!tpu.dma_semaphore, #tpu.memory_space<semaphore_mem>>) src(%dma_wait3A_84 : memref<10x64xi32, #tpu.memory_space<hbm>>) dst(%arg7 : memref<10x64xi32, #tpu.memory_space<vmem>>)
      tpu.yield
    }) : () -> ()
    %run_scoped3A_1 = arith.constant 0 : i32
    "tpu.region"() ({
      %run_scoped3A_69 = tpu.sem_alloc : memref<!tpu.dma_semaphore, #tpu.memory_space<semaphore_mem>>
      %dma_start3A_70 = arith.constant 0 : i32
      %dma_start3A_71 = arith.constant 0 : i32
      %dma_start3A_72 = tpu.memref_slice %arg4[%add3A, %run_scoped3A_1, %dma_start3A_70, %dma_start3A_71] : memref<32x16x10x64xi32, #tpu.memory_space<hbm>> -> memref<1x1x10x64xi32, #tpu.memory_space<hbm>>
      %dma_start3A_73 = tpu.memref_squeeze %dma_start3A_72 : memref<1x1x10x64xi32, #tpu.memory_space<hbm>> -> memref<10x64xi32, #tpu.memory_space<hbm>>
      %dma_start3A_74 = arith.constant 0 : i32
      %dma_start3A_75 = arith.constant 0 : i32
      %dma_start3A_76 = tpu.memref_slice %arg4[%add3A, %run_scoped3A_1, %dma_start3A_74, %dma_start3A_75] : memref<32x16x10x64xi32, #tpu.memory_space<hbm>> -> memref<1x1x10x64xi32, #tpu.memory_space<hbm>>
      %dma_start3A_77 = tpu.memref_squeeze %dma_start3A_76 : memref<1x1x10x64xi32, #tpu.memory_space<hbm>> -> memref<10x64xi32, #tpu.memory_space<hbm>>
      tpu.enqueue_dma source(%dma_start3A_77 : memref<10x64xi32, #tpu.memory_space<hbm>>) target(%arg9 : memref<10x64xi32, #tpu.memory_space<vmem>>) target_semaphore(%run_scoped3A_69 : memref<!tpu.dma_semaphore, #tpu.memory_space<semaphore_mem>>)
      %dma_wait3A = arith.constant 0 : i32
      %dma_wait3A_78 = arith.constant 0 : i32
      %dma_wait3A_79 = tpu.memref_slice %arg4[%add3A, %run_scoped3A_1, %dma_wait3A, %dma_wait3A_78] : memref<32x16x10x64xi32, #tpu.memory_space<hbm>> -> memref<1x1x10x64xi32, #tpu.memory_space<hbm>>
      %dma_wait3A_80 = tpu.memref_squeeze %dma_wait3A_79 : memref<1x1x10x64xi32, #tpu.memory_space<hbm>> -> memref<10x64xi32, #tpu.memory_space<hbm>>
      %dma_wait3A_81 = arith.constant 0 : i32
      %dma_wait3A_82 = arith.constant 0 : i32
      %dma_wait3A_83 = tpu.memref_slice %arg4[%add3A, %run_scoped3A_1, %dma_wait3A_81, %dma_wait3A_82] : memref<32x16x10x64xi32, #tpu.memory_space<hbm>> -> memref<1x1x10x64xi32, #tpu.memory_space<hbm>>
      %dma_wait3A_84 = tpu.memref_squeeze %dma_wait3A_83 : memref<1x1x10x64xi32, #tpu.memory_space<hbm>> -> memref<10x64xi32, #tpu.memory_space<hbm>>
      tpu.wait_dma2 semaphore(%run_scoped3A_69 : memref<!tpu.dma_semaphore, #tpu.memory_space<semaphore_mem>>) src(%dma_wait3A_84 : memref<10x64xi32, #tpu.memory_space<hbm>>) dst(%arg9 : memref<10x64xi32, #tpu.memory_space<vmem>>)
      tpu.yield
    }) : () -> ()
    %dma_start3A = arith.constant 1 : i32
    %dma_start3A_2 = arith.constant 0 : i32
    %dma_start3A_3 = arith.constant 0 : i32
    %dma_start3A_4 = tpu.memref_slice %arg3[%add3A, %dma_start3A, %dma_start3A_2, %dma_start3A_3] : memref<32x16x10x64xi32, #tpu.memory_space<hbm>> -> memref<1x1x10x64xi32, #tpu.memory_space<hbm>>
    %dma_start3A_5 = tpu.memref_squeeze %dma_start3A_4 : memref<1x1x10x64xi32, #tpu.memory_space<hbm>> -> memref<10x64xi32, #tpu.memory_space<hbm>>
    %dma_start3A_6 = arith.constant 0 : i32
    %dma_start3A_7 = arith.constant 0 : i32
    %dma_start3A_8 = tpu.memref_slice %arg3[%add3A, %dma_start3A, %dma_start3A_6, %dma_start3A_7] : memref<32x16x10x64xi32, #tpu.memory_space<hbm>> -> memref<1x1x10x64xi32, #tpu.memory_space<hbm>>
    %dma_start3A_9 = tpu.memref_squeeze %dma_start3A_8 : memref<1x1x10x64xi32, #tpu.memory_space<hbm>> -> memref<10x64xi32, #tpu.memory_space<hbm>>
    tpu.enqueue_dma source(%dma_start3A_9 : memref<10x64xi32, #tpu.memory_space<hbm>>) target(%arg8 : memref<10x64xi32, #tpu.memory_space<vmem>>) target_semaphore(%arg28 : memref<!tpu.dma_semaphore, #tpu.memory_space<semaphore_mem>>)
    %dma_start3A_10 = arith.constant 1 : i32
    %dma_start3A_11 = arith.constant 0 : i32
    %dma_start3A_12 = arith.constant 0 : i32
    %dma_start3A_13 = tpu.memref_slice %arg4[%add3A, %dma_start3A_10, %dma_start3A_11, %dma_start3A_12] : memref<32x16x10x64xi32, #tpu.memory_space<hbm>> -> memref<1x1x10x64xi32, #tpu.memory_space<hbm>>
    %dma_start3A_14 = tpu.memref_squeeze %dma_start3A_13 : memref<1x1x10x64xi32, #tpu.memory_space<hbm>> -> memref<10x64xi32, #tpu.memory_space<hbm>>
    %dma_start3A_15 = arith.constant 0 : i32
    %dma_start3A_16 = arith.constant 0 : i32
    %dma_start3A_17 = tpu.memref_slice %arg4[%add3A, %dma_start3A_10, %dma_start3A_15, %dma_start3A_16] : memref<32x16x10x64xi32, #tpu.memory_space<hbm>> -> memref<1x1x10x64xi32, #tpu.memory_space<hbm>>
    %dma_start3A_18 = tpu.memref_squeeze %dma_start3A_17 : memref<1x1x10x64xi32, #tpu.memory_space<hbm>> -> memref<10x64xi32, #tpu.memory_space<hbm>>
    tpu.enqueue_dma source(%dma_start3A_18 : memref<10x64xi32, #tpu.memory_space<hbm>>) target(%arg10 : memref<10x64xi32, #tpu.memory_space<vmem>>) target_semaphore(%arg28 : memref<!tpu.dma_semaphore, #tpu.memory_space<semaphore_mem>>)
    %dma_start3A_19 = arith.constant 0 : i32
    %dma_start3A_20 = arith.constant 0 : i32
    %dma_start3A_21 = tpu.memref_slice %arg7[%dma_start3A_19, %dma_start3A_20] : memref<10x64xi32, #tpu.memory_space<vmem>> -> memref<1x64xi32, #tpu.memory_space<vmem>>
    %dma_start3A_22 = tpu.memref_squeeze %dma_start3A_21 : memref<1x64xi32, #tpu.memory_space<vmem>> -> memref<64xi32, #tpu.memory_space<vmem>>
    %dma_start3A_23 = arith.constant 0 : i32
    %dma_start3A_24 = arith.constant 0 : i32
    %dma_start3A_25 = tpu.memref_slice %arg2[%dma_start3A_23, %dma_start3A_24] : memref<10000x128xf32, #tpu.memory_space<hbm>> -> memref<10000x128xf32, #tpu.memory_space<hbm>>
    tpu.enqueue_indirect_dma source(%dma_start3A_25 : memref<10000x128xf32, #tpu.memory_space<hbm>>) target(%arg11 : memref<64x128xf32, #tpu.memory_space<vmem>>) offsets(%dma_start3A_22 : memref<64xi32, #tpu.memory_space<vmem>>) semaphore(%arg17 : memref<!tpu.dma_semaphore, #tpu.memory_space<semaphore_mem>>)
    %dma_start3A_26 = arith.constant 1 : i32
    %dma_start3A_27 = arith.constant 0 : i32
    %dma_start3A_28 = tpu.memref_slice %arg7[%dma_start3A_26, %dma_start3A_27] : memref<10x64xi32, #tpu.memory_space<vmem>> -> memref<1x64xi32, #tpu.memory_space<vmem>>
    %dma_start3A_29 = tpu.memref_squeeze %dma_start3A_28 : memref<1x64xi32, #tpu.memory_space<vmem>> -> memref<64xi32, #tpu.memory_space<vmem>>
    %dma_start3A_30 = arith.constant 0 : i32
    %dma_start3A_31 = arith.constant 0 : i32
    %dma_start3A_32 = tpu.memref_slice %arg2[%dma_start3A_30, %dma_start3A_31] : memref<10000x128xf32, #tpu.memory_space<hbm>> -> memref<10000x128xf32, #tpu.memory_space<hbm>>
    tpu.enqueue_indirect_dma source(%dma_start3A_32 : memref<10000x128xf32, #tpu.memory_space<hbm>>) target(%arg12 : memref<64x128xf32, #tpu.memory_space<vmem>>) offsets(%dma_start3A_29 : memref<64xi32, #tpu.memory_space<vmem>>) semaphore(%arg18 : memref<!tpu.dma_semaphore, #tpu.memory_space<semaphore_mem>>)
    %dma_start3A_33 = arith.constant 2 : i32
    %dma_start3A_34 = arith.constant 0 : i32
    %dma_start3A_35 = tpu.memref_slice %arg7[%dma_start3A_33, %dma_start3A_34] : memref<10x64xi32, #tpu.memory_space<vmem>> -> memref<1x64xi32, #tpu.memory_space<vmem>>
    %dma_start3A_36 = tpu.memref_squeeze %dma_start3A_35 : memref<1x64xi32, #tpu.memory_space<vmem>> -> memref<64xi32, #tpu.memory_space<vmem>>
    %dma_start3A_37 = arith.constant 0 : i32
    %dma_start3A_38 = arith.constant 0 : i32
    %dma_start3A_39 = tpu.memref_slice %arg2[%dma_start3A_37, %dma_start3A_38] : memref<10000x128xf32, #tpu.memory_space<hbm>> -> memref<10000x128xf32, #tpu.memory_space<hbm>>
    tpu.enqueue_indirect_dma source(%dma_start3A_39 : memref<10000x128xf32, #tpu.memory_space<hbm>>) target(%arg13 : memref<64x128xf32, #tpu.memory_space<vmem>>) offsets(%dma_start3A_36 : memref<64xi32, #tpu.memory_space<vmem>>) semaphore(%arg19 : memref<!tpu.dma_semaphore, #tpu.memory_space<semaphore_mem>>)
    %dma_start3A_40 = arith.constant 3 : i32
    %dma_start3A_41 = arith.constant 0 : i32
    %dma_start3A_42 = tpu.memref_slice %arg7[%dma_start3A_40, %dma_start3A_41] : memref<10x64xi32, #tpu.memory_space<vmem>> -> memref<1x64xi32, #tpu.memory_space<vmem>>
    %dma_start3A_43 = tpu.memref_squeeze %dma_start3A_42 : memref<1x64xi32, #tpu.memory_space<vmem>> -> memref<64xi32, #tpu.memory_space<vmem>>
    %dma_start3A_44 = arith.constant 0 : i32
    %dma_start3A_45 = arith.constant 0 : i32
    %dma_start3A_46 = tpu.memref_slice %arg2[%dma_start3A_44, %dma_start3A_45] : memref<10000x128xf32, #tpu.memory_space<hbm>> -> memref<10000x128xf32, #tpu.memory_space<hbm>>
    tpu.enqueue_indirect_dma source(%dma_start3A_46 : memref<10000x128xf32, #tpu.memory_space<hbm>>) target(%arg14 : memref<64x128xf32, #tpu.memory_space<vmem>>) offsets(%dma_start3A_43 : memref<64xi32, #tpu.memory_space<vmem>>) semaphore(%arg20 : memref<!tpu.dma_semaphore, #tpu.memory_space<semaphore_mem>>)
    %dma_start3A_47 = arith.constant 4 : i32
    %dma_start3A_48 = arith.constant 0 : i32
    %dma_start3A_49 = tpu.memref_slice %arg7[%dma_start3A_47, %dma_start3A_48] : memref<10x64xi32, #tpu.memory_space<vmem>> -> memref<1x64xi32, #tpu.memory_space<vmem>>
    %dma_start3A_50 = tpu.memref_squeeze %dma_start3A_49 : memref<1x64xi32, #tpu.memory_space<vmem>> -> memref<64xi32, #tpu.memory_space<vmem>>
    %dma_start3A_51 = arith.constant 0 : i32
    %dma_start3A_52 = arith.constant 0 : i32
    %dma_start3A_53 = tpu.memref_slice %arg2[%dma_start3A_51, %dma_start3A_52] : memref<10000x128xf32, #tpu.memory_space<hbm>> -> memref<10000x128xf32, #tpu.memory_space<hbm>>
    tpu.enqueue_indirect_dma source(%dma_start3A_53 : memref<10000x128xf32, #tpu.memory_space<hbm>>) target(%arg15 : memref<64x128xf32, #tpu.memory_space<vmem>>) offsets(%dma_start3A_50 : memref<64xi32, #tpu.memory_space<vmem>>) semaphore(%arg21 : memref<!tpu.dma_semaphore, #tpu.memory_space<semaphore_mem>>)
    %mul3A_54 = arith.constant 632 : i32
    %mul3A_55 = arith.muli %arg1, %mul3A_54 : i32
    %mul3A_56 = arith.constant 632 : i32
    %mul3A_57 = arith.muli %arg1, %mul3A_56 : i32
    "tpu.region"() ({
      %run_scoped3A_69 = tpu.sem_alloc : memref<!tpu.dma_semaphore, #tpu.memory_space<semaphore_mem>>
      %dma_start3A_70 = arith.constant 0 : i32
      %dma_start3A_71 = tpu.memref_slice %arg16[%mul3A_57, %dma_start3A_70] : memref<10112x128xf32, #tpu.memory_space<vmem_shared>> -> memref<632x128xf32, #tpu.memory_space<vmem_shared>>
      %dma_start3A_72 = arith.constant 0 : i32
      %dma_start3A_73 = tpu.memref_slice %arg5[%mul3A_55, %dma_start3A_72] : memref<10112x128xf32, #tpu.memory_space<hbm>> -> memref<632x128xf32, #tpu.memory_space<hbm>>
      tpu.enqueue_dma source(%dma_start3A_73 : memref<632x128xf32, #tpu.memory_space<hbm>>) target(%dma_start3A_71 : memref<632x128xf32, #tpu.memory_space<vmem_shared>>) target_semaphore(%run_scoped3A_69 : memref<!tpu.dma_semaphore, #tpu.memory_space<semaphore_mem>>)
      %dma_wait3A = arith.constant 0 : i32
      %dma_wait3A_74 = tpu.memref_slice %arg16[%mul3A_57, %dma_wait3A] : memref<10112x128xf32, #tpu.memory_space<vmem_shared>> -> memref<632x128xf32, #tpu.memory_space<vmem_shared>>
      %dma_wait3A_75 = arith.constant 0 : i32
      %dma_wait3A_76 = tpu.memref_slice %arg5[%mul3A_55, %dma_wait3A_75] : memref<10112x128xf32, #tpu.memory_space<hbm>> -> memref<632x128xf32, #tpu.memory_space<hbm>>
      tpu.wait_dma2 semaphore(%run_scoped3A_69 : memref<!tpu.dma_semaphore, #tpu.memory_space<semaphore_mem>>) src(%dma_wait3A_76 : memref<632x128xf32, #tpu.memory_space<hbm>>) dst(%dma_wait3A_74 : memref<632x128xf32, #tpu.memory_space<vmem_shared>>)
      tpu.yield
    }) : () -> ()
    %barrier3A = arith.constant 0 : index
    tpu.barrier barrier_id(%barrier3A)
    %scan3A = arith.constant 0 : i32
    %scan3A_58 = arith.constant 0 : i32
    %scan3A_59 = arith.constant 8 : i32
    %scan3A_60 = arith.addi %scan3A_58, %scan3A_59 : i32
    %scan3A_61 = arith.constant 1 : i32
    %scan3A_62 = scf.for %scan3A_69 = %scan3A_58 to %scan3A_60 step %scan3A_61 iter_args(%scan3A_70 = %scan3A) -> (i32)  : i32 {
      %mul3A_71 = arith.constant 2 : i32
      %mul3A_72 = arith.muli %mul3A_71, %scan3A_69 : i32
      %scan3A_73 = arith.constant 0 : i32
      %scan3A_74 = arith.constant 0 : i32
      %mul3A_75 = arith.constant 5 : i32
      %mul3A_76 = arith.muli %scan3A_74, %mul3A_75 : i32
      %add3A_77 = arith.constant 0 : i32
      %add3A_78 = arith.addi %mul3A_76, %add3A_77 : i32
      %dma_wait3A = arith.constant 0 : i32
      %dma_wait3A_79 = tpu.memref_slice %arg7[%add3A_78, %dma_wait3A] : memref<10x64xi32, #tpu.memory_space<vmem>> -> memref<1x64xi32, #tpu.memory_space<vmem>>
      %dma_wait3A_80 = tpu.memref_squeeze %dma_wait3A_79 : memref<1x64xi32, #tpu.memory_space<vmem>> -> memref<64xi32, #tpu.memory_space<vmem>>
      %dma_wait3A_81 = arith.constant 0 : i32
      %dma_wait3A_82 = arith.constant 0 : i32
      %dma_wait3A_83 = tpu.memref_slice %arg2[%dma_wait3A_81, %dma_wait3A_82] : memref<10000x128xf32, #tpu.memory_space<hbm>> -> memref<10000x128xf32, #tpu.memory_space<hbm>>
      tpu.wait_indirect_dma semaphore(%arg17 : memref<!tpu.dma_semaphore, #tpu.memory_space<semaphore_mem>>) src(%dma_wait3A_83 : memref<10000x128xf32, #tpu.memory_space<hbm>>) dst(%arg11 : memref<64x128xf32, #tpu.memory_space<vmem>>)
      %add3A_84 = arith.constant 0 : i32
      %add3A_85 = arith.addi %mul3A_76, %add3A_84 : i32
      %dma_start3A_86 = arith.constant 0 : i32
      %dma_start3A_87 = tpu.memref_slice %arg9[%add3A_85, %dma_start3A_86] : memref<10x64xi32, #tpu.memory_space<vmem>> -> memref<1x64xi32, #tpu.memory_space<vmem>>
      %dma_start3A_88 = tpu.memref_squeeze %dma_start3A_87 : memref<1x64xi32, #tpu.memory_space<vmem>> -> memref<64xi32, #tpu.memory_space<vmem>>
      %dma_start3A_89 = arith.constant 0 : i32
      %dma_start3A_90 = arith.constant 0 : i32
      %dma_start3A_91 = tpu.memref_slice %arg16[%dma_start3A_89, %dma_start3A_90] : memref<10112x128xf32, #tpu.memory_space<vmem_shared>> -> memref<10112x128xf32, #tpu.memory_space<vmem_shared>>
      tpu.enqueue_indirect_dma source(%arg11 : memref<64x128xf32, #tpu.memory_space<vmem>>) target(%dma_start3A_91 : memref<10112x128xf32, #tpu.memory_space<vmem_shared>>) offsets(%dma_start3A_88 : memref<64xi32, #tpu.memory_space<vmem>>) semaphore(%arg22 : memref<!tpu.dma_semaphore, #tpu.memory_space<semaphore_mem>>) {add = true}
      %add3A_92 = arith.constant 1 : i32
      %add3A_93 = arith.addi %mul3A_76, %add3A_92 : i32
      %dma_wait3A_94 = arith.constant 0 : i32
      %dma_wait3A_95 = tpu.memref_slice %arg7[%add3A_93, %dma_wait3A_94] : memref<10x64xi32, #tpu.memory_space<vmem>> -> memref<1x64xi32, #tpu.memory_space<vmem>>
      %dma_wait3A_96 = tpu.memref_squeeze %dma_wait3A_95 : memref<1x64xi32, #tpu.memory_space<vmem>> -> memref<64xi32, #tpu.memory_space<vmem>>
      %dma_wait3A_97 = arith.constant 0 : i32
      %dma_wait3A_98 = arith.constant 0 : i32
      %dma_wait3A_99 = tpu.memref_slice %arg2[%dma_wait3A_97, %dma_wait3A_98] : memref<10000x128xf32, #tpu.memory_space<hbm>> -> memref<10000x128xf32, #tpu.memory_space<hbm>>
      tpu.wait_indirect_dma semaphore(%arg18 : memref<!tpu.dma_semaphore, #tpu.memory_space<semaphore_mem>>) src(%dma_wait3A_99 : memref<10000x128xf32, #tpu.memory_space<hbm>>) dst(%arg12 : memref<64x128xf32, #tpu.memory_space<vmem>>)
      %add3A_100 = arith.constant 1 : i32
      %add3A_101 = arith.addi %mul3A_76, %add3A_100 : i32
      %dma_start3A_102 = arith.constant 0 : i32
      %dma_start3A_103 = tpu.memref_slice %arg9[%add3A_101, %dma_start3A_102] : memref<10x64xi32, #tpu.memory_space<vmem>> -> memref<1x64xi32, #tpu.memory_space<vmem>>
      %dma_start3A_104 = tpu.memref_squeeze %dma_start3A_103 : memref<1x64xi32, #tpu.memory_space<vmem>> -> memref<64xi32, #tpu.memory_space<vmem>>
      %dma_start3A_105 = arith.constant 0 : i32
      %dma_start3A_106 = arith.constant 0 : i32
      %dma_start3A_107 = tpu.memref_slice %arg16[%dma_start3A_105, %dma_start3A_106] : memref<10112x128xf32, #tpu.memory_space<vmem_shared>> -> memref<10112x128xf32, #tpu.memory_space<vmem_shared>>
      tpu.enqueue_indirect_dma source(%arg12 : memref<64x128xf32, #tpu.memory_space<vmem>>) target(%dma_start3A_107 : memref<10112x128xf32, #tpu.memory_space<vmem_shared>>) offsets(%dma_start3A_104 : memref<64xi32, #tpu.memory_space<vmem>>) semaphore(%arg23 : memref<!tpu.dma_semaphore, #tpu.memory_space<semaphore_mem>>) {add = true}
      %add3A_108 = arith.constant 2 : i32
      %add3A_109 = arith.addi %mul3A_76, %add3A_108 : i32
      %dma_wait3A_110 = arith.constant 0 : i32
      %dma_wait3A_111 = tpu.memref_slice %arg7[%add3A_109, %dma_wait3A_110] : memref<10x64xi32, #tpu.memory_space<vmem>> -> memref<1x64xi32, #tpu.memory_space<vmem>>
      %dma_wait3A_112 = tpu.memref_squeeze %dma_wait3A_111 : memref<1x64xi32, #tpu.memory_space<vmem>> -> memref<64xi32, #tpu.memory_space<vmem>>
      %dma_wait3A_113 = arith.constant 0 : i32
      %dma_wait3A_114 = arith.constant 0 : i32
      %dma_wait3A_115 = tpu.memref_slice %arg2[%dma_wait3A_113, %dma_wait3A_114] : memref<10000x128xf32, #tpu.memory_space<hbm>> -> memref<10000x128xf32, #tpu.memory_space<hbm>>
      tpu.wait_indirect_dma semaphore(%arg19 : memref<!tpu.dma_semaphore, #tpu.memory_space<semaphore_mem>>) src(%dma_wait3A_115 : memref<10000x128xf32, #tpu.memory_space<hbm>>) dst(%arg13 : memref<64x128xf32, #tpu.memory_space<vmem>>)
      %add3A_116 = arith.constant 2 : i32
      %add3A_117 = arith.addi %mul3A_76, %add3A_116 : i32
      %dma_start3A_118 = arith.constant 0 : i32
      %dma_start3A_119 = tpu.memref_slice %arg9[%add3A_117, %dma_start3A_118] : memref<10x64xi32, #tpu.memory_space<vmem>> -> memref<1x64xi32, #tpu.memory_space<vmem>>
      %dma_start3A_120 = tpu.memref_squeeze %dma_start3A_119 : memref<1x64xi32, #tpu.memory_space<vmem>> -> memref<64xi32, #tpu.memory_space<vmem>>
      %dma_start3A_121 = arith.constant 0 : i32
      %dma_start3A_122 = arith.constant 0 : i32
      %dma_start3A_123 = tpu.memref_slice %arg16[%dma_start3A_121, %dma_start3A_122] : memref<10112x128xf32, #tpu.memory_space<vmem_shared>> -> memref<10112x128xf32, #tpu.memory_space<vmem_shared>>
      tpu.enqueue_indirect_dma source(%arg13 : memref<64x128xf32, #tpu.memory_space<vmem>>) target(%dma_start3A_123 : memref<10112x128xf32, #tpu.memory_space<vmem_shared>>) offsets(%dma_start3A_120 : memref<64xi32, #tpu.memory_space<vmem>>) semaphore(%arg24 : memref<!tpu.dma_semaphore, #tpu.memory_space<semaphore_mem>>) {add = true}
      %add3A_124 = arith.constant 3 : i32
      %add3A_125 = arith.addi %mul3A_76, %add3A_124 : i32
      %dma_wait3A_126 = arith.constant 0 : i32
      %dma_wait3A_127 = tpu.memref_slice %arg7[%add3A_125, %dma_wait3A_126] : memref<10x64xi32, #tpu.memory_space<vmem>> -> memref<1x64xi32, #tpu.memory_space<vmem>>
      %dma_wait3A_128 = tpu.memref_squeeze %dma_wait3A_127 : memref<1x64xi32, #tpu.memory_space<vmem>> -> memref<64xi32, #tpu.memory_space<vmem>>
      %dma_wait3A_129 = arith.constant 0 : i32
      %dma_wait3A_130 = arith.constant 0 : i32
      %dma_wait3A_131 = tpu.memref_slice %arg2[%dma_wait3A_129, %dma_wait3A_130] : memref<10000x128xf32, #tpu.memory_space<hbm>> -> memref<10000x128xf32, #tpu.memory_space<hbm>>
      tpu.wait_indirect_dma semaphore(%arg20 : memref<!tpu.dma_semaphore, #tpu.memory_space<semaphore_mem>>) src(%dma_wait3A_131 : memref<10000x128xf32, #tpu.memory_space<hbm>>) dst(%arg14 : memref<64x128xf32, #tpu.memory_space<vmem>>)
      %add3A_132 = arith.constant 3 : i32
      %add3A_133 = arith.addi %mul3A_76, %add3A_132 : i32
      %dma_start3A_134 = arith.constant 0 : i32
      %dma_start3A_135 = tpu.memref_slice %arg9[%add3A_133, %dma_start3A_134] : memref<10x64xi32, #tpu.memory_space<vmem>> -> memref<1x64xi32, #tpu.memory_space<vmem>>
      %dma_start3A_136 = tpu.memref_squeeze %dma_start3A_135 : memref<1x64xi32, #tpu.memory_space<vmem>> -> memref<64xi32, #tpu.memory_space<vmem>>
      %dma_start3A_137 = arith.constant 0 : i32
      %dma_start3A_138 = arith.constant 0 : i32
      %dma_start3A_139 = tpu.memref_slice %arg16[%dma_start3A_137, %dma_start3A_138] : memref<10112x128xf32, #tpu.memory_space<vmem_shared>> -> memref<10112x128xf32, #tpu.memory_space<vmem_shared>>
      tpu.enqueue_indirect_dma source(%arg14 : memref<64x128xf32, #tpu.memory_space<vmem>>) target(%dma_start3A_139 : memref<10112x128xf32, #tpu.memory_space<vmem_shared>>) offsets(%dma_start3A_136 : memref<64xi32, #tpu.memory_space<vmem>>) semaphore(%arg25 : memref<!tpu.dma_semaphore, #tpu.memory_space<semaphore_mem>>) {add = true}
      %add3A_140 = arith.constant 4 : i32
      %add3A_141 = arith.addi %mul3A_76, %add3A_140 : i32
      %dma_wait3A_142 = arith.constant 0 : i32
      %dma_wait3A_143 = tpu.memref_slice %arg7[%add3A_141, %dma_wait3A_142] : memref<10x64xi32, #tpu.memory_space<vmem>> -> memref<1x64xi32, #tpu.memory_space<vmem>>
      %dma_wait3A_144 = tpu.memref_squeeze %dma_wait3A_143 : memref<1x64xi32, #tpu.memory_space<vmem>> -> memref<64xi32, #tpu.memory_space<vmem>>
      %dma_wait3A_145 = arith.constant 0 : i32
      %dma_wait3A_146 = arith.constant 0 : i32
      %dma_wait3A_147 = tpu.memref_slice %arg2[%dma_wait3A_145, %dma_wait3A_146] : memref<10000x128xf32, #tpu.memory_space<hbm>> -> memref<10000x128xf32, #tpu.memory_space<hbm>>
      tpu.wait_indirect_dma semaphore(%arg21 : memref<!tpu.dma_semaphore, #tpu.memory_space<semaphore_mem>>) src(%dma_wait3A_147 : memref<10000x128xf32, #tpu.memory_space<hbm>>) dst(%arg15 : memref<64x128xf32, #tpu.memory_space<vmem>>)
      %add3A_148 = arith.constant 4 : i32
      %add3A_149 = arith.addi %mul3A_76, %add3A_148 : i32
      %dma_start3A_150 = arith.constant 0 : i32
      %dma_start3A_151 = tpu.memref_slice %arg9[%add3A_149, %dma_start3A_150] : memref<10x64xi32, #tpu.memory_space<vmem>> -> memref<1x64xi32, #tpu.memory_space<vmem>>
      %dma_start3A_152 = tpu.memref_squeeze %dma_start3A_151 : memref<1x64xi32, #tpu.memory_space<vmem>> -> memref<64xi32, #tpu.memory_space<vmem>>
      %dma_start3A_153 = arith.constant 0 : i32
      %dma_start3A_154 = arith.constant 0 : i32
      %dma_start3A_155 = tpu.memref_slice %arg16[%dma_start3A_153, %dma_start3A_154] : memref<10112x128xf32, #tpu.memory_space<vmem_shared>> -> memref<10112x128xf32, #tpu.memory_space<vmem_shared>>
      tpu.enqueue_indirect_dma source(%arg15 : memref<64x128xf32, #tpu.memory_space<vmem>>) target(%dma_start3A_155 : memref<10112x128xf32, #tpu.memory_space<vmem_shared>>) offsets(%dma_start3A_152 : memref<64xi32, #tpu.memory_space<vmem>>) semaphore(%arg26 : memref<!tpu.dma_semaphore, #tpu.memory_space<semaphore_mem>>) {add = true}
      %add3A_156 = arith.constant 0 : i32
      %add3A_157 = arith.addi %mul3A_76, %add3A_156 : i32
      %dma_wait3A_158 = arith.constant 0 : i32
      %dma_wait3A_159 = tpu.memref_slice %arg9[%add3A_157, %dma_wait3A_158] : memref<10x64xi32, #tpu.memory_space<vmem>> -> memref<1x64xi32, #tpu.memory_space<vmem>>
      %dma_wait3A_160 = tpu.memref_squeeze %dma_wait3A_159 : memref<1x64xi32, #tpu.memory_space<vmem>> -> memref<64xi32, #tpu.memory_space<vmem>>
      %dma_wait3A_161 = arith.constant 0 : i32
      %dma_wait3A_162 = arith.constant 0 : i32
      %dma_wait3A_163 = tpu.memref_slice %arg16[%dma_wait3A_161, %dma_wait3A_162] : memref<10112x128xf32, #tpu.memory_space<vmem_shared>> -> memref<10112x128xf32, #tpu.memory_space<vmem_shared>>
      tpu.wait_indirect_dma semaphore(%arg22 : memref<!tpu.dma_semaphore, #tpu.memory_space<semaphore_mem>>) src(%arg11 : memref<64x128xf32, #tpu.memory_space<vmem>>) dst(%dma_wait3A_163 : memref<10112x128xf32, #tpu.memory_space<vmem_shared>>)
      %add3A_164 = arith.constant 5 : i32
      %add3A_165 = arith.addi %mul3A_76, %add3A_164 : i32
      %add3A_166 = arith.constant 0 : i32
      %add3A_167 = arith.addi %add3A_165, %add3A_166 : i32
      %dma_start3A_168 = arith.constant 0 : i32
      %dma_start3A_169 = tpu.memref_slice %arg7[%add3A_167, %dma_start3A_168] : memref<10x64xi32, #tpu.memory_space<vmem>> -> memref<1x64xi32, #tpu.memory_space<vmem>>
      %dma_start3A_170 = tpu.memref_squeeze %dma_start3A_169 : memref<1x64xi32, #tpu.memory_space<vmem>> -> memref<64xi32, #tpu.memory_space<vmem>>
      %dma_start3A_171 = arith.constant 0 : i32
      %dma_start3A_172 = arith.constant 0 : i32
      %dma_start3A_173 = tpu.memref_slice %arg2[%dma_start3A_171, %dma_start3A_172] : memref<10000x128xf32, #tpu.memory_space<hbm>> -> memref<10000x128xf32, #tpu.memory_space<hbm>>
      tpu.enqueue_indirect_dma source(%dma_start3A_173 : memref<10000x128xf32, #tpu.memory_space<hbm>>) target(%arg11 : memref<64x128xf32, #tpu.memory_space<vmem>>) offsets(%dma_start3A_170 : memref<64xi32, #tpu.memory_space<vmem>>) semaphore(%arg17 : memref<!tpu.dma_semaphore, #tpu.memory_space<semaphore_mem>>)
      %add3A_174 = arith.constant 1 : i32
      %add3A_175 = arith.addi %mul3A_76, %add3A_174 : i32
      %dma_wait3A_176 = arith.constant 0 : i32
      %dma_wait3A_177 = tpu.memref_slice %arg9[%add3A_175, %dma_wait3A_176] : memref<10x64xi32, #tpu.memory_space<vmem>> -> memref<1x64xi32, #tpu.memory_space<vmem>>
      %dma_wait3A_178 = tpu.memref_squeeze %dma_wait3A_177 : memref<1x64xi32, #tpu.memory_space<vmem>> -> memref<64xi32, #tpu.memory_space<vmem>>
      %dma_wait3A_179 = arith.constant 0 : i32
      %dma_wait3A_180 = arith.constant 0 : i32
      %dma_wait3A_181 = tpu.memref_slice %arg16[%dma_wait3A_179, %dma_wait3A_180] : memref<10112x128xf32, #tpu.memory_space<vmem_shared>> -> memref<10112x128xf32, #tpu.memory_space<vmem_shared>>
      tpu.wait_indirect_dma semaphore(%arg23 : memref<!tpu.dma_semaphore, #tpu.memory_space<semaphore_mem>>) src(%arg12 : memref<64x128xf32, #tpu.memory_space<vmem>>) dst(%dma_wait3A_181 : memref<10112x128xf32, #tpu.memory_space<vmem_shared>>)
      %add3A_182 = arith.constant 5 : i32
      %add3A_183 = arith.addi %mul3A_76, %add3A_182 : i32
      %add3A_184 = arith.constant 1 : i32
      %add3A_185 = arith.addi %add3A_183, %add3A_184 : i32
      %dma_start3A_186 = arith.constant 0 : i32
      %dma_start3A_187 = tpu.memref_slice %arg7[%add3A_185, %dma_start3A_186] : memref<10x64xi32, #tpu.memory_space<vmem>> -> memref<1x64xi32, #tpu.memory_space<vmem>>
      %dma_start3A_188 = tpu.memref_squeeze %dma_start3A_187 : memref<1x64xi32, #tpu.memory_space<vmem>> -> memref<64xi32, #tpu.memory_space<vmem>>
      %dma_start3A_189 = arith.constant 0 : i32
      %dma_start3A_190 = arith.constant 0 : i32
      %dma_start3A_191 = tpu.memref_slice %arg2[%dma_start3A_189, %dma_start3A_190] : memref<10000x128xf32, #tpu.memory_space<hbm>> -> memref<10000x128xf32, #tpu.memory_space<hbm>>
      tpu.enqueue_indirect_dma source(%dma_start3A_191 : memref<10000x128xf32, #tpu.memory_space<hbm>>) target(%arg12 : memref<64x128xf32, #tpu.memory_space<vmem>>) offsets(%dma_start3A_188 : memref<64xi32, #tpu.memory_space<vmem>>) semaphore(%arg18 : memref<!tpu.dma_semaphore, #tpu.memory_space<semaphore_mem>>)
      %add3A_192 = arith.constant 2 : i32
      %add3A_193 = arith.addi %mul3A_76, %add3A_192 : i32
      %dma_wait3A_194 = arith.constant 0 : i32
      %dma_wait3A_195 = tpu.memref_slice %arg9[%add3A_193, %dma_wait3A_194] : memref<10x64xi32, #tpu.memory_space<vmem>> -> memref<1x64xi32, #tpu.memory_space<vmem>>
      %dma_wait3A_196 = tpu.memref_squeeze %dma_wait3A_195 : memref<1x64xi32, #tpu.memory_space<vmem>> -> memref<64xi32, #tpu.memory_space<vmem>>
      %dma_wait3A_197 = arith.constant 0 : i32
      %dma_wait3A_198 = arith.constant 0 : i32
      %dma_wait3A_199 = tpu.memref_slice %arg16[%dma_wait3A_197, %dma_wait3A_198] : memref<10112x128xf32, #tpu.memory_space<vmem_shared>> -> memref<10112x128xf32, #tpu.memory_space<vmem_shared>>
      tpu.wait_indirect_dma semaphore(%arg24 : memref<!tpu.dma_semaphore, #tpu.memory_space<semaphore_mem>>) src(%arg13 : memref<64x128xf32, #tpu.memory_space<vmem>>) dst(%dma_wait3A_199 : memref<10112x128xf32, #tpu.memory_space<vmem_shared>>)
      %add3A_200 = arith.constant 5 : i32
      %add3A_201 = arith.addi %mul3A_76, %add3A_200 : i32
      %add3A_202 = arith.constant 2 : i32
      %add3A_203 = arith.addi %add3A_201, %add3A_202 : i32
      %dma_start3A_204 = arith.constant 0 : i32
      %dma_start3A_205 = tpu.memref_slice %arg7[%add3A_203, %dma_start3A_204] : memref<10x64xi32, #tpu.memory_space<vmem>> -> memref<1x64xi32, #tpu.memory_space<vmem>>
      %dma_start3A_206 = tpu.memref_squeeze %dma_start3A_205 : memref<1x64xi32, #tpu.memory_space<vmem>> -> memref<64xi32, #tpu.memory_space<vmem>>
      %dma_start3A_207 = arith.constant 0 : i32
      %dma_start3A_208 = arith.constant 0 : i32
      %dma_start3A_209 = tpu.memref_slice %arg2[%dma_start3A_207, %dma_start3A_208] : memref<10000x128xf32, #tpu.memory_space<hbm>> -> memref<10000x128xf32, #tpu.memory_space<hbm>>
      tpu.enqueue_indirect_dma source(%dma_start3A_209 : memref<10000x128xf32, #tpu.memory_space<hbm>>) target(%arg13 : memref<64x128xf32, #tpu.memory_space<vmem>>) offsets(%dma_start3A_206 : memref<64xi32, #tpu.memory_space<vmem>>) semaphore(%arg19 : memref<!tpu.dma_semaphore, #tpu.memory_space<semaphore_mem>>)
      %add3A_210 = arith.constant 3 : i32
      %add3A_211 = arith.addi %mul3A_76, %add3A_210 : i32
      %dma_wait3A_212 = arith.constant 0 : i32
      %dma_wait3A_213 = tpu.memref_slice %arg9[%add3A_211, %dma_wait3A_212] : memref<10x64xi32, #tpu.memory_space<vmem>> -> memref<1x64xi32, #tpu.memory_space<vmem>>
      %dma_wait3A_214 = tpu.memref_squeeze %dma_wait3A_213 : memref<1x64xi32, #tpu.memory_space<vmem>> -> memref<64xi32, #tpu.memory_space<vmem>>
      %dma_wait3A_215 = arith.constant 0 : i32
      %dma_wait3A_216 = arith.constant 0 : i32
      %dma_wait3A_217 = tpu.memref_slice %arg16[%dma_wait3A_215, %dma_wait3A_216] : memref<10112x128xf32, #tpu.memory_space<vmem_shared>> -> memref<10112x128xf32, #tpu.memory_space<vmem_shared>>
      tpu.wait_indirect_dma semaphore(%arg25 : memref<!tpu.dma_semaphore, #tpu.memory_space<semaphore_mem>>) src(%arg14 : memref<64x128xf32, #tpu.memory_space<vmem>>) dst(%dma_wait3A_217 : memref<10112x128xf32, #tpu.memory_space<vmem_shared>>)
      %add3A_218 = arith.constant 5 : i32
      %add3A_219 = arith.addi %mul3A_76, %add3A_218 : i32
      %add3A_220 = arith.constant 3 : i32
      %add3A_221 = arith.addi %add3A_219, %add3A_220 : i32
      %dma_start3A_222 = arith.constant 0 : i32
      %dma_start3A_223 = tpu.memref_slice %arg7[%add3A_221, %dma_start3A_222] : memref<10x64xi32, #tpu.memory_space<vmem>> -> memref<1x64xi32, #tpu.memory_space<vmem>>
      %dma_start3A_224 = tpu.memref_squeeze %dma_start3A_223 : memref<1x64xi32, #tpu.memory_space<vmem>> -> memref<64xi32, #tpu.memory_space<vmem>>
      %dma_start3A_225 = arith.constant 0 : i32
      %dma_start3A_226 = arith.constant 0 : i32
      %dma_start3A_227 = tpu.memref_slice %arg2[%dma_start3A_225, %dma_start3A_226] : memref<10000x128xf32, #tpu.memory_space<hbm>> -> memref<10000x128xf32, #tpu.memory_space<hbm>>
      tpu.enqueue_indirect_dma source(%dma_start3A_227 : memref<10000x128xf32, #tpu.memory_space<hbm>>) target(%arg14 : memref<64x128xf32, #tpu.memory_space<vmem>>) offsets(%dma_start3A_224 : memref<64xi32, #tpu.memory_space<vmem>>) semaphore(%arg20 : memref<!tpu.dma_semaphore, #tpu.memory_space<semaphore_mem>>)
      %add3A_228 = arith.constant 4 : i32
      %add3A_229 = arith.addi %mul3A_76, %add3A_228 : i32
      %dma_wait3A_230 = arith.constant 0 : i32
      %dma_wait3A_231 = tpu.memref_slice %arg9[%add3A_229, %dma_wait3A_230] : memref<10x64xi32, #tpu.memory_space<vmem>> -> memref<1x64xi32, #tpu.memory_space<vmem>>
      %dma_wait3A_232 = tpu.memref_squeeze %dma_wait3A_231 : memref<1x64xi32, #tpu.memory_space<vmem>> -> memref<64xi32, #tpu.memory_space<vmem>>
      %dma_wait3A_233 = arith.constant 0 : i32
      %dma_wait3A_234 = arith.constant 0 : i32
      %dma_wait3A_235 = tpu.memref_slice %arg16[%dma_wait3A_233, %dma_wait3A_234] : memref<10112x128xf32, #tpu.memory_space<vmem_shared>> -> memref<10112x128xf32, #tpu.memory_space<vmem_shared>>
      tpu.wait_indirect_dma semaphore(%arg26 : memref<!tpu.dma_semaphore, #tpu.memory_space<semaphore_mem>>) src(%arg15 : memref<64x128xf32, #tpu.memory_space<vmem>>) dst(%dma_wait3A_235 : memref<10112x128xf32, #tpu.memory_space<vmem_shared>>)
      %add3A_236 = arith.constant 5 : i32
      %add3A_237 = arith.addi %mul3A_76, %add3A_236 : i32
      %add3A_238 = arith.constant 4 : i32
      %add3A_239 = arith.addi %add3A_237, %add3A_238 : i32
      %dma_start3A_240 = arith.constant 0 : i32
      %dma_start3A_241 = tpu.memref_slice %arg7[%add3A_239, %dma_start3A_240] : memref<10x64xi32, #tpu.memory_space<vmem>> -> memref<1x64xi32, #tpu.memory_space<vmem>>
      %dma_start3A_242 = tpu.memref_squeeze %dma_start3A_241 : memref<1x64xi32, #tpu.memory_space<vmem>> -> memref<64xi32, #tpu.memory_space<vmem>>
      %dma_start3A_243 = arith.constant 0 : i32
      %dma_start3A_244 = arith.constant 0 : i32
      %dma_start3A_245 = tpu.memref_slice %arg2[%dma_start3A_243, %dma_start3A_244] : memref<10000x128xf32, #tpu.memory_space<hbm>> -> memref<10000x128xf32, #tpu.memory_space<hbm>>
      tpu.enqueue_indirect_dma source(%dma_start3A_245 : memref<10000x128xf32, #tpu.memory_space<hbm>>) target(%arg15 : memref<64x128xf32, #tpu.memory_space<vmem>>) offsets(%dma_start3A_242 : memref<64xi32, #tpu.memory_space<vmem>>) semaphore(%arg21 : memref<!tpu.dma_semaphore, #tpu.memory_space<semaphore_mem>>)
      %scan3A_246 = arith.constant 0 : i32
      %scan3A_247 = arith.constant 1 : i32
      %add3A_248 = arith.constant 1 : i32
      %add3A_249 = arith.addi %mul3A_72, %add3A_248 : i32
      %lt3A = arith.constant 16 : i32
      %lt3A_250 = arith.cmpi slt, %add3A_249, %lt3A : i32
      %convert_element_type3A = arith.extui %lt3A_250 : i1 to i32
      %cond3A = arith.constant 0 : i32
      %cond3A_251 = arith.cmpi ne, %convert_element_type3A, %cond3A : i32
      scf.if %cond3A_251 {
        %add3A_694 = arith.constant 1 : i32
        %add3A_695 = arith.addi %mul3A_72, %add3A_694 : i32
        %dma_wait3A_696 = arith.constant 0 : i32
        %dma_wait3A_697 = arith.constant 0 : i32
        %dma_wait3A_698 = tpu.memref_slice %arg3[%add3A, %add3A_695, %dma_wait3A_696, %dma_wait3A_697] : memref<32x16x10x64xi32, #tpu.memory_space<hbm>> -> memref<1x1x10x64xi32, #tpu.memory_space<hbm>>
        %dma_wait3A_699 = tpu.memref_squeeze %dma_wait3A_698 : memref<1x1x10x64xi32, #tpu.memory_space<hbm>> -> memref<10x64xi32, #tpu.memory_space<hbm>>
        %dma_wait3A_700 = arith.constant 0 : i32
        %dma_wait3A_701 = arith.constant 0 : i32
        %dma_wait3A_702 = tpu.memref_slice %arg3[%add3A, %add3A_695, %dma_wait3A_700, %dma_wait3A_701] : memref<32x16x10x64xi32, #tpu.memory_space<hbm>> -> memref<1x1x10x64xi32, #tpu.memory_space<hbm>>
        %dma_wait3A_703 = tpu.memref_squeeze %dma_wait3A_702 : memref<1x1x10x64xi32, #tpu.memory_space<hbm>> -> memref<10x64xi32, #tpu.memory_space<hbm>>
        tpu.wait_dma2 semaphore(%arg28 : memref<!tpu.dma_semaphore, #tpu.memory_space<semaphore_mem>>) src(%dma_wait3A_703 : memref<10x64xi32, #tpu.memory_space<hbm>>) dst(%arg8 : memref<10x64xi32, #tpu.memory_space<vmem>>)
        %dma_wait3A_704 = arith.constant 0 : i32
        %dma_wait3A_705 = arith.constant 0 : i32
        %dma_wait3A_706 = tpu.memref_slice %arg4[%add3A, %add3A_695, %dma_wait3A_704, %dma_wait3A_705] : memref<32x16x10x64xi32, #tpu.memory_space<hbm>> -> memref<1x1x10x64xi32, #tpu.memory_space<hbm>>
        %dma_wait3A_707 = tpu.memref_squeeze %dma_wait3A_706 : memref<1x1x10x64xi32, #tpu.memory_space<hbm>> -> memref<10x64xi32, #tpu.memory_space<hbm>>
        %dma_wait3A_708 = arith.constant 0 : i32
        %dma_wait3A_709 = arith.constant 0 : i32
        %dma_wait3A_710 = tpu.memref_slice %arg4[%add3A, %add3A_695, %dma_wait3A_708, %dma_wait3A_709] : memref<32x16x10x64xi32, #tpu.memory_space<hbm>> -> memref<1x1x10x64xi32, #tpu.memory_space<hbm>>
        %dma_wait3A_711 = tpu.memref_squeeze %dma_wait3A_710 : memref<1x1x10x64xi32, #tpu.memory_space<hbm>> -> memref<10x64xi32, #tpu.memory_space<hbm>>
        tpu.wait_dma2 semaphore(%arg28 : memref<!tpu.dma_semaphore, #tpu.memory_space<semaphore_mem>>) src(%dma_wait3A_711 : memref<10x64xi32, #tpu.memory_space<hbm>>) dst(%arg10 : memref<10x64xi32, #tpu.memory_space<vmem>>)
      } else {
      }
      %dma_wait3A_252 = arith.constant 5 : i32
      %dma_wait3A_253 = arith.constant 0 : i32
      %dma_wait3A_254 = tpu.memref_slice %arg7[%dma_wait3A_252, %dma_wait3A_253] : memref<10x64xi32, #tpu.memory_space<vmem>> -> memref<1x64xi32, #tpu.memory_space<vmem>>
      %dma_wait3A_255 = tpu.memref_squeeze %dma_wait3A_254 : memref<1x64xi32, #tpu.memory_space<vmem>> -> memref<64xi32, #tpu.memory_space<vmem>>
      %dma_wait3A_256 = arith.constant 0 : i32
      %dma_wait3A_257 = arith.constant 0 : i32
      %dma_wait3A_258 = tpu.memref_slice %arg2[%dma_wait3A_256, %dma_wait3A_257] : memref<10000x128xf32, #tpu.memory_space<hbm>> -> memref<10000x128xf32, #tpu.memory_space<hbm>>
      tpu.wait_indirect_dma semaphore(%arg17 : memref<!tpu.dma_semaphore, #tpu.memory_space<semaphore_mem>>) src(%dma_wait3A_258 : memref<10000x128xf32, #tpu.memory_space<hbm>>) dst(%arg11 : memref<64x128xf32, #tpu.memory_space<vmem>>)
      %dma_start3A_259 = arith.constant 5 : i32
      %dma_start3A_260 = arith.constant 0 : i32
      %dma_start3A_261 = tpu.memref_slice %arg9[%dma_start3A_259, %dma_start3A_260] : memref<10x64xi32, #tpu.memory_space<vmem>> -> memref<1x64xi32, #tpu.memory_space<vmem>>
      %dma_start3A_262 = tpu.memref_squeeze %dma_start3A_261 : memref<1x64xi32, #tpu.memory_space<vmem>> -> memref<64xi32, #tpu.memory_space<vmem>>
      %dma_start3A_263 = arith.constant 0 : i32
      %dma_start3A_264 = arith.constant 0 : i32
      %dma_start3A_265 = tpu.memref_slice %arg16[%dma_start3A_263, %dma_start3A_264] : memref<10112x128xf32, #tpu.memory_space<vmem_shared>> -> memref<10112x128xf32, #tpu.memory_space<vmem_shared>>
      tpu.enqueue_indirect_dma source(%arg11 : memref<64x128xf32, #tpu.memory_space<vmem>>) target(%dma_start3A_265 : memref<10112x128xf32, #tpu.memory_space<vmem_shared>>) offsets(%dma_start3A_262 : memref<64xi32, #tpu.memory_space<vmem>>) semaphore(%arg22 : memref<!tpu.dma_semaphore, #tpu.memory_space<semaphore_mem>>) {add = true}
      %dma_wait3A_266 = arith.constant 6 : i32
      %dma_wait3A_267 = arith.constant 0 : i32
      %dma_wait3A_268 = tpu.memref_slice %arg7[%dma_wait3A_266, %dma_wait3A_267] : memref<10x64xi32, #tpu.memory_space<vmem>> -> memref<1x64xi32, #tpu.memory_space<vmem>>
      %dma_wait3A_269 = tpu.memref_squeeze %dma_wait3A_268 : memref<1x64xi32, #tpu.memory_space<vmem>> -> memref<64xi32, #tpu.memory_space<vmem>>
      %dma_wait3A_270 = arith.constant 0 : i32
      %dma_wait3A_271 = arith.constant 0 : i32
      %dma_wait3A_272 = tpu.memref_slice %arg2[%dma_wait3A_270, %dma_wait3A_271] : memref<10000x128xf32, #tpu.memory_space<hbm>> -> memref<10000x128xf32, #tpu.memory_space<hbm>>
      tpu.wait_indirect_dma semaphore(%arg18 : memref<!tpu.dma_semaphore, #tpu.memory_space<semaphore_mem>>) src(%dma_wait3A_272 : memref<10000x128xf32, #tpu.memory_space<hbm>>) dst(%arg12 : memref<64x128xf32, #tpu.memory_space<vmem>>)
      %dma_start3A_273 = arith.constant 6 : i32
      %dma_start3A_274 = arith.constant 0 : i32
      %dma_start3A_275 = tpu.memref_slice %arg9[%dma_start3A_273, %dma_start3A_274] : memref<10x64xi32, #tpu.memory_space<vmem>> -> memref<1x64xi32, #tpu.memory_space<vmem>>
      %dma_start3A_276 = tpu.memref_squeeze %dma_start3A_275 : memref<1x64xi32, #tpu.memory_space<vmem>> -> memref<64xi32, #tpu.memory_space<vmem>>
      %dma_start3A_277 = arith.constant 0 : i32
      %dma_start3A_278 = arith.constant 0 : i32
      %dma_start3A_279 = tpu.memref_slice %arg16[%dma_start3A_277, %dma_start3A_278] : memref<10112x128xf32, #tpu.memory_space<vmem_shared>> -> memref<10112x128xf32, #tpu.memory_space<vmem_shared>>
      tpu.enqueue_indirect_dma source(%arg12 : memref<64x128xf32, #tpu.memory_space<vmem>>) target(%dma_start3A_279 : memref<10112x128xf32, #tpu.memory_space<vmem_shared>>) offsets(%dma_start3A_276 : memref<64xi32, #tpu.memory_space<vmem>>) semaphore(%arg23 : memref<!tpu.dma_semaphore, #tpu.memory_space<semaphore_mem>>) {add = true}
      %dma_wait3A_280 = arith.constant 7 : i32
      %dma_wait3A_281 = arith.constant 0 : i32
      %dma_wait3A_282 = tpu.memref_slice %arg7[%dma_wait3A_280, %dma_wait3A_281] : memref<10x64xi32, #tpu.memory_space<vmem>> -> memref<1x64xi32, #tpu.memory_space<vmem>>
      %dma_wait3A_283 = tpu.memref_squeeze %dma_wait3A_282 : memref<1x64xi32, #tpu.memory_space<vmem>> -> memref<64xi32, #tpu.memory_space<vmem>>
      %dma_wait3A_284 = arith.constant 0 : i32
      %dma_wait3A_285 = arith.constant 0 : i32
      %dma_wait3A_286 = tpu.memref_slice %arg2[%dma_wait3A_284, %dma_wait3A_285] : memref<10000x128xf32, #tpu.memory_space<hbm>> -> memref<10000x128xf32, #tpu.memory_space<hbm>>
      tpu.wait_indirect_dma semaphore(%arg19 : memref<!tpu.dma_semaphore, #tpu.memory_space<semaphore_mem>>) src(%dma_wait3A_286 : memref<10000x128xf32, #tpu.memory_space<hbm>>) dst(%arg13 : memref<64x128xf32, #tpu.memory_space<vmem>>)
      %dma_start3A_287 = arith.constant 7 : i32
      %dma_start3A_288 = arith.constant 0 : i32
      %dma_start3A_289 = tpu.memref_slice %arg9[%dma_start3A_287, %dma_start3A_288] : memref<10x64xi32, #tpu.memory_space<vmem>> -> memref<1x64xi32, #tpu.memory_space<vmem>>
      %dma_start3A_290 = tpu.memref_squeeze %dma_start3A_289 : memref<1x64xi32, #tpu.memory_space<vmem>> -> memref<64xi32, #tpu.memory_space<vmem>>
      %dma_start3A_291 = arith.constant 0 : i32
      %dma_start3A_292 = arith.constant 0 : i32
      %dma_start3A_293 = tpu.memref_slice %arg16[%dma_start3A_291, %dma_start3A_292] : memref<10112x128xf32, #tpu.memory_space<vmem_shared>> -> memref<10112x128xf32, #tpu.memory_space<vmem_shared>>
      tpu.enqueue_indirect_dma source(%arg13 : memref<64x128xf32, #tpu.memory_space<vmem>>) target(%dma_start3A_293 : memref<10112x128xf32, #tpu.memory_space<vmem_shared>>) offsets(%dma_start3A_290 : memref<64xi32, #tpu.memory_space<vmem>>) semaphore(%arg24 : memref<!tpu.dma_semaphore, #tpu.memory_space<semaphore_mem>>) {add = true}
      %dma_wait3A_294 = arith.constant 8 : i32
      %dma_wait3A_295 = arith.constant 0 : i32
      %dma_wait3A_296 = tpu.memref_slice %arg7[%dma_wait3A_294, %dma_wait3A_295] : memref<10x64xi32, #tpu.memory_space<vmem>> -> memref<1x64xi32, #tpu.memory_space<vmem>>
      %dma_wait3A_297 = tpu.memref_squeeze %dma_wait3A_296 : memref<1x64xi32, #tpu.memory_space<vmem>> -> memref<64xi32, #tpu.memory_space<vmem>>
      %dma_wait3A_298 = arith.constant 0 : i32
      %dma_wait3A_299 = arith.constant 0 : i32
      %dma_wait3A_300 = tpu.memref_slice %arg2[%dma_wait3A_298, %dma_wait3A_299] : memref<10000x128xf32, #tpu.memory_space<hbm>> -> memref<10000x128xf32, #tpu.memory_space<hbm>>
      tpu.wait_indirect_dma semaphore(%arg20 : memref<!tpu.dma_semaphore, #tpu.memory_space<semaphore_mem>>) src(%dma_wait3A_300 : memref<10000x128xf32, #tpu.memory_space<hbm>>) dst(%arg14 : memref<64x128xf32, #tpu.memory_space<vmem>>)
      %dma_start3A_301 = arith.constant 8 : i32
      %dma_start3A_302 = arith.constant 0 : i32
      %dma_start3A_303 = tpu.memref_slice %arg9[%dma_start3A_301, %dma_start3A_302] : memref<10x64xi32, #tpu.memory_space<vmem>> -> memref<1x64xi32, #tpu.memory_space<vmem>>
      %dma_start3A_304 = tpu.memref_squeeze %dma_start3A_303 : memref<1x64xi32, #tpu.memory_space<vmem>> -> memref<64xi32, #tpu.memory_space<vmem>>
      %dma_start3A_305 = arith.constant 0 : i32
      %dma_start3A_306 = arith.constant 0 : i32
      %dma_start3A_307 = tpu.memref_slice %arg16[%dma_start3A_305, %dma_start3A_306] : memref<10112x128xf32, #tpu.memory_space<vmem_shared>> -> memref<10112x128xf32, #tpu.memory_space<vmem_shared>>
      tpu.enqueue_indirect_dma source(%arg14 : memref<64x128xf32, #tpu.memory_space<vmem>>) target(%dma_start3A_307 : memref<10112x128xf32, #tpu.memory_space<vmem_shared>>) offsets(%dma_start3A_304 : memref<64xi32, #tpu.memory_space<vmem>>) semaphore(%arg25 : memref<!tpu.dma_semaphore, #tpu.memory_space<semaphore_mem>>) {add = true}
      %dma_wait3A_308 = arith.constant 9 : i32
      %dma_wait3A_309 = arith.constant 0 : i32
      %dma_wait3A_310 = tpu.memref_slice %arg7[%dma_wait3A_308, %dma_wait3A_309] : memref<10x64xi32, #tpu.memory_space<vmem>> -> memref<1x64xi32, #tpu.memory_space<vmem>>
      %dma_wait3A_311 = tpu.memref_squeeze %dma_wait3A_310 : memref<1x64xi32, #tpu.memory_space<vmem>> -> memref<64xi32, #tpu.memory_space<vmem>>
      %dma_wait3A_312 = arith.constant 0 : i32
      %dma_wait3A_313 = arith.constant 0 : i32
      %dma_wait3A_314 = tpu.memref_slice %arg2[%dma_wait3A_312, %dma_wait3A_313] : memref<10000x128xf32, #tpu.memory_space<hbm>> -> memref<10000x128xf32, #tpu.memory_space<hbm>>
      tpu.wait_indirect_dma semaphore(%arg21 : memref<!tpu.dma_semaphore, #tpu.memory_space<semaphore_mem>>) src(%dma_wait3A_314 : memref<10000x128xf32, #tpu.memory_space<hbm>>) dst(%arg15 : memref<64x128xf32, #tpu.memory_space<vmem>>)
      %dma_start3A_315 = arith.constant 9 : i32
      %dma_start3A_316 = arith.constant 0 : i32
      %dma_start3A_317 = tpu.memref_slice %arg9[%dma_start3A_315, %dma_start3A_316] : memref<10x64xi32, #tpu.memory_space<vmem>> -> memref<1x64xi32, #tpu.memory_space<vmem>>
      %dma_start3A_318 = tpu.memref_squeeze %dma_start3A_317 : memref<1x64xi32, #tpu.memory_space<vmem>> -> memref<64xi32, #tpu.memory_space<vmem>>
      %dma_start3A_319 = arith.constant 0 : i32
      %dma_start3A_320 = arith.constant 0 : i32
      %dma_start3A_321 = tpu.memref_slice %arg16[%dma_start3A_319, %dma_start3A_320] : memref<10112x128xf32, #tpu.memory_space<vmem_shared>> -> memref<10112x128xf32, #tpu.memory_space<vmem_shared>>
      tpu.enqueue_indirect_dma source(%arg15 : memref<64x128xf32, #tpu.memory_space<vmem>>) target(%dma_start3A_321 : memref<10112x128xf32, #tpu.memory_space<vmem_shared>>) offsets(%dma_start3A_318 : memref<64xi32, #tpu.memory_space<vmem>>) semaphore(%arg26 : memref<!tpu.dma_semaphore, #tpu.memory_space<semaphore_mem>>) {add = true}
      %dma_wait3A_322 = arith.constant 5 : i32
      %dma_wait3A_323 = arith.constant 0 : i32
      %dma_wait3A_324 = tpu.memref_slice %arg9[%dma_wait3A_322, %dma_wait3A_323] : memref<10x64xi32, #tpu.memory_space<vmem>> -> memref<1x64xi32, #tpu.memory_space<vmem>>
      %dma_wait3A_325 = tpu.memref_squeeze %dma_wait3A_324 : memref<1x64xi32, #tpu.memory_space<vmem>> -> memref<64xi32, #tpu.memory_space<vmem>>
      %dma_wait3A_326 = arith.constant 0 : i32
      %dma_wait3A_327 = arith.constant 0 : i32
      %dma_wait3A_328 = tpu.memref_slice %arg16[%dma_wait3A_326, %dma_wait3A_327] : memref<10112x128xf32, #tpu.memory_space<vmem_shared>> -> memref<10112x128xf32, #tpu.memory_space<vmem_shared>>
      tpu.wait_indirect_dma semaphore(%arg22 : memref<!tpu.dma_semaphore, #tpu.memory_space<semaphore_mem>>) src(%arg11 : memref<64x128xf32, #tpu.memory_space<vmem>>) dst(%dma_wait3A_328 : memref<10112x128xf32, #tpu.memory_space<vmem_shared>>)
      %convert_element_type3A_329 = arith.extui %lt3A_250 : i1 to i32
      %cond3A_330 = arith.constant 0 : i32
      %cond3A_331 = arith.cmpi ne, %convert_element_type3A_329, %cond3A_330 : i32
      scf.if %cond3A_331 {
        %dma_start3A_694 = arith.constant 0 : i32
        %dma_start3A_695 = arith.constant 0 : i32
        %dma_start3A_696 = tpu.memref_slice %arg8[%dma_start3A_694, %dma_start3A_695] : memref<10x64xi32, #tpu.memory_space<vmem>> -> memref<1x64xi32, #tpu.memory_space<vmem>>
        %dma_start3A_697 = tpu.memref_squeeze %dma_start3A_696 : memref<1x64xi32, #tpu.memory_space<vmem>> -> memref<64xi32, #tpu.memory_space<vmem>>
        %dma_start3A_698 = arith.constant 0 : i32
        %dma_start3A_699 = arith.constant 0 : i32
        %dma_start3A_700 = tpu.memref_slice %arg2[%dma_start3A_698, %dma_start3A_699] : memref<10000x128xf32, #tpu.memory_space<hbm>> -> memref<10000x128xf32, #tpu.memory_space<hbm>>
        tpu.enqueue_indirect_dma source(%dma_start3A_700 : memref<10000x128xf32, #tpu.memory_space<hbm>>) target(%arg11 : memref<64x128xf32, #tpu.memory_space<vmem>>) offsets(%dma_start3A_697 : memref<64xi32, #tpu.memory_space<vmem>>) semaphore(%arg17 : memref<!tpu.dma_semaphore, #tpu.memory_space<semaphore_mem>>)
      } else {
      }
      %dma_wait3A_332 = arith.constant 6 : i32
      %dma_wait3A_333 = arith.constant 0 : i32
      %dma_wait3A_334 = tpu.memref_slice %arg9[%dma_wait3A_332, %dma_wait3A_333] : memref<10x64xi32, #tpu.memory_space<vmem>> -> memref<1x64xi32, #tpu.memory_space<vmem>>
      %dma_wait3A_335 = tpu.memref_squeeze %dma_wait3A_334 : memref<1x64xi32, #tpu.memory_space<vmem>> -> memref<64xi32, #tpu.memory_space<vmem>>
      %dma_wait3A_336 = arith.constant 0 : i32
      %dma_wait3A_337 = arith.constant 0 : i32
      %dma_wait3A_338 = tpu.memref_slice %arg16[%dma_wait3A_336, %dma_wait3A_337] : memref<10112x128xf32, #tpu.memory_space<vmem_shared>> -> memref<10112x128xf32, #tpu.memory_space<vmem_shared>>
      tpu.wait_indirect_dma semaphore(%arg23 : memref<!tpu.dma_semaphore, #tpu.memory_space<semaphore_mem>>) src(%arg12 : memref<64x128xf32, #tpu.memory_space<vmem>>) dst(%dma_wait3A_338 : memref<10112x128xf32, #tpu.memory_space<vmem_shared>>)
      %convert_element_type3A_339 = arith.extui %lt3A_250 : i1 to i32
      %cond3A_340 = arith.constant 0 : i32
      %cond3A_341 = arith.cmpi ne, %convert_element_type3A_339, %cond3A_340 : i32
      scf.if %cond3A_341 {
        %dma_start3A_694 = arith.constant 1 : i32
        %dma_start3A_695 = arith.constant 0 : i32
        %dma_start3A_696 = tpu.memref_slice %arg8[%dma_start3A_694, %dma_start3A_695] : memref<10x64xi32, #tpu.memory_space<vmem>> -> memref<1x64xi32, #tpu.memory_space<vmem>>
        %dma_start3A_697 = tpu.memref_squeeze %dma_start3A_696 : memref<1x64xi32, #tpu.memory_space<vmem>> -> memref<64xi32, #tpu.memory_space<vmem>>
        %dma_start3A_698 = arith.constant 0 : i32
        %dma_start3A_699 = arith.constant 0 : i32
        %dma_start3A_700 = tpu.memref_slice %arg2[%dma_start3A_698, %dma_start3A_699] : memref<10000x128xf32, #tpu.memory_space<hbm>> -> memref<10000x128xf32, #tpu.memory_space<hbm>>
        tpu.enqueue_indirect_dma source(%dma_start3A_700 : memref<10000x128xf32, #tpu.memory_space<hbm>>) target(%arg12 : memref<64x128xf32, #tpu.memory_space<vmem>>) offsets(%dma_start3A_697 : memref<64xi32, #tpu.memory_space<vmem>>) semaphore(%arg18 : memref<!tpu.dma_semaphore, #tpu.memory_space<semaphore_mem>>)
      } else {
      }
      %dma_wait3A_342 = arith.constant 7 : i32
      %dma_wait3A_343 = arith.constant 0 : i32
      %dma_wait3A_344 = tpu.memref_slice %arg9[%dma_wait3A_342, %dma_wait3A_343] : memref<10x64xi32, #tpu.memory_space<vmem>> -> memref<1x64xi32, #tpu.memory_space<vmem>>
      %dma_wait3A_345 = tpu.memref_squeeze %dma_wait3A_344 : memref<1x64xi32, #tpu.memory_space<vmem>> -> memref<64xi32, #tpu.memory_space<vmem>>
      %dma_wait3A_346 = arith.constant 0 : i32
      %dma_wait3A_347 = arith.constant 0 : i32
      %dma_wait3A_348 = tpu.memref_slice %arg16[%dma_wait3A_346, %dma_wait3A_347] : memref<10112x128xf32, #tpu.memory_space<vmem_shared>> -> memref<10112x128xf32, #tpu.memory_space<vmem_shared>>
      tpu.wait_indirect_dma semaphore(%arg24 : memref<!tpu.dma_semaphore, #tpu.memory_space<semaphore_mem>>) src(%arg13 : memref<64x128xf32, #tpu.memory_space<vmem>>) dst(%dma_wait3A_348 : memref<10112x128xf32, #tpu.memory_space<vmem_shared>>)
      %convert_element_type3A_349 = arith.extui %lt3A_250 : i1 to i32
      %cond3A_350 = arith.constant 0 : i32
      %cond3A_351 = arith.cmpi ne, %convert_element_type3A_349, %cond3A_350 : i32
      scf.if %cond3A_351 {
        %dma_start3A_694 = arith.constant 2 : i32
        %dma_start3A_695 = arith.constant 0 : i32
        %dma_start3A_696 = tpu.memref_slice %arg8[%dma_start3A_694, %dma_start3A_695] : memref<10x64xi32, #tpu.memory_space<vmem>> -> memref<1x64xi32, #tpu.memory_space<vmem>>
        %dma_start3A_697 = tpu.memref_squeeze %dma_start3A_696 : memref<1x64xi32, #tpu.memory_space<vmem>> -> memref<64xi32, #tpu.memory_space<vmem>>
        %dma_start3A_698 = arith.constant 0 : i32
        %dma_start3A_699 = arith.constant 0 : i32
        %dma_start3A_700 = tpu.memref_slice %arg2[%dma_start3A_698, %dma_start3A_699] : memref<10000x128xf32, #tpu.memory_space<hbm>> -> memref<10000x128xf32, #tpu.memory_space<hbm>>
        tpu.enqueue_indirect_dma source(%dma_start3A_700 : memref<10000x128xf32, #tpu.memory_space<hbm>>) target(%arg13 : memref<64x128xf32, #tpu.memory_space<vmem>>) offsets(%dma_start3A_697 : memref<64xi32, #tpu.memory_space<vmem>>) semaphore(%arg19 : memref<!tpu.dma_semaphore, #tpu.memory_space<semaphore_mem>>)
      } else {
      }
      %dma_wait3A_352 = arith.constant 8 : i32
      %dma_wait3A_353 = arith.constant 0 : i32
      %dma_wait3A_354 = tpu.memref_slice %arg9[%dma_wait3A_352, %dma_wait3A_353] : memref<10x64xi32, #tpu.memory_space<vmem>> -> memref<1x64xi32, #tpu.memory_space<vmem>>
      %dma_wait3A_355 = tpu.memref_squeeze %dma_wait3A_354 : memref<1x64xi32, #tpu.memory_space<vmem>> -> memref<64xi32, #tpu.memory_space<vmem>>
      %dma_wait3A_356 = arith.constant 0 : i32
      %dma_wait3A_357 = arith.constant 0 : i32
      %dma_wait3A_358 = tpu.memref_slice %arg16[%dma_wait3A_356, %dma_wait3A_357] : memref<10112x128xf32, #tpu.memory_space<vmem_shared>> -> memref<10112x128xf32, #tpu.memory_space<vmem_shared>>
      tpu.wait_indirect_dma semaphore(%arg25 : memref<!tpu.dma_semaphore, #tpu.memory_space<semaphore_mem>>) src(%arg14 : memref<64x128xf32, #tpu.memory_space<vmem>>) dst(%dma_wait3A_358 : memref<10112x128xf32, #tpu.memory_space<vmem_shared>>)
      %convert_element_type3A_359 = arith.extui %lt3A_250 : i1 to i32
      %cond3A_360 = arith.constant 0 : i32
      %cond3A_361 = arith.cmpi ne, %convert_element_type3A_359, %cond3A_360 : i32
      scf.if %cond3A_361 {
        %dma_start3A_694 = arith.constant 3 : i32
        %dma_start3A_695 = arith.constant 0 : i32
        %dma_start3A_696 = tpu.memref_slice %arg8[%dma_start3A_694, %dma_start3A_695] : memref<10x64xi32, #tpu.memory_space<vmem>> -> memref<1x64xi32, #tpu.memory_space<vmem>>
        %dma_start3A_697 = tpu.memref_squeeze %dma_start3A_696 : memref<1x64xi32, #tpu.memory_space<vmem>> -> memref<64xi32, #tpu.memory_space<vmem>>
        %dma_start3A_698 = arith.constant 0 : i32
        %dma_start3A_699 = arith.constant 0 : i32
        %dma_start3A_700 = tpu.memref_slice %arg2[%dma_start3A_698, %dma_start3A_699] : memref<10000x128xf32, #tpu.memory_space<hbm>> -> memref<10000x128xf32, #tpu.memory_space<hbm>>
        tpu.enqueue_indirect_dma source(%dma_start3A_700 : memref<10000x128xf32, #tpu.memory_space<hbm>>) target(%arg14 : memref<64x128xf32, #tpu.memory_space<vmem>>) offsets(%dma_start3A_697 : memref<64xi32, #tpu.memory_space<vmem>>) semaphore(%arg20 : memref<!tpu.dma_semaphore, #tpu.memory_space<semaphore_mem>>)
      } else {
      }
      %dma_wait3A_362 = arith.constant 9 : i32
      %dma_wait3A_363 = arith.constant 0 : i32
      %dma_wait3A_364 = tpu.memref_slice %arg9[%dma_wait3A_362, %dma_wait3A_363] : memref<10x64xi32, #tpu.memory_space<vmem>> -> memref<1x64xi32, #tpu.memory_space<vmem>>
      %dma_wait3A_365 = tpu.memref_squeeze %dma_wait3A_364 : memref<1x64xi32, #tpu.memory_space<vmem>> -> memref<64xi32, #tpu.memory_space<vmem>>
      %dma_wait3A_366 = arith.constant 0 : i32
      %dma_wait3A_367 = arith.constant 0 : i32
      %dma_wait3A_368 = tpu.memref_slice %arg16[%dma_wait3A_366, %dma_wait3A_367] : memref<10112x128xf32, #tpu.memory_space<vmem_shared>> -> memref<10112x128xf32, #tpu.memory_space<vmem_shared>>
      tpu.wait_indirect_dma semaphore(%arg26 : memref<!tpu.dma_semaphore, #tpu.memory_space<semaphore_mem>>) src(%arg15 : memref<64x128xf32, #tpu.memory_space<vmem>>) dst(%dma_wait3A_368 : memref<10112x128xf32, #tpu.memory_space<vmem_shared>>)
      %convert_element_type3A_369 = arith.extui %lt3A_250 : i1 to i32
      %cond3A_370 = arith.constant 0 : i32
      %cond3A_371 = arith.cmpi ne, %convert_element_type3A_369, %cond3A_370 : i32
      scf.if %cond3A_371 {
        %dma_start3A_694 = arith.constant 4 : i32
        %dma_start3A_695 = arith.constant 0 : i32
        %dma_start3A_696 = tpu.memref_slice %arg8[%dma_start3A_694, %dma_start3A_695] : memref<10x64xi32, #tpu.memory_space<vmem>> -> memref<1x64xi32, #tpu.memory_space<vmem>>
        %dma_start3A_697 = tpu.memref_squeeze %dma_start3A_696 : memref<1x64xi32, #tpu.memory_space<vmem>> -> memref<64xi32, #tpu.memory_space<vmem>>
        %dma_start3A_698 = arith.constant 0 : i32
        %dma_start3A_699 = arith.constant 0 : i32
        %dma_start3A_700 = tpu.memref_slice %arg2[%dma_start3A_698, %dma_start3A_699] : memref<10000x128xf32, #tpu.memory_space<hbm>> -> memref<10000x128xf32, #tpu.memory_space<hbm>>
        tpu.enqueue_indirect_dma source(%dma_start3A_700 : memref<10000x128xf32, #tpu.memory_space<hbm>>) target(%arg15 : memref<64x128xf32, #tpu.memory_space<vmem>>) offsets(%dma_start3A_697 : memref<64xi32, #tpu.memory_space<vmem>>) semaphore(%arg21 : memref<!tpu.dma_semaphore, #tpu.memory_space<semaphore_mem>>)
      } else {
      }
      %add3A_372 = arith.constant 2 : i32
      %add3A_373 = arith.addi %mul3A_72, %add3A_372 : i32
      %lt3A_374 = arith.constant 16 : i32
      %lt3A_375 = arith.cmpi slt, %add3A_373, %lt3A_374 : i32
      %convert_element_type3A_376 = arith.extui %lt3A_375 : i1 to i32
      %cond3A_377 = arith.constant 0 : i32
      %cond3A_378 = arith.cmpi ne, %convert_element_type3A_376, %cond3A_377 : i32
      scf.if %cond3A_378 {
        %add3A_694 = arith.constant 2 : i32
        %add3A_695 = arith.addi %mul3A_72, %add3A_694 : i32
        %dma_start3A_696 = arith.constant 0 : i32
        %dma_start3A_697 = arith.constant 0 : i32
        %dma_start3A_698 = tpu.memref_slice %arg3[%add3A, %add3A_695, %dma_start3A_696, %dma_start3A_697] : memref<32x16x10x64xi32, #tpu.memory_space<hbm>> -> memref<1x1x10x64xi32, #tpu.memory_space<hbm>>
        %dma_start3A_699 = tpu.memref_squeeze %dma_start3A_698 : memref<1x1x10x64xi32, #tpu.memory_space<hbm>> -> memref<10x64xi32, #tpu.memory_space<hbm>>
        %dma_start3A_700 = arith.constant 0 : i32
        %dma_start3A_701 = arith.constant 0 : i32
        %dma_start3A_702 = tpu.memref_slice %arg3[%add3A, %add3A_695, %dma_start3A_700, %dma_start3A_701] : memref<32x16x10x64xi32, #tpu.memory_space<hbm>> -> memref<1x1x10x64xi32, #tpu.memory_space<hbm>>
        %dma_start3A_703 = tpu.memref_squeeze %dma_start3A_702 : memref<1x1x10x64xi32, #tpu.memory_space<hbm>> -> memref<10x64xi32, #tpu.memory_space<hbm>>
        tpu.enqueue_dma source(%dma_start3A_703 : memref<10x64xi32, #tpu.memory_space<hbm>>) target(%arg7 : memref<10x64xi32, #tpu.memory_space<vmem>>) target_semaphore(%arg27 : memref<!tpu.dma_semaphore, #tpu.memory_space<semaphore_mem>>)
        %dma_start3A_704 = arith.constant 0 : i32
        %dma_start3A_705 = arith.constant 0 : i32
        %dma_start3A_706 = tpu.memref_slice %arg4[%add3A, %add3A_695, %dma_start3A_704, %dma_start3A_705] : memref<32x16x10x64xi32, #tpu.memory_space<hbm>> -> memref<1x1x10x64xi32, #tpu.memory_space<hbm>>
        %dma_start3A_707 = tpu.memref_squeeze %dma_start3A_706 : memref<1x1x10x64xi32, #tpu.memory_space<hbm>> -> memref<10x64xi32, #tpu.memory_space<hbm>>
        %dma_start3A_708 = arith.constant 0 : i32
        %dma_start3A_709 = arith.constant 0 : i32
        %dma_start3A_710 = tpu.memref_slice %arg4[%add3A, %add3A_695, %dma_start3A_708, %dma_start3A_709] : memref<32x16x10x64xi32, #tpu.memory_space<hbm>> -> memref<1x1x10x64xi32, #tpu.memory_space<hbm>>
        %dma_start3A_711 = tpu.memref_squeeze %dma_start3A_710 : memref<1x1x10x64xi32, #tpu.memory_space<hbm>> -> memref<10x64xi32, #tpu.memory_space<hbm>>
        tpu.enqueue_dma source(%dma_start3A_711 : memref<10x64xi32, #tpu.memory_space<hbm>>) target(%arg9 : memref<10x64xi32, #tpu.memory_space<vmem>>) target_semaphore(%arg27 : memref<!tpu.dma_semaphore, #tpu.memory_space<semaphore_mem>>)
      } else {
      }
      %mul3A_379 = arith.constant 2 : i32
      %mul3A_380 = arith.muli %mul3A_379, %scan3A_69 : i32
      %add3A_381 = arith.constant 1 : i32
      %add3A_382 = arith.addi %mul3A_380, %add3A_381 : i32
      %scan3A_383 = arith.constant 0 : i32
      %scan3A_384 = arith.constant 0 : i32
      %mul3A_385 = arith.constant 5 : i32
      %mul3A_386 = arith.muli %scan3A_384, %mul3A_385 : i32
      %add3A_387 = arith.constant 0 : i32
      %add3A_388 = arith.addi %mul3A_386, %add3A_387 : i32
      %dma_wait3A_389 = arith.constant 0 : i32
      %dma_wait3A_390 = tpu.memref_slice %arg8[%add3A_388, %dma_wait3A_389] : memref<10x64xi32, #tpu.memory_space<vmem>> -> memref<1x64xi32, #tpu.memory_space<vmem>>
      %dma_wait3A_391 = tpu.memref_squeeze %dma_wait3A_390 : memref<1x64xi32, #tpu.memory_space<vmem>> -> memref<64xi32, #tpu.memory_space<vmem>>
      %dma_wait3A_392 = arith.constant 0 : i32
      %dma_wait3A_393 = arith.constant 0 : i32
      %dma_wait3A_394 = tpu.memref_slice %arg2[%dma_wait3A_392, %dma_wait3A_393] : memref<10000x128xf32, #tpu.memory_space<hbm>> -> memref<10000x128xf32, #tpu.memory_space<hbm>>
      tpu.wait_indirect_dma semaphore(%arg17 : memref<!tpu.dma_semaphore, #tpu.memory_space<semaphore_mem>>) src(%dma_wait3A_394 : memref<10000x128xf32, #tpu.memory_space<hbm>>) dst(%arg11 : memref<64x128xf32, #tpu.memory_space<vmem>>)
      %add3A_395 = arith.constant 0 : i32
      %add3A_396 = arith.addi %mul3A_386, %add3A_395 : i32
      %dma_start3A_397 = arith.constant 0 : i32
      %dma_start3A_398 = tpu.memref_slice %arg10[%add3A_396, %dma_start3A_397] : memref<10x64xi32, #tpu.memory_space<vmem>> -> memref<1x64xi32, #tpu.memory_space<vmem>>
      %dma_start3A_399 = tpu.memref_squeeze %dma_start3A_398 : memref<1x64xi32, #tpu.memory_space<vmem>> -> memref<64xi32, #tpu.memory_space<vmem>>
      %dma_start3A_400 = arith.constant 0 : i32
      %dma_start3A_401 = arith.constant 0 : i32
      %dma_start3A_402 = tpu.memref_slice %arg16[%dma_start3A_400, %dma_start3A_401] : memref<10112x128xf32, #tpu.memory_space<vmem_shared>> -> memref<10112x128xf32, #tpu.memory_space<vmem_shared>>
      tpu.enqueue_indirect_dma source(%arg11 : memref<64x128xf32, #tpu.memory_space<vmem>>) target(%dma_start3A_402 : memref<10112x128xf32, #tpu.memory_space<vmem_shared>>) offsets(%dma_start3A_399 : memref<64xi32, #tpu.memory_space<vmem>>) semaphore(%arg22 : memref<!tpu.dma_semaphore, #tpu.memory_space<semaphore_mem>>) {add = true}
      %add3A_403 = arith.constant 1 : i32
      %add3A_404 = arith.addi %mul3A_386, %add3A_403 : i32
      %dma_wait3A_405 = arith.constant 0 : i32
      %dma_wait3A_406 = tpu.memref_slice %arg8[%add3A_404, %dma_wait3A_405] : memref<10x64xi32, #tpu.memory_space<vmem>> -> memref<1x64xi32, #tpu.memory_space<vmem>>
      %dma_wait3A_407 = tpu.memref_squeeze %dma_wait3A_406 : memref<1x64xi32, #tpu.memory_space<vmem>> -> memref<64xi32, #tpu.memory_space<vmem>>
      %dma_wait3A_408 = arith.constant 0 : i32
      %dma_wait3A_409 = arith.constant 0 : i32
      %dma_wait3A_410 = tpu.memref_slice %arg2[%dma_wait3A_408, %dma_wait3A_409] : memref<10000x128xf32, #tpu.memory_space<hbm>> -> memref<10000x128xf32, #tpu.memory_space<hbm>>
      tpu.wait_indirect_dma semaphore(%arg18 : memref<!tpu.dma_semaphore, #tpu.memory_space<semaphore_mem>>) src(%dma_wait3A_410 : memref<10000x128xf32, #tpu.memory_space<hbm>>) dst(%arg12 : memref<64x128xf32, #tpu.memory_space<vmem>>)
      %add3A_411 = arith.constant 1 : i32
      %add3A_412 = arith.addi %mul3A_386, %add3A_411 : i32
      %dma_start3A_413 = arith.constant 0 : i32
      %dma_start3A_414 = tpu.memref_slice %arg10[%add3A_412, %dma_start3A_413] : memref<10x64xi32, #tpu.memory_space<vmem>> -> memref<1x64xi32, #tpu.memory_space<vmem>>
      %dma_start3A_415 = tpu.memref_squeeze %dma_start3A_414 : memref<1x64xi32, #tpu.memory_space<vmem>> -> memref<64xi32, #tpu.memory_space<vmem>>
      %dma_start3A_416 = arith.constant 0 : i32
      %dma_start3A_417 = arith.constant 0 : i32
      %dma_start3A_418 = tpu.memref_slice %arg16[%dma_start3A_416, %dma_start3A_417] : memref<10112x128xf32, #tpu.memory_space<vmem_shared>> -> memref<10112x128xf32, #tpu.memory_space<vmem_shared>>
      tpu.enqueue_indirect_dma source(%arg12 : memref<64x128xf32, #tpu.memory_space<vmem>>) target(%dma_start3A_418 : memref<10112x128xf32, #tpu.memory_space<vmem_shared>>) offsets(%dma_start3A_415 : memref<64xi32, #tpu.memory_space<vmem>>) semaphore(%arg23 : memref<!tpu.dma_semaphore, #tpu.memory_space<semaphore_mem>>) {add = true}
      %add3A_419 = arith.constant 2 : i32
      %add3A_420 = arith.addi %mul3A_386, %add3A_419 : i32
      %dma_wait3A_421 = arith.constant 0 : i32
      %dma_wait3A_422 = tpu.memref_slice %arg8[%add3A_420, %dma_wait3A_421] : memref<10x64xi32, #tpu.memory_space<vmem>> -> memref<1x64xi32, #tpu.memory_space<vmem>>
      %dma_wait3A_423 = tpu.memref_squeeze %dma_wait3A_422 : memref<1x64xi32, #tpu.memory_space<vmem>> -> memref<64xi32, #tpu.memory_space<vmem>>
      %dma_wait3A_424 = arith.constant 0 : i32
      %dma_wait3A_425 = arith.constant 0 : i32
      %dma_wait3A_426 = tpu.memref_slice %arg2[%dma_wait3A_424, %dma_wait3A_425] : memref<10000x128xf32, #tpu.memory_space<hbm>> -> memref<10000x128xf32, #tpu.memory_space<hbm>>
      tpu.wait_indirect_dma semaphore(%arg19 : memref<!tpu.dma_semaphore, #tpu.memory_space<semaphore_mem>>) src(%dma_wait3A_426 : memref<10000x128xf32, #tpu.memory_space<hbm>>) dst(%arg13 : memref<64x128xf32, #tpu.memory_space<vmem>>)
      %add3A_427 = arith.constant 2 : i32
      %add3A_428 = arith.addi %mul3A_386, %add3A_427 : i32
      %dma_start3A_429 = arith.constant 0 : i32
      %dma_start3A_430 = tpu.memref_slice %arg10[%add3A_428, %dma_start3A_429] : memref<10x64xi32, #tpu.memory_space<vmem>> -> memref<1x64xi32, #tpu.memory_space<vmem>>
      %dma_start3A_431 = tpu.memref_squeeze %dma_start3A_430 : memref<1x64xi32, #tpu.memory_space<vmem>> -> memref<64xi32, #tpu.memory_space<vmem>>
      %dma_start3A_432 = arith.constant 0 : i32
      %dma_start3A_433 = arith.constant 0 : i32
      %dma_start3A_434 = tpu.memref_slice %arg16[%dma_start3A_432, %dma_start3A_433] : memref<10112x128xf32, #tpu.memory_space<vmem_shared>> -> memref<10112x128xf32, #tpu.memory_space<vmem_shared>>
      tpu.enqueue_indirect_dma source(%arg13 : memref<64x128xf32, #tpu.memory_space<vmem>>) target(%dma_start3A_434 : memref<10112x128xf32, #tpu.memory_space<vmem_shared>>) offsets(%dma_start3A_431 : memref<64xi32, #tpu.memory_space<vmem>>) semaphore(%arg24 : memref<!tpu.dma_semaphore, #tpu.memory_space<semaphore_mem>>) {add = true}
      %add3A_435 = arith.constant 3 : i32
      %add3A_436 = arith.addi %mul3A_386, %add3A_435 : i32
      %dma_wait3A_437 = arith.constant 0 : i32
      %dma_wait3A_438 = tpu.memref_slice %arg8[%add3A_436, %dma_wait3A_437] : memref<10x64xi32, #tpu.memory_space<vmem>> -> memref<1x64xi32, #tpu.memory_space<vmem>>
      %dma_wait3A_439 = tpu.memref_squeeze %dma_wait3A_438 : memref<1x64xi32, #tpu.memory_space<vmem>> -> memref<64xi32, #tpu.memory_space<vmem>>
      %dma_wait3A_440 = arith.constant 0 : i32
      %dma_wait3A_441 = arith.constant 0 : i32
      %dma_wait3A_442 = tpu.memref_slice %arg2[%dma_wait3A_440, %dma_wait3A_441] : memref<10000x128xf32, #tpu.memory_space<hbm>> -> memref<10000x128xf32, #tpu.memory_space<hbm>>
      tpu.wait_indirect_dma semaphore(%arg20 : memref<!tpu.dma_semaphore, #tpu.memory_space<semaphore_mem>>) src(%dma_wait3A_442 : memref<10000x128xf32, #tpu.memory_space<hbm>>) dst(%arg14 : memref<64x128xf32, #tpu.memory_space<vmem>>)
      %add3A_443 = arith.constant 3 : i32
      %add3A_444 = arith.addi %mul3A_386, %add3A_443 : i32
      %dma_start3A_445 = arith.constant 0 : i32
      %dma_start3A_446 = tpu.memref_slice %arg10[%add3A_444, %dma_start3A_445] : memref<10x64xi32, #tpu.memory_space<vmem>> -> memref<1x64xi32, #tpu.memory_space<vmem>>
      %dma_start3A_447 = tpu.memref_squeeze %dma_start3A_446 : memref<1x64xi32, #tpu.memory_space<vmem>> -> memref<64xi32, #tpu.memory_space<vmem>>
      %dma_start3A_448 = arith.constant 0 : i32
      %dma_start3A_449 = arith.constant 0 : i32
      %dma_start3A_450 = tpu.memref_slice %arg16[%dma_start3A_448, %dma_start3A_449] : memref<10112x128xf32, #tpu.memory_space<vmem_shared>> -> memref<10112x128xf32, #tpu.memory_space<vmem_shared>>
      tpu.enqueue_indirect_dma source(%arg14 : memref<64x128xf32, #tpu.memory_space<vmem>>) target(%dma_start3A_450 : memref<10112x128xf32, #tpu.memory_space<vmem_shared>>) offsets(%dma_start3A_447 : memref<64xi32, #tpu.memory_space<vmem>>) semaphore(%arg25 : memref<!tpu.dma_semaphore, #tpu.memory_space<semaphore_mem>>) {add = true}
      %add3A_451 = arith.constant 4 : i32
      %add3A_452 = arith.addi %mul3A_386, %add3A_451 : i32
      %dma_wait3A_453 = arith.constant 0 : i32
      %dma_wait3A_454 = tpu.memref_slice %arg8[%add3A_452, %dma_wait3A_453] : memref<10x64xi32, #tpu.memory_space<vmem>> -> memref<1x64xi32, #tpu.memory_space<vmem>>
      %dma_wait3A_455 = tpu.memref_squeeze %dma_wait3A_454 : memref<1x64xi32, #tpu.memory_space<vmem>> -> memref<64xi32, #tpu.memory_space<vmem>>
      %dma_wait3A_456 = arith.constant 0 : i32
      %dma_wait3A_457 = arith.constant 0 : i32
      %dma_wait3A_458 = tpu.memref_slice %arg2[%dma_wait3A_456, %dma_wait3A_457] : memref<10000x128xf32, #tpu.memory_space<hbm>> -> memref<10000x128xf32, #tpu.memory_space<hbm>>
      tpu.wait_indirect_dma semaphore(%arg21 : memref<!tpu.dma_semaphore, #tpu.memory_space<semaphore_mem>>) src(%dma_wait3A_458 : memref<10000x128xf32, #tpu.memory_space<hbm>>) dst(%arg15 : memref<64x128xf32, #tpu.memory_space<vmem>>)
      %add3A_459 = arith.constant 4 : i32
      %add3A_460 = arith.addi %mul3A_386, %add3A_459 : i32
      %dma_start3A_461 = arith.constant 0 : i32
      %dma_start3A_462 = tpu.memref_slice %arg10[%add3A_460, %dma_start3A_461] : memref<10x64xi32, #tpu.memory_space<vmem>> -> memref<1x64xi32, #tpu.memory_space<vmem>>
      %dma_start3A_463 = tpu.memref_squeeze %dma_start3A_462 : memref<1x64xi32, #tpu.memory_space<vmem>> -> memref<64xi32, #tpu.memory_space<vmem>>
      %dma_start3A_464 = arith.constant 0 : i32
      %dma_start3A_465 = arith.constant 0 : i32
      %dma_start3A_466 = tpu.memref_slice %arg16[%dma_start3A_464, %dma_start3A_465] : memref<10112x128xf32, #tpu.memory_space<vmem_shared>> -> memref<10112x128xf32, #tpu.memory_space<vmem_shared>>
      tpu.enqueue_indirect_dma source(%arg15 : memref<64x128xf32, #tpu.memory_space<vmem>>) target(%dma_start3A_466 : memref<10112x128xf32, #tpu.memory_space<vmem_shared>>) offsets(%dma_start3A_463 : memref<64xi32, #tpu.memory_space<vmem>>) semaphore(%arg26 : memref<!tpu.dma_semaphore, #tpu.memory_space<semaphore_mem>>) {add = true}
      %add3A_467 = arith.constant 0 : i32
      %add3A_468 = arith.addi %mul3A_386, %add3A_467 : i32
      %dma_wait3A_469 = arith.constant 0 : i32
      %dma_wait3A_470 = tpu.memref_slice %arg10[%add3A_468, %dma_wait3A_469] : memref<10x64xi32, #tpu.memory_space<vmem>> -> memref<1x64xi32, #tpu.memory_space<vmem>>
      %dma_wait3A_471 = tpu.memref_squeeze %dma_wait3A_470 : memref<1x64xi32, #tpu.memory_space<vmem>> -> memref<64xi32, #tpu.memory_space<vmem>>
      %dma_wait3A_472 = arith.constant 0 : i32
      %dma_wait3A_473 = arith.constant 0 : i32
      %dma_wait3A_474 = tpu.memref_slice %arg16[%dma_wait3A_472, %dma_wait3A_473] : memref<10112x128xf32, #tpu.memory_space<vmem_shared>> -> memref<10112x128xf32, #tpu.memory_space<vmem_shared>>
      tpu.wait_indirect_dma semaphore(%arg22 : memref<!tpu.dma_semaphore, #tpu.memory_space<semaphore_mem>>) src(%arg11 : memref<64x128xf32, #tpu.memory_space<vmem>>) dst(%dma_wait3A_474 : memref<10112x128xf32, #tpu.memory_space<vmem_shared>>)
      %add3A_475 = arith.constant 5 : i32
      %add3A_476 = arith.addi %mul3A_386, %add3A_475 : i32
      %add3A_477 = arith.constant 0 : i32
      %add3A_478 = arith.addi %add3A_476, %add3A_477 : i32
      %dma_start3A_479 = arith.constant 0 : i32
      %dma_start3A_480 = tpu.memref_slice %arg8[%add3A_478, %dma_start3A_479] : memref<10x64xi32, #tpu.memory_space<vmem>> -> memref<1x64xi32, #tpu.memory_space<vmem>>
      %dma_start3A_481 = tpu.memref_squeeze %dma_start3A_480 : memref<1x64xi32, #tpu.memory_space<vmem>> -> memref<64xi32, #tpu.memory_space<vmem>>
      %dma_start3A_482 = arith.constant 0 : i32
      %dma_start3A_483 = arith.constant 0 : i32
      %dma_start3A_484 = tpu.memref_slice %arg2[%dma_start3A_482, %dma_start3A_483] : memref<10000x128xf32, #tpu.memory_space<hbm>> -> memref<10000x128xf32, #tpu.memory_space<hbm>>
      tpu.enqueue_indirect_dma source(%dma_start3A_484 : memref<10000x128xf32, #tpu.memory_space<hbm>>) target(%arg11 : memref<64x128xf32, #tpu.memory_space<vmem>>) offsets(%dma_start3A_481 : memref<64xi32, #tpu.memory_space<vmem>>) semaphore(%arg17 : memref<!tpu.dma_semaphore, #tpu.memory_space<semaphore_mem>>)
      %add3A_485 = arith.constant 1 : i32
      %add3A_486 = arith.addi %mul3A_386, %add3A_485 : i32
      %dma_wait3A_487 = arith.constant 0 : i32
      %dma_wait3A_488 = tpu.memref_slice %arg10[%add3A_486, %dma_wait3A_487] : memref<10x64xi32, #tpu.memory_space<vmem>> -> memref<1x64xi32, #tpu.memory_space<vmem>>
      %dma_wait3A_489 = tpu.memref_squeeze %dma_wait3A_488 : memref<1x64xi32, #tpu.memory_space<vmem>> -> memref<64xi32, #tpu.memory_space<vmem>>
      %dma_wait3A_490 = arith.constant 0 : i32
      %dma_wait3A_491 = arith.constant 0 : i32
      %dma_wait3A_492 = tpu.memref_slice %arg16[%dma_wait3A_490, %dma_wait3A_491] : memref<10112x128xf32, #tpu.memory_space<vmem_shared>> -> memref<10112x128xf32, #tpu.memory_space<vmem_shared>>
      tpu.wait_indirect_dma semaphore(%arg23 : memref<!tpu.dma_semaphore, #tpu.memory_space<semaphore_mem>>) src(%arg12 : memref<64x128xf32, #tpu.memory_space<vmem>>) dst(%dma_wait3A_492 : memref<10112x128xf32, #tpu.memory_space<vmem_shared>>)
      %add3A_493 = arith.constant 5 : i32
      %add3A_494 = arith.addi %mul3A_386, %add3A_493 : i32
      %add3A_495 = arith.constant 1 : i32
      %add3A_496 = arith.addi %add3A_494, %add3A_495 : i32
      %dma_start3A_497 = arith.constant 0 : i32
      %dma_start3A_498 = tpu.memref_slice %arg8[%add3A_496, %dma_start3A_497] : memref<10x64xi32, #tpu.memory_space<vmem>> -> memref<1x64xi32, #tpu.memory_space<vmem>>
      %dma_start3A_499 = tpu.memref_squeeze %dma_start3A_498 : memref<1x64xi32, #tpu.memory_space<vmem>> -> memref<64xi32, #tpu.memory_space<vmem>>
      %dma_start3A_500 = arith.constant 0 : i32
      %dma_start3A_501 = arith.constant 0 : i32
      %dma_start3A_502 = tpu.memref_slice %arg2[%dma_start3A_500, %dma_start3A_501] : memref<10000x128xf32, #tpu.memory_space<hbm>> -> memref<10000x128xf32, #tpu.memory_space<hbm>>
      tpu.enqueue_indirect_dma source(%dma_start3A_502 : memref<10000x128xf32, #tpu.memory_space<hbm>>) target(%arg12 : memref<64x128xf32, #tpu.memory_space<vmem>>) offsets(%dma_start3A_499 : memref<64xi32, #tpu.memory_space<vmem>>) semaphore(%arg18 : memref<!tpu.dma_semaphore, #tpu.memory_space<semaphore_mem>>)
      %add3A_503 = arith.constant 2 : i32
      %add3A_504 = arith.addi %mul3A_386, %add3A_503 : i32
      %dma_wait3A_505 = arith.constant 0 : i32
      %dma_wait3A_506 = tpu.memref_slice %arg10[%add3A_504, %dma_wait3A_505] : memref<10x64xi32, #tpu.memory_space<vmem>> -> memref<1x64xi32, #tpu.memory_space<vmem>>
      %dma_wait3A_507 = tpu.memref_squeeze %dma_wait3A_506 : memref<1x64xi32, #tpu.memory_space<vmem>> -> memref<64xi32, #tpu.memory_space<vmem>>
      %dma_wait3A_508 = arith.constant 0 : i32
      %dma_wait3A_509 = arith.constant 0 : i32
      %dma_wait3A_510 = tpu.memref_slice %arg16[%dma_wait3A_508, %dma_wait3A_509] : memref<10112x128xf32, #tpu.memory_space<vmem_shared>> -> memref<10112x128xf32, #tpu.memory_space<vmem_shared>>
      tpu.wait_indirect_dma semaphore(%arg24 : memref<!tpu.dma_semaphore, #tpu.memory_space<semaphore_mem>>) src(%arg13 : memref<64x128xf32, #tpu.memory_space<vmem>>) dst(%dma_wait3A_510 : memref<10112x128xf32, #tpu.memory_space<vmem_shared>>)
      %add3A_511 = arith.constant 5 : i32
      %add3A_512 = arith.addi %mul3A_386, %add3A_511 : i32
      %add3A_513 = arith.constant 2 : i32
      %add3A_514 = arith.addi %add3A_512, %add3A_513 : i32
      %dma_start3A_515 = arith.constant 0 : i32
      %dma_start3A_516 = tpu.memref_slice %arg8[%add3A_514, %dma_start3A_515] : memref<10x64xi32, #tpu.memory_space<vmem>> -> memref<1x64xi32, #tpu.memory_space<vmem>>
      %dma_start3A_517 = tpu.memref_squeeze %dma_start3A_516 : memref<1x64xi32, #tpu.memory_space<vmem>> -> memref<64xi32, #tpu.memory_space<vmem>>
      %dma_start3A_518 = arith.constant 0 : i32
      %dma_start3A_519 = arith.constant 0 : i32
      %dma_start3A_520 = tpu.memref_slice %arg2[%dma_start3A_518, %dma_start3A_519] : memref<10000x128xf32, #tpu.memory_space<hbm>> -> memref<10000x128xf32, #tpu.memory_space<hbm>>
      tpu.enqueue_indirect_dma source(%dma_start3A_520 : memref<10000x128xf32, #tpu.memory_space<hbm>>) target(%arg13 : memref<64x128xf32, #tpu.memory_space<vmem>>) offsets(%dma_start3A_517 : memref<64xi32, #tpu.memory_space<vmem>>) semaphore(%arg19 : memref<!tpu.dma_semaphore, #tpu.memory_space<semaphore_mem>>)
      %add3A_521 = arith.constant 3 : i32
      %add3A_522 = arith.addi %mul3A_386, %add3A_521 : i32
      %dma_wait3A_523 = arith.constant 0 : i32
      %dma_wait3A_524 = tpu.memref_slice %arg10[%add3A_522, %dma_wait3A_523] : memref<10x64xi32, #tpu.memory_space<vmem>> -> memref<1x64xi32, #tpu.memory_space<vmem>>
      %dma_wait3A_525 = tpu.memref_squeeze %dma_wait3A_524 : memref<1x64xi32, #tpu.memory_space<vmem>> -> memref<64xi32, #tpu.memory_space<vmem>>
      %dma_wait3A_526 = arith.constant 0 : i32
      %dma_wait3A_527 = arith.constant 0 : i32
      %dma_wait3A_528 = tpu.memref_slice %arg16[%dma_wait3A_526, %dma_wait3A_527] : memref<10112x128xf32, #tpu.memory_space<vmem_shared>> -> memref<10112x128xf32, #tpu.memory_space<vmem_shared>>
      tpu.wait_indirect_dma semaphore(%arg25 : memref<!tpu.dma_semaphore, #tpu.memory_space<semaphore_mem>>) src(%arg14 : memref<64x128xf32, #tpu.memory_space<vmem>>) dst(%dma_wait3A_528 : memref<10112x128xf32, #tpu.memory_space<vmem_shared>>)
      %add3A_529 = arith.constant 5 : i32
      %add3A_530 = arith.addi %mul3A_386, %add3A_529 : i32
      %add3A_531 = arith.constant 3 : i32
      %add3A_532 = arith.addi %add3A_530, %add3A_531 : i32
      %dma_start3A_533 = arith.constant 0 : i32
      %dma_start3A_534 = tpu.memref_slice %arg8[%add3A_532, %dma_start3A_533] : memref<10x64xi32, #tpu.memory_space<vmem>> -> memref<1x64xi32, #tpu.memory_space<vmem>>
      %dma_start3A_535 = tpu.memref_squeeze %dma_start3A_534 : memref<1x64xi32, #tpu.memory_space<vmem>> -> memref<64xi32, #tpu.memory_space<vmem>>
      %dma_start3A_536 = arith.constant 0 : i32
      %dma_start3A_537 = arith.constant 0 : i32
      %dma_start3A_538 = tpu.memref_slice %arg2[%dma_start3A_536, %dma_start3A_537] : memref<10000x128xf32, #tpu.memory_space<hbm>> -> memref<10000x128xf32, #tpu.memory_space<hbm>>
      tpu.enqueue_indirect_dma source(%dma_start3A_538 : memref<10000x128xf32, #tpu.memory_space<hbm>>) target(%arg14 : memref<64x128xf32, #tpu.memory_space<vmem>>) offsets(%dma_start3A_535 : memref<64xi32, #tpu.memory_space<vmem>>) semaphore(%arg20 : memref<!tpu.dma_semaphore, #tpu.memory_space<semaphore_mem>>)
      %add3A_539 = arith.constant 4 : i32
      %add3A_540 = arith.addi %mul3A_386, %add3A_539 : i32
      %dma_wait3A_541 = arith.constant 0 : i32
      %dma_wait3A_542 = tpu.memref_slice %arg10[%add3A_540, %dma_wait3A_541] : memref<10x64xi32, #tpu.memory_space<vmem>> -> memref<1x64xi32, #tpu.memory_space<vmem>>
      %dma_wait3A_543 = tpu.memref_squeeze %dma_wait3A_542 : memref<1x64xi32, #tpu.memory_space<vmem>> -> memref<64xi32, #tpu.memory_space<vmem>>
      %dma_wait3A_544 = arith.constant 0 : i32
      %dma_wait3A_545 = arith.constant 0 : i32
      %dma_wait3A_546 = tpu.memref_slice %arg16[%dma_wait3A_544, %dma_wait3A_545] : memref<10112x128xf32, #tpu.memory_space<vmem_shared>> -> memref<10112x128xf32, #tpu.memory_space<vmem_shared>>
      tpu.wait_indirect_dma semaphore(%arg26 : memref<!tpu.dma_semaphore, #tpu.memory_space<semaphore_mem>>) src(%arg15 : memref<64x128xf32, #tpu.memory_space<vmem>>) dst(%dma_wait3A_546 : memref<10112x128xf32, #tpu.memory_space<vmem_shared>>)
      %add3A_547 = arith.constant 5 : i32
      %add3A_548 = arith.addi %mul3A_386, %add3A_547 : i32
      %add3A_549 = arith.constant 4 : i32
      %add3A_550 = arith.addi %add3A_548, %add3A_549 : i32
      %dma_start3A_551 = arith.constant 0 : i32
      %dma_start3A_552 = tpu.memref_slice %arg8[%add3A_550, %dma_start3A_551] : memref<10x64xi32, #tpu.memory_space<vmem>> -> memref<1x64xi32, #tpu.memory_space<vmem>>
      %dma_start3A_553 = tpu.memref_squeeze %dma_start3A_552 : memref<1x64xi32, #tpu.memory_space<vmem>> -> memref<64xi32, #tpu.memory_space<vmem>>
      %dma_start3A_554 = arith.constant 0 : i32
      %dma_start3A_555 = arith.constant 0 : i32
      %dma_start3A_556 = tpu.memref_slice %arg2[%dma_start3A_554, %dma_start3A_555] : memref<10000x128xf32, #tpu.memory_space<hbm>> -> memref<10000x128xf32, #tpu.memory_space<hbm>>
      tpu.enqueue_indirect_dma source(%dma_start3A_556 : memref<10000x128xf32, #tpu.memory_space<hbm>>) target(%arg15 : memref<64x128xf32, #tpu.memory_space<vmem>>) offsets(%dma_start3A_553 : memref<64xi32, #tpu.memory_space<vmem>>) semaphore(%arg21 : memref<!tpu.dma_semaphore, #tpu.memory_space<semaphore_mem>>)
      %scan3A_557 = arith.constant 0 : i32
      %scan3A_558 = arith.constant 1 : i32
      %add3A_559 = arith.constant 1 : i32
      %add3A_560 = arith.addi %add3A_382, %add3A_559 : i32
      %lt3A_561 = arith.constant 16 : i32
      %lt3A_562 = arith.cmpi slt, %add3A_560, %lt3A_561 : i32
      %convert_element_type3A_563 = arith.extui %lt3A_562 : i1 to i32
      %cond3A_564 = arith.constant 0 : i32
      %cond3A_565 = arith.cmpi ne, %convert_element_type3A_563, %cond3A_564 : i32
      scf.if %cond3A_565 {
        %add3A_694 = arith.constant 1 : i32
        %add3A_695 = arith.addi %add3A_382, %add3A_694 : i32
        %dma_wait3A_696 = arith.constant 0 : i32
        %dma_wait3A_697 = arith.constant 0 : i32
        %dma_wait3A_698 = tpu.memref_slice %arg3[%add3A, %add3A_695, %dma_wait3A_696, %dma_wait3A_697] : memref<32x16x10x64xi32, #tpu.memory_space<hbm>> -> memref<1x1x10x64xi32, #tpu.memory_space<hbm>>
        %dma_wait3A_699 = tpu.memref_squeeze %dma_wait3A_698 : memref<1x1x10x64xi32, #tpu.memory_space<hbm>> -> memref<10x64xi32, #tpu.memory_space<hbm>>
        %dma_wait3A_700 = arith.constant 0 : i32
        %dma_wait3A_701 = arith.constant 0 : i32
        %dma_wait3A_702 = tpu.memref_slice %arg3[%add3A, %add3A_695, %dma_wait3A_700, %dma_wait3A_701] : memref<32x16x10x64xi32, #tpu.memory_space<hbm>> -> memref<1x1x10x64xi32, #tpu.memory_space<hbm>>
        %dma_wait3A_703 = tpu.memref_squeeze %dma_wait3A_702 : memref<1x1x10x64xi32, #tpu.memory_space<hbm>> -> memref<10x64xi32, #tpu.memory_space<hbm>>
        tpu.wait_dma2 semaphore(%arg27 : memref<!tpu.dma_semaphore, #tpu.memory_space<semaphore_mem>>) src(%dma_wait3A_703 : memref<10x64xi32, #tpu.memory_space<hbm>>) dst(%arg7 : memref<10x64xi32, #tpu.memory_space<vmem>>)
        %dma_wait3A_704 = arith.constant 0 : i32
        %dma_wait3A_705 = arith.constant 0 : i32
        %dma_wait3A_706 = tpu.memref_slice %arg4[%add3A, %add3A_695, %dma_wait3A_704, %dma_wait3A_705] : memref<32x16x10x64xi32, #tpu.memory_space<hbm>> -> memref<1x1x10x64xi32, #tpu.memory_space<hbm>>
        %dma_wait3A_707 = tpu.memref_squeeze %dma_wait3A_706 : memref<1x1x10x64xi32, #tpu.memory_space<hbm>> -> memref<10x64xi32, #tpu.memory_space<hbm>>
        %dma_wait3A_708 = arith.constant 0 : i32
        %dma_wait3A_709 = arith.constant 0 : i32
        %dma_wait3A_710 = tpu.memref_slice %arg4[%add3A, %add3A_695, %dma_wait3A_708, %dma_wait3A_709] : memref<32x16x10x64xi32, #tpu.memory_space<hbm>> -> memref<1x1x10x64xi32, #tpu.memory_space<hbm>>
        %dma_wait3A_711 = tpu.memref_squeeze %dma_wait3A_710 : memref<1x1x10x64xi32, #tpu.memory_space<hbm>> -> memref<10x64xi32, #tpu.memory_space<hbm>>
        tpu.wait_dma2 semaphore(%arg27 : memref<!tpu.dma_semaphore, #tpu.memory_space<semaphore_mem>>) src(%dma_wait3A_711 : memref<10x64xi32, #tpu.memory_space<hbm>>) dst(%arg9 : memref<10x64xi32, #tpu.memory_space<vmem>>)
      } else {
      }
      %dma_wait3A_566 = arith.constant 5 : i32
      %dma_wait3A_567 = arith.constant 0 : i32
      %dma_wait3A_568 = tpu.memref_slice %arg8[%dma_wait3A_566, %dma_wait3A_567] : memref<10x64xi32, #tpu.memory_space<vmem>> -> memref<1x64xi32, #tpu.memory_space<vmem>>
      %dma_wait3A_569 = tpu.memref_squeeze %dma_wait3A_568 : memref<1x64xi32, #tpu.memory_space<vmem>> -> memref<64xi32, #tpu.memory_space<vmem>>
      %dma_wait3A_570 = arith.constant 0 : i32
      %dma_wait3A_571 = arith.constant 0 : i32
      %dma_wait3A_572 = tpu.memref_slice %arg2[%dma_wait3A_570, %dma_wait3A_571] : memref<10000x128xf32, #tpu.memory_space<hbm>> -> memref<10000x128xf32, #tpu.memory_space<hbm>>
      tpu.wait_indirect_dma semaphore(%arg17 : memref<!tpu.dma_semaphore, #tpu.memory_space<semaphore_mem>>) src(%dma_wait3A_572 : memref<10000x128xf32, #tpu.memory_space<hbm>>) dst(%arg11 : memref<64x128xf32, #tpu.memory_space<vmem>>)
      %dma_start3A_573 = arith.constant 5 : i32
      %dma_start3A_574 = arith.constant 0 : i32
      %dma_start3A_575 = tpu.memref_slice %arg10[%dma_start3A_573, %dma_start3A_574] : memref<10x64xi32, #tpu.memory_space<vmem>> -> memref<1x64xi32, #tpu.memory_space<vmem>>
      %dma_start3A_576 = tpu.memref_squeeze %dma_start3A_575 : memref<1x64xi32, #tpu.memory_space<vmem>> -> memref<64xi32, #tpu.memory_space<vmem>>
      %dma_start3A_577 = arith.constant 0 : i32
      %dma_start3A_578 = arith.constant 0 : i32
      %dma_start3A_579 = tpu.memref_slice %arg16[%dma_start3A_577, %dma_start3A_578] : memref<10112x128xf32, #tpu.memory_space<vmem_shared>> -> memref<10112x128xf32, #tpu.memory_space<vmem_shared>>
      tpu.enqueue_indirect_dma source(%arg11 : memref<64x128xf32, #tpu.memory_space<vmem>>) target(%dma_start3A_579 : memref<10112x128xf32, #tpu.memory_space<vmem_shared>>) offsets(%dma_start3A_576 : memref<64xi32, #tpu.memory_space<vmem>>) semaphore(%arg22 : memref<!tpu.dma_semaphore, #tpu.memory_space<semaphore_mem>>) {add = true}
      %dma_wait3A_580 = arith.constant 6 : i32
      %dma_wait3A_581 = arith.constant 0 : i32
      %dma_wait3A_582 = tpu.memref_slice %arg8[%dma_wait3A_580, %dma_wait3A_581] : memref<10x64xi32, #tpu.memory_space<vmem>> -> memref<1x64xi32, #tpu.memory_space<vmem>>
      %dma_wait3A_583 = tpu.memref_squeeze %dma_wait3A_582 : memref<1x64xi32, #tpu.memory_space<vmem>> -> memref<64xi32, #tpu.memory_space<vmem>>
      %dma_wait3A_584 = arith.constant 0 : i32
      %dma_wait3A_585 = arith.constant 0 : i32
      %dma_wait3A_586 = tpu.memref_slice %arg2[%dma_wait3A_584, %dma_wait3A_585] : memref<10000x128xf32, #tpu.memory_space<hbm>> -> memref<10000x128xf32, #tpu.memory_space<hbm>>
      tpu.wait_indirect_dma semaphore(%arg18 : memref<!tpu.dma_semaphore, #tpu.memory_space<semaphore_mem>>) src(%dma_wait3A_586 : memref<10000x128xf32, #tpu.memory_space<hbm>>) dst(%arg12 : memref<64x128xf32, #tpu.memory_space<vmem>>)
      %dma_start3A_587 = arith.constant 6 : i32
      %dma_start3A_588 = arith.constant 0 : i32
      %dma_start3A_589 = tpu.memref_slice %arg10[%dma_start3A_587, %dma_start3A_588] : memref<10x64xi32, #tpu.memory_space<vmem>> -> memref<1x64xi32, #tpu.memory_space<vmem>>
      %dma_start3A_590 = tpu.memref_squeeze %dma_start3A_589 : memref<1x64xi32, #tpu.memory_space<vmem>> -> memref<64xi32, #tpu.memory_space<vmem>>
      %dma_start3A_591 = arith.constant 0 : i32
      %dma_start3A_592 = arith.constant 0 : i32
      %dma_start3A_593 = tpu.memref_slice %arg16[%dma_start3A_591, %dma_start3A_592] : memref<10112x128xf32, #tpu.memory_space<vmem_shared>> -> memref<10112x128xf32, #tpu.memory_space<vmem_shared>>
      tpu.enqueue_indirect_dma source(%arg12 : memref<64x128xf32, #tpu.memory_space<vmem>>) target(%dma_start3A_593 : memref<10112x128xf32, #tpu.memory_space<vmem_shared>>) offsets(%dma_start3A_590 : memref<64xi32, #tpu.memory_space<vmem>>) semaphore(%arg23 : memref<!tpu.dma_semaphore, #tpu.memory_space<semaphore_mem>>) {add = true}
      %dma_wait3A_594 = arith.constant 7 : i32
      %dma_wait3A_595 = arith.constant 0 : i32
      %dma_wait3A_596 = tpu.memref_slice %arg8[%dma_wait3A_594, %dma_wait3A_595] : memref<10x64xi32, #tpu.memory_space<vmem>> -> memref<1x64xi32, #tpu.memory_space<vmem>>
      %dma_wait3A_597 = tpu.memref_squeeze %dma_wait3A_596 : memref<1x64xi32, #tpu.memory_space<vmem>> -> memref<64xi32, #tpu.memory_space<vmem>>
      %dma_wait3A_598 = arith.constant 0 : i32
      %dma_wait3A_599 = arith.constant 0 : i32
      %dma_wait3A_600 = tpu.memref_slice %arg2[%dma_wait3A_598, %dma_wait3A_599] : memref<10000x128xf32, #tpu.memory_space<hbm>> -> memref<10000x128xf32, #tpu.memory_space<hbm>>
      tpu.wait_indirect_dma semaphore(%arg19 : memref<!tpu.dma_semaphore, #tpu.memory_space<semaphore_mem>>) src(%dma_wait3A_600 : memref<10000x128xf32, #tpu.memory_space<hbm>>) dst(%arg13 : memref<64x128xf32, #tpu.memory_space<vmem>>)
      %dma_start3A_601 = arith.constant 7 : i32
      %dma_start3A_602 = arith.constant 0 : i32
      %dma_start3A_603 = tpu.memref_slice %arg10[%dma_start3A_601, %dma_start3A_602] : memref<10x64xi32, #tpu.memory_space<vmem>> -> memref<1x64xi32, #tpu.memory_space<vmem>>
      %dma_start3A_604 = tpu.memref_squeeze %dma_start3A_603 : memref<1x64xi32, #tpu.memory_space<vmem>> -> memref<64xi32, #tpu.memory_space<vmem>>
      %dma_start3A_605 = arith.constant 0 : i32
      %dma_start3A_606 = arith.constant 0 : i32
      %dma_start3A_607 = tpu.memref_slice %arg16[%dma_start3A_605, %dma_start3A_606] : memref<10112x128xf32, #tpu.memory_space<vmem_shared>> -> memref<10112x128xf32, #tpu.memory_space<vmem_shared>>
      tpu.enqueue_indirect_dma source(%arg13 : memref<64x128xf32, #tpu.memory_space<vmem>>) target(%dma_start3A_607 : memref<10112x128xf32, #tpu.memory_space<vmem_shared>>) offsets(%dma_start3A_604 : memref<64xi32, #tpu.memory_space<vmem>>) semaphore(%arg24 : memref<!tpu.dma_semaphore, #tpu.memory_space<semaphore_mem>>) {add = true}
      %dma_wait3A_608 = arith.constant 8 : i32
      %dma_wait3A_609 = arith.constant 0 : i32
      %dma_wait3A_610 = tpu.memref_slice %arg8[%dma_wait3A_608, %dma_wait3A_609] : memref<10x64xi32, #tpu.memory_space<vmem>> -> memref<1x64xi32, #tpu.memory_space<vmem>>
      %dma_wait3A_611 = tpu.memref_squeeze %dma_wait3A_610 : memref<1x64xi32, #tpu.memory_space<vmem>> -> memref<64xi32, #tpu.memory_space<vmem>>
      %dma_wait3A_612 = arith.constant 0 : i32
      %dma_wait3A_613 = arith.constant 0 : i32
      %dma_wait3A_614 = tpu.memref_slice %arg2[%dma_wait3A_612, %dma_wait3A_613] : memref<10000x128xf32, #tpu.memory_space<hbm>> -> memref<10000x128xf32, #tpu.memory_space<hbm>>
      tpu.wait_indirect_dma semaphore(%arg20 : memref<!tpu.dma_semaphore, #tpu.memory_space<semaphore_mem>>) src(%dma_wait3A_614 : memref<10000x128xf32, #tpu.memory_space<hbm>>) dst(%arg14 : memref<64x128xf32, #tpu.memory_space<vmem>>)
      %dma_start3A_615 = arith.constant 8 : i32
      %dma_start3A_616 = arith.constant 0 : i32
      %dma_start3A_617 = tpu.memref_slice %arg10[%dma_start3A_615, %dma_start3A_616] : memref<10x64xi32, #tpu.memory_space<vmem>> -> memref<1x64xi32, #tpu.memory_space<vmem>>
      %dma_start3A_618 = tpu.memref_squeeze %dma_start3A_617 : memref<1x64xi32, #tpu.memory_space<vmem>> -> memref<64xi32, #tpu.memory_space<vmem>>
      %dma_start3A_619 = arith.constant 0 : i32
      %dma_start3A_620 = arith.constant 0 : i32
      %dma_start3A_621 = tpu.memref_slice %arg16[%dma_start3A_619, %dma_start3A_620] : memref<10112x128xf32, #tpu.memory_space<vmem_shared>> -> memref<10112x128xf32, #tpu.memory_space<vmem_shared>>
      tpu.enqueue_indirect_dma source(%arg14 : memref<64x128xf32, #tpu.memory_space<vmem>>) target(%dma_start3A_621 : memref<10112x128xf32, #tpu.memory_space<vmem_shared>>) offsets(%dma_start3A_618 : memref<64xi32, #tpu.memory_space<vmem>>) semaphore(%arg25 : memref<!tpu.dma_semaphore, #tpu.memory_space<semaphore_mem>>) {add = true}
      %dma_wait3A_622 = arith.constant 9 : i32
      %dma_wait3A_623 = arith.constant 0 : i32
      %dma_wait3A_624 = tpu.memref_slice %arg8[%dma_wait3A_622, %dma_wait3A_623] : memref<10x64xi32, #tpu.memory_space<vmem>> -> memref<1x64xi32, #tpu.memory_space<vmem>>
      %dma_wait3A_625 = tpu.memref_squeeze %dma_wait3A_624 : memref<1x64xi32, #tpu.memory_space<vmem>> -> memref<64xi32, #tpu.memory_space<vmem>>
      %dma_wait3A_626 = arith.constant 0 : i32
      %dma_wait3A_627 = arith.constant 0 : i32
      %dma_wait3A_628 = tpu.memref_slice %arg2[%dma_wait3A_626, %dma_wait3A_627] : memref<10000x128xf32, #tpu.memory_space<hbm>> -> memref<10000x128xf32, #tpu.memory_space<hbm>>
      tpu.wait_indirect_dma semaphore(%arg21 : memref<!tpu.dma_semaphore, #tpu.memory_space<semaphore_mem>>) src(%dma_wait3A_628 : memref<10000x128xf32, #tpu.memory_space<hbm>>) dst(%arg15 : memref<64x128xf32, #tpu.memory_space<vmem>>)
      %dma_start3A_629 = arith.constant 9 : i32
      %dma_start3A_630 = arith.constant 0 : i32
      %dma_start3A_631 = tpu.memref_slice %arg10[%dma_start3A_629, %dma_start3A_630] : memref<10x64xi32, #tpu.memory_space<vmem>> -> memref<1x64xi32, #tpu.memory_space<vmem>>
      %dma_start3A_632 = tpu.memref_squeeze %dma_start3A_631 : memref<1x64xi32, #tpu.memory_space<vmem>> -> memref<64xi32, #tpu.memory_space<vmem>>
      %dma_start3A_633 = arith.constant 0 : i32
      %dma_start3A_634 = arith.constant 0 : i32
      %dma_start3A_635 = tpu.memref_slice %arg16[%dma_start3A_633, %dma_start3A_634] : memref<10112x128xf32, #tpu.memory_space<vmem_shared>> -> memref<10112x128xf32, #tpu.memory_space<vmem_shared>>
      tpu.enqueue_indirect_dma source(%arg15 : memref<64x128xf32, #tpu.memory_space<vmem>>) target(%dma_start3A_635 : memref<10112x128xf32, #tpu.memory_space<vmem_shared>>) offsets(%dma_start3A_632 : memref<64xi32, #tpu.memory_space<vmem>>) semaphore(%arg26 : memref<!tpu.dma_semaphore, #tpu.memory_space<semaphore_mem>>) {add = true}
      %dma_wait3A_636 = arith.constant 5 : i32
      %dma_wait3A_637 = arith.constant 0 : i32
      %dma_wait3A_638 = tpu.memref_slice %arg10[%dma_wait3A_636, %dma_wait3A_637] : memref<10x64xi32, #tpu.memory_space<vmem>> -> memref<1x64xi32, #tpu.memory_space<vmem>>
      %dma_wait3A_639 = tpu.memref_squeeze %dma_wait3A_638 : memref<1x64xi32, #tpu.memory_space<vmem>> -> memref<64xi32, #tpu.memory_space<vmem>>
      %dma_wait3A_640 = arith.constant 0 : i32
      %dma_wait3A_641 = arith.constant 0 : i32
      %dma_wait3A_642 = tpu.memref_slice %arg16[%dma_wait3A_640, %dma_wait3A_641] : memref<10112x128xf32, #tpu.memory_space<vmem_shared>> -> memref<10112x128xf32, #tpu.memory_space<vmem_shared>>
      tpu.wait_indirect_dma semaphore(%arg22 : memref<!tpu.dma_semaphore, #tpu.memory_space<semaphore_mem>>) src(%arg11 : memref<64x128xf32, #tpu.memory_space<vmem>>) dst(%dma_wait3A_642 : memref<10112x128xf32, #tpu.memory_space<vmem_shared>>)
      %convert_element_type3A_643 = arith.extui %lt3A_562 : i1 to i32
      %cond3A_644 = arith.constant 0 : i32
      %cond3A_645 = arith.cmpi ne, %convert_element_type3A_643, %cond3A_644 : i32
      scf.if %cond3A_645 {
        %dma_start3A_694 = arith.constant 0 : i32
        %dma_start3A_695 = arith.constant 0 : i32
        %dma_start3A_696 = tpu.memref_slice %arg7[%dma_start3A_694, %dma_start3A_695] : memref<10x64xi32, #tpu.memory_space<vmem>> -> memref<1x64xi32, #tpu.memory_space<vmem>>
        %dma_start3A_697 = tpu.memref_squeeze %dma_start3A_696 : memref<1x64xi32, #tpu.memory_space<vmem>> -> memref<64xi32, #tpu.memory_space<vmem>>
        %dma_start3A_698 = arith.constant 0 : i32
        %dma_start3A_699 = arith.constant 0 : i32
        %dma_start3A_700 = tpu.memref_slice %arg2[%dma_start3A_698, %dma_start3A_699] : memref<10000x128xf32, #tpu.memory_space<hbm>> -> memref<10000x128xf32, #tpu.memory_space<hbm>>
        tpu.enqueue_indirect_dma source(%dma_start3A_700 : memref<10000x128xf32, #tpu.memory_space<hbm>>) target(%arg11 : memref<64x128xf32, #tpu.memory_space<vmem>>) offsets(%dma_start3A_697 : memref<64xi32, #tpu.memory_space<vmem>>) semaphore(%arg17 : memref<!tpu.dma_semaphore, #tpu.memory_space<semaphore_mem>>)
      } else {
      }
      %dma_wait3A_646 = arith.constant 6 : i32
      %dma_wait3A_647 = arith.constant 0 : i32
      %dma_wait3A_648 = tpu.memref_slice %arg10[%dma_wait3A_646, %dma_wait3A_647] : memref<10x64xi32, #tpu.memory_space<vmem>> -> memref<1x64xi32, #tpu.memory_space<vmem>>
      %dma_wait3A_649 = tpu.memref_squeeze %dma_wait3A_648 : memref<1x64xi32, #tpu.memory_space<vmem>> -> memref<64xi32, #tpu.memory_space<vmem>>
      %dma_wait3A_650 = arith.constant 0 : i32
      %dma_wait3A_651 = arith.constant 0 : i32
      %dma_wait3A_652 = tpu.memref_slice %arg16[%dma_wait3A_650, %dma_wait3A_651] : memref<10112x128xf32, #tpu.memory_space<vmem_shared>> -> memref<10112x128xf32, #tpu.memory_space<vmem_shared>>
      tpu.wait_indirect_dma semaphore(%arg23 : memref<!tpu.dma_semaphore, #tpu.memory_space<semaphore_mem>>) src(%arg12 : memref<64x128xf32, #tpu.memory_space<vmem>>) dst(%dma_wait3A_652 : memref<10112x128xf32, #tpu.memory_space<vmem_shared>>)
      %convert_element_type3A_653 = arith.extui %lt3A_562 : i1 to i32
      %cond3A_654 = arith.constant 0 : i32
      %cond3A_655 = arith.cmpi ne, %convert_element_type3A_653, %cond3A_654 : i32
      scf.if %cond3A_655 {
        %dma_start3A_694 = arith.constant 1 : i32
        %dma_start3A_695 = arith.constant 0 : i32
        %dma_start3A_696 = tpu.memref_slice %arg7[%dma_start3A_694, %dma_start3A_695] : memref<10x64xi32, #tpu.memory_space<vmem>> -> memref<1x64xi32, #tpu.memory_space<vmem>>
        %dma_start3A_697 = tpu.memref_squeeze %dma_start3A_696 : memref<1x64xi32, #tpu.memory_space<vmem>> -> memref<64xi32, #tpu.memory_space<vmem>>
        %dma_start3A_698 = arith.constant 0 : i32
        %dma_start3A_699 = arith.constant 0 : i32
        %dma_start3A_700 = tpu.memref_slice %arg2[%dma_start3A_698, %dma_start3A_699] : memref<10000x128xf32, #tpu.memory_space<hbm>> -> memref<10000x128xf32, #tpu.memory_space<hbm>>
        tpu.enqueue_indirect_dma source(%dma_start3A_700 : memref<10000x128xf32, #tpu.memory_space<hbm>>) target(%arg12 : memref<64x128xf32, #tpu.memory_space<vmem>>) offsets(%dma_start3A_697 : memref<64xi32, #tpu.memory_space<vmem>>) semaphore(%arg18 : memref<!tpu.dma_semaphore, #tpu.memory_space<semaphore_mem>>)
      } else {
      }
      %dma_wait3A_656 = arith.constant 7 : i32
      %dma_wait3A_657 = arith.constant 0 : i32
      %dma_wait3A_658 = tpu.memref_slice %arg10[%dma_wait3A_656, %dma_wait3A_657] : memref<10x64xi32, #tpu.memory_space<vmem>> -> memref<1x64xi32, #tpu.memory_space<vmem>>
      %dma_wait3A_659 = tpu.memref_squeeze %dma_wait3A_658 : memref<1x64xi32, #tpu.memory_space<vmem>> -> memref<64xi32, #tpu.memory_space<vmem>>
      %dma_wait3A_660 = arith.constant 0 : i32
      %dma_wait3A_661 = arith.constant 0 : i32
      %dma_wait3A_662 = tpu.memref_slice %arg16[%dma_wait3A_660, %dma_wait3A_661] : memref<10112x128xf32, #tpu.memory_space<vmem_shared>> -> memref<10112x128xf32, #tpu.memory_space<vmem_shared>>
      tpu.wait_indirect_dma semaphore(%arg24 : memref<!tpu.dma_semaphore, #tpu.memory_space<semaphore_mem>>) src(%arg13 : memref<64x128xf32, #tpu.memory_space<vmem>>) dst(%dma_wait3A_662 : memref<10112x128xf32, #tpu.memory_space<vmem_shared>>)
      %convert_element_type3A_663 = arith.extui %lt3A_562 : i1 to i32
      %cond3A_664 = arith.constant 0 : i32
      %cond3A_665 = arith.cmpi ne, %convert_element_type3A_663, %cond3A_664 : i32
      scf.if %cond3A_665 {
        %dma_start3A_694 = arith.constant 2 : i32
        %dma_start3A_695 = arith.constant 0 : i32
        %dma_start3A_696 = tpu.memref_slice %arg7[%dma_start3A_694, %dma_start3A_695] : memref<10x64xi32, #tpu.memory_space<vmem>> -> memref<1x64xi32, #tpu.memory_space<vmem>>
        %dma_start3A_697 = tpu.memref_squeeze %dma_start3A_696 : memref<1x64xi32, #tpu.memory_space<vmem>> -> memref<64xi32, #tpu.memory_space<vmem>>
        %dma_start3A_698 = arith.constant 0 : i32
        %dma_start3A_699 = arith.constant 0 : i32
        %dma_start3A_700 = tpu.memref_slice %arg2[%dma_start3A_698, %dma_start3A_699] : memref<10000x128xf32, #tpu.memory_space<hbm>> -> memref<10000x128xf32, #tpu.memory_space<hbm>>
        tpu.enqueue_indirect_dma source(%dma_start3A_700 : memref<10000x128xf32, #tpu.memory_space<hbm>>) target(%arg13 : memref<64x128xf32, #tpu.memory_space<vmem>>) offsets(%dma_start3A_697 : memref<64xi32, #tpu.memory_space<vmem>>) semaphore(%arg19 : memref<!tpu.dma_semaphore, #tpu.memory_space<semaphore_mem>>)
      } else {
      }
      %dma_wait3A_666 = arith.constant 8 : i32
      %dma_wait3A_667 = arith.constant 0 : i32
      %dma_wait3A_668 = tpu.memref_slice %arg10[%dma_wait3A_666, %dma_wait3A_667] : memref<10x64xi32, #tpu.memory_space<vmem>> -> memref<1x64xi32, #tpu.memory_space<vmem>>
      %dma_wait3A_669 = tpu.memref_squeeze %dma_wait3A_668 : memref<1x64xi32, #tpu.memory_space<vmem>> -> memref<64xi32, #tpu.memory_space<vmem>>
      %dma_wait3A_670 = arith.constant 0 : i32
      %dma_wait3A_671 = arith.constant 0 : i32
      %dma_wait3A_672 = tpu.memref_slice %arg16[%dma_wait3A_670, %dma_wait3A_671] : memref<10112x128xf32, #tpu.memory_space<vmem_shared>> -> memref<10112x128xf32, #tpu.memory_space<vmem_shared>>
      tpu.wait_indirect_dma semaphore(%arg25 : memref<!tpu.dma_semaphore, #tpu.memory_space<semaphore_mem>>) src(%arg14 : memref<64x128xf32, #tpu.memory_space<vmem>>) dst(%dma_wait3A_672 : memref<10112x128xf32, #tpu.memory_space<vmem_shared>>)
      %convert_element_type3A_673 = arith.extui %lt3A_562 : i1 to i32
      %cond3A_674 = arith.constant 0 : i32
      %cond3A_675 = arith.cmpi ne, %convert_element_type3A_673, %cond3A_674 : i32
      scf.if %cond3A_675 {
        %dma_start3A_694 = arith.constant 3 : i32
        %dma_start3A_695 = arith.constant 0 : i32
        %dma_start3A_696 = tpu.memref_slice %arg7[%dma_start3A_694, %dma_start3A_695] : memref<10x64xi32, #tpu.memory_space<vmem>> -> memref<1x64xi32, #tpu.memory_space<vmem>>
        %dma_start3A_697 = tpu.memref_squeeze %dma_start3A_696 : memref<1x64xi32, #tpu.memory_space<vmem>> -> memref<64xi32, #tpu.memory_space<vmem>>
        %dma_start3A_698 = arith.constant 0 : i32
        %dma_start3A_699 = arith.constant 0 : i32
        %dma_start3A_700 = tpu.memref_slice %arg2[%dma_start3A_698, %dma_start3A_699] : memref<10000x128xf32, #tpu.memory_space<hbm>> -> memref<10000x128xf32, #tpu.memory_space<hbm>>
        tpu.enqueue_indirect_dma source(%dma_start3A_700 : memref<10000x128xf32, #tpu.memory_space<hbm>>) target(%arg14 : memref<64x128xf32, #tpu.memory_space<vmem>>) offsets(%dma_start3A_697 : memref<64xi32, #tpu.memory_space<vmem>>) semaphore(%arg20 : memref<!tpu.dma_semaphore, #tpu.memory_space<semaphore_mem>>)
      } else {
      }
      %dma_wait3A_676 = arith.constant 9 : i32
      %dma_wait3A_677 = arith.constant 0 : i32
      %dma_wait3A_678 = tpu.memref_slice %arg10[%dma_wait3A_676, %dma_wait3A_677] : memref<10x64xi32, #tpu.memory_space<vmem>> -> memref<1x64xi32, #tpu.memory_space<vmem>>
      %dma_wait3A_679 = tpu.memref_squeeze %dma_wait3A_678 : memref<1x64xi32, #tpu.memory_space<vmem>> -> memref<64xi32, #tpu.memory_space<vmem>>
      %dma_wait3A_680 = arith.constant 0 : i32
      %dma_wait3A_681 = arith.constant 0 : i32
      %dma_wait3A_682 = tpu.memref_slice %arg16[%dma_wait3A_680, %dma_wait3A_681] : memref<10112x128xf32, #tpu.memory_space<vmem_shared>> -> memref<10112x128xf32, #tpu.memory_space<vmem_shared>>
      tpu.wait_indirect_dma semaphore(%arg26 : memref<!tpu.dma_semaphore, #tpu.memory_space<semaphore_mem>>) src(%arg15 : memref<64x128xf32, #tpu.memory_space<vmem>>) dst(%dma_wait3A_682 : memref<10112x128xf32, #tpu.memory_space<vmem_shared>>)
      %convert_element_type3A_683 = arith.extui %lt3A_562 : i1 to i32
      %cond3A_684 = arith.constant 0 : i32
      %cond3A_685 = arith.cmpi ne, %convert_element_type3A_683, %cond3A_684 : i32
      scf.if %cond3A_685 {
        %dma_start3A_694 = arith.constant 4 : i32
        %dma_start3A_695 = arith.constant 0 : i32
        %dma_start3A_696 = tpu.memref_slice %arg7[%dma_start3A_694, %dma_start3A_695] : memref<10x64xi32, #tpu.memory_space<vmem>> -> memref<1x64xi32, #tpu.memory_space<vmem>>
        %dma_start3A_697 = tpu.memref_squeeze %dma_start3A_696 : memref<1x64xi32, #tpu.memory_space<vmem>> -> memref<64xi32, #tpu.memory_space<vmem>>
        %dma_start3A_698 = arith.constant 0 : i32
        %dma_start3A_699 = arith.constant 0 : i32
        %dma_start3A_700 = tpu.memref_slice %arg2[%dma_start3A_698, %dma_start3A_699] : memref<10000x128xf32, #tpu.memory_space<hbm>> -> memref<10000x128xf32, #tpu.memory_space<hbm>>
        tpu.enqueue_indirect_dma source(%dma_start3A_700 : memref<10000x128xf32, #tpu.memory_space<hbm>>) target(%arg15 : memref<64x128xf32, #tpu.memory_space<vmem>>) offsets(%dma_start3A_697 : memref<64xi32, #tpu.memory_space<vmem>>) semaphore(%arg21 : memref<!tpu.dma_semaphore, #tpu.memory_space<semaphore_mem>>)
      } else {
      }
      %add3A_686 = arith.constant 2 : i32
      %add3A_687 = arith.addi %add3A_382, %add3A_686 : i32
      %lt3A_688 = arith.constant 16 : i32
      %lt3A_689 = arith.cmpi slt, %add3A_687, %lt3A_688 : i32
      %convert_element_type3A_690 = arith.extui %lt3A_689 : i1 to i32
      %cond3A_691 = arith.constant 0 : i32
      %cond3A_692 = arith.cmpi ne, %convert_element_type3A_690, %cond3A_691 : i32
      scf.if %cond3A_692 {
        %add3A_694 = arith.constant 2 : i32
        %add3A_695 = arith.addi %add3A_382, %add3A_694 : i32
        %dma_start3A_696 = arith.constant 0 : i32
        %dma_start3A_697 = arith.constant 0 : i32
        %dma_start3A_698 = tpu.memref_slice %arg3[%add3A, %add3A_695, %dma_start3A_696, %dma_start3A_697] : memref<32x16x10x64xi32, #tpu.memory_space<hbm>> -> memref<1x1x10x64xi32, #tpu.memory_space<hbm>>
        %dma_start3A_699 = tpu.memref_squeeze %dma_start3A_698 : memref<1x1x10x64xi32, #tpu.memory_space<hbm>> -> memref<10x64xi32, #tpu.memory_space<hbm>>
        %dma_start3A_700 = arith.constant 0 : i32
        %dma_start3A_701 = arith.constant 0 : i32
        %dma_start3A_702 = tpu.memref_slice %arg3[%add3A, %add3A_695, %dma_start3A_700, %dma_start3A_701] : memref<32x16x10x64xi32, #tpu.memory_space<hbm>> -> memref<1x1x10x64xi32, #tpu.memory_space<hbm>>
        %dma_start3A_703 = tpu.memref_squeeze %dma_start3A_702 : memref<1x1x10x64xi32, #tpu.memory_space<hbm>> -> memref<10x64xi32, #tpu.memory_space<hbm>>
        tpu.enqueue_dma source(%dma_start3A_703 : memref<10x64xi32, #tpu.memory_space<hbm>>) target(%arg8 : memref<10x64xi32, #tpu.memory_space<vmem>>) target_semaphore(%arg28 : memref<!tpu.dma_semaphore, #tpu.memory_space<semaphore_mem>>)
        %dma_start3A_704 = arith.constant 0 : i32
        %dma_start3A_705 = arith.constant 0 : i32
        %dma_start3A_706 = tpu.memref_slice %arg4[%add3A, %add3A_695, %dma_start3A_704, %dma_start3A_705] : memref<32x16x10x64xi32, #tpu.memory_space<hbm>> -> memref<1x1x10x64xi32, #tpu.memory_space<hbm>>
        %dma_start3A_707 = tpu.memref_squeeze %dma_start3A_706 : memref<1x1x10x64xi32, #tpu.memory_space<hbm>> -> memref<10x64xi32, #tpu.memory_space<hbm>>
        %dma_start3A_708 = arith.constant 0 : i32
        %dma_start3A_709 = arith.constant 0 : i32
        %dma_start3A_710 = tpu.memref_slice %arg4[%add3A, %add3A_695, %dma_start3A_708, %dma_start3A_709] : memref<32x16x10x64xi32, #tpu.memory_space<hbm>> -> memref<1x1x10x64xi32, #tpu.memory_space<hbm>>
        %dma_start3A_711 = tpu.memref_squeeze %dma_start3A_710 : memref<1x1x10x64xi32, #tpu.memory_space<hbm>> -> memref<10x64xi32, #tpu.memory_space<hbm>>
        tpu.enqueue_dma source(%dma_start3A_711 : memref<10x64xi32, #tpu.memory_space<hbm>>) target(%arg10 : memref<10x64xi32, #tpu.memory_space<vmem>>) target_semaphore(%arg28 : memref<!tpu.dma_semaphore, #tpu.memory_space<semaphore_mem>>)
      } else {
      }
      %scan3A_693 = arith.constant 0 : i32
      scf.yield %scan3A_693 : i32
    }
    %scan3A_63 = arith.constant 8 : i32
    %barrier3A_64 = arith.constant 0 : index
    tpu.barrier barrier_id(%barrier3A_64)
    %mul3A_65 = arith.constant 632 : i32
    %mul3A_66 = arith.muli %arg1, %mul3A_65 : i32
    %mul3A_67 = arith.constant 632 : i32
    %mul3A_68 = arith.muli %arg1, %mul3A_67 : i32
    "tpu.region"() ({
      %run_scoped3A_69 = tpu.sem_alloc : memref<!tpu.dma_semaphore, #tpu.memory_space<semaphore_mem>>
      %dma_start3A_70 = arith.constant 0 : i32
      %dma_start3A_71 = tpu.memref_slice %arg6[%arg0, %mul3A_68, %dma_start3A_70] : memref<2x10112x128xf32, #tpu.memory_space<hbm>> -> memref<1x632x128xf32, #tpu.memory_space<hbm>>
      %dma_start3A_72 = tpu.memref_squeeze %dma_start3A_71 : memref<1x632x128xf32, #tpu.memory_space<hbm>> -> memref<632x128xf32, #tpu.memory_space<hbm>>
      %dma_start3A_73 = arith.constant 0 : i32
      %dma_start3A_74 = tpu.memref_slice %arg16[%mul3A_66, %dma_start3A_73] : memref<10112x128xf32, #tpu.memory_space<vmem_shared>> -> memref<632x128xf32, #tpu.memory_space<vmem_shared>>
      tpu.enqueue_dma source(%dma_start3A_74 : memref<632x128xf32, #tpu.memory_space<vmem_shared>>) target(%dma_start3A_72 : memref<632x128xf32, #tpu.memory_space<hbm>>) target_semaphore(%run_scoped3A_69 : memref<!tpu.dma_semaphore, #tpu.memory_space<semaphore_mem>>)
      %dma_wait3A = arith.constant 0 : i32
      %dma_wait3A_75 = tpu.memref_slice %arg6[%arg0, %mul3A_68, %dma_wait3A] : memref<2x10112x128xf32, #tpu.memory_space<hbm>> -> memref<1x632x128xf32, #tpu.memory_space<hbm>>
      %dma_wait3A_76 = tpu.memref_squeeze %dma_wait3A_75 : memref<1x632x128xf32, #tpu.memory_space<hbm>> -> memref<632x128xf32, #tpu.memory_space<hbm>>
      %dma_wait3A_77 = arith.constant 0 : i32
      %dma_wait3A_78 = tpu.memref_slice %arg16[%mul3A_66, %dma_wait3A_77] : memref<10112x128xf32, #tpu.memory_space<vmem_shared>> -> memref<632x128xf32, #tpu.memory_space<vmem_shared>>
      tpu.wait_dma2 semaphore(%run_scoped3A_69 : memref<!tpu.dma_semaphore, #tpu.memory_space<semaphore_mem>>) src(%dma_wait3A_78 : memref<632x128xf32, #tpu.memory_space<vmem_shared>>) dst(%dma_wait3A_76 : memref<632x128xf32, #tpu.memory_space<hbm>>)
      tpu.yield
    }) : () -> ()
    return
  }
}

module attributes {stable_mosaic.version = 14 : i64} {
  func.func @body(%arg0: i32, %arg1: memref<1x1000x128xf32, #tpu.memory_space<vmem>>, %arg2: memref<1x1000x128xf32, #tpu.memory_space<vmem>>, %arg3: memref<128x128xf32, #tpu.memory_space<vmem>>, %arg4: memref<1x128xf32, #tpu.memory_space<vmem>>, %arg5: memref<1000x128xf32, #tpu.memory_space<vmem>>) attributes {dimension_semantics = [#tpu.dimension_semantics<arbitrary>], iteration_bounds = array<i64: 10>, scalar_prefetch = 0 : i64, scratch_operands = 0 : i64, tpu.core_type = #tpu.core_type<tc>, window_params = [{transform_indices = @transform_0, window_bounds = array<i64: 1, 1000, 128>}, {transform_indices = @transform_1, window_bounds = array<i64: 1, 1000, 128>}, {pipeline_mode = #tpu.pipeline_mode<synchronous>, transform_indices = @transform_2, window_bounds = array<i64: 128, 128>}, {pipeline_mode = #tpu.pipeline_mode<synchronous>, transform_indices = @transform_3, window_bounds = array<i64: 1, 128>}, {transform_indices = @transform_4, window_bounds = array<i64: 1000, 128>}]} {
    %get3A = arith.constant 0 : index
    %get3A_0 = arith.constant 0 : index
    %get3A_1 = arith.constant 0 : index
    %get3A_2 = vector.load %arg1[%get3A, %get3A_0, %get3A_1] : memref<1x1000x128xf32, #tpu.memory_space<vmem>>, vector<1x1000x128xf32>
    %get3A_3 = vector.shape_cast %get3A_2 : vector<1x1000x128xf32> to vector<1000x128xf32>
    %get3A_4 = arith.constant 0 : index
    %get3A_5 = arith.constant 0 : index
    %get3A_6 = arith.constant 0 : index
    %get3A_7 = vector.load %arg2[%get3A_4, %get3A_5, %get3A_6] : memref<1x1000x128xf32, #tpu.memory_space<vmem>>, vector<1x1000x128xf32>
    %get3A_8 = vector.shape_cast %get3A_7 : vector<1x1000x128xf32> to vector<1000x128xf32>
    %add3A = arith.addf %get3A_3, %get3A_8 : vector<1000x128xf32>
    %get3A_9 = arith.constant 0 : index
    %get3A_10 = arith.constant 0 : index
    %get3A_11 = vector.load %arg3[%get3A_9, %get3A_10] : memref<128x128xf32, #tpu.memory_space<vmem>>, vector<128x128xf32>
    %dot_general3A = arith.constant dense<0.000000e+00> : vector<1000x128xf32>
    %dot_general3A_12 = tpu.matmul %add3A, %get3A_11, %dot_general3A {dimension_numbers = #tpu.dot_dimension_numbers<[1], [0], [0], [1], [0, 0, 1, 1], [], []>, transpose_lhs_hint = false} : vector<1000x128xf32>, vector<128x128xf32>, vector<1000x128xf32> -> vector<1000x128xf32>
    %get3A_13 = arith.constant 0 : index
    %get3A_14 = arith.constant 0 : index
    %get3A_15 = vector.load %arg4[%get3A_13, %get3A_14] : memref<1x128xf32, #tpu.memory_space<vmem>>, vector<1x128xf32>
    %add3A_16 = vector.broadcast %get3A_15 : vector<1x128xf32> to vector<1000x128xf32>
    %add3A_17 = arith.addf %dot_general3A_12, %add3A_16 : vector<1000x128xf32>
    %max3A = arith.constant 0.000000e+00 : f32
    %max3A_18 = vector.broadcast %max3A : f32 to vector<1000x128xf32>
    %max3A_19 = arith.maximumf %add3A_17, %max3A_18 : vector<1000x128xf32>
    %swap3A = arith.constant 0 : index
    %swap3A_20 = arith.constant 0 : index
    %swap3A_21 = vector.load %arg5[%swap3A, %swap3A_20] : memref<1000x128xf32, #tpu.memory_space<vmem>>, vector<1000x128xf32>
    tpu.vector_store %arg5[%swap3A, %swap3A_20], %max3A_19 {strides = array<i32>} : memref<1000x128xf32, #tpu.memory_space<vmem>>, vector<1000x128xf32>,
    return
  }
  func.func @transform_0(%arg0: i32) -> (i32, i32, i32) {
    %c0_i32 = arith.constant 0 : i32
    %c0_i32_0 = arith.constant 0 : i32
    %c0_i32_1 = arith.constant 0 : i32
    return %c0_i32, %arg0, %c0_i32_0 : i32, i32, i32
  }
  func.func @transform_1(%arg0: i32) -> (i32, i32, i32) {
    %c1_i32 = arith.constant 1 : i32
    %c0_i32 = arith.constant 0 : i32
    %c0_i32_0 = arith.constant 0 : i32
    return %c1_i32, %arg0, %c0_i32 : i32, i32, i32
  }
  func.func @transform_2(%arg0: i32) -> (i32, i32) {
    %c0_i32 = arith.constant 0 : i32
    %c0_i32_0 = arith.constant 0 : i32
    %c0_i32_1 = arith.constant 0 : i32
    return %c0_i32, %c0_i32_0 : i32, i32
  }
  func.func @transform_3(%arg0: i32) -> (i32, i32) {
    %c0_i32 = arith.constant 0 : i32
    %c0_i32_0 = arith.constant 0 : i32
    %c0_i32_1 = arith.constant 0 : i32
    return %c0_i32, %c0_i32_0 : i32, i32
  }
  func.func @transform_4(%arg0: i32) -> (i32, i32) {
    %c0_i32 = arith.constant 0 : i32
    %c0_i32_0 = arith.constant 0 : i32
    return %arg0, %c0_i32 : i32, i32
  }
}

module attributes {stable_mosaic.version = 14 : i64} {
  func.func @body(%arg0: i32, %arg1: memref<1x1000x128xf32, #tpu.memory_space<vmem>>, %arg2: memref<1x1000x128xf32, #tpu.memory_space<vmem>>, %arg3: memref<128x128xf32, #tpu.memory_space<vmem>>, %arg4: memref<1x128xf32, #tpu.memory_space<vmem>>, %arg5: memref<1000x128xf32, #tpu.memory_space<vmem>>) attributes {dimension_semantics = [#tpu.dimension_semantics<arbitrary>], iteration_bounds = array<i64: 10>, scalar_prefetch = 0 : i64, scratch_operands = 0 : i64, tpu.core_type = #tpu.core_type<tc>, window_params = [{transform_indices = @transform_0, window_bounds = array<i64: 1, 1000, 128>}, {transform_indices = @transform_1, window_bounds = array<i64: 1, 1000, 128>}, {pipeline_mode = #tpu.pipeline_mode<synchronous>, transform_indices = @transform_2, window_bounds = array<i64: 128, 128>}, {pipeline_mode = #tpu.pipeline_mode<synchronous>, transform_indices = @transform_3, window_bounds = array<i64: 1, 128>}, {transform_indices = @transform_4, window_bounds = array<i64: 1000, 128>}]} {
    %get3A = arith.constant 0 : index
    %get3A_0 = arith.constant 0 : index
    %get3A_1 = arith.constant 0 : index
    %get3A_2 = vector.load %arg1[%get3A, %get3A_0, %get3A_1] : memref<1x1000x128xf32, #tpu.memory_space<vmem>>, vector<1x1000x128xf32>
    %get3A_3 = vector.shape_cast %get3A_2 : vector<1x1000x128xf32> to vector<1000x128xf32>
    %get3A_4 = arith.constant 0 : index
    %get3A_5 = arith.constant 0 : index
    %get3A_6 = arith.constant 0 : index
    %get3A_7 = vector.load %arg2[%get3A_4, %get3A_5, %get3A_6] : memref<1x1000x128xf32, #tpu.memory_space<vmem>>, vector<1x1000x128xf32>
    %get3A_8 = vector.shape_cast %get3A_7 : vector<1x1000x128xf32> to vector<1000x128xf32>
    %add3A = arith.addf %get3A_3, %get3A_8 : vector<1000x128xf32>
    %get3A_9 = arith.constant 0 : index
    %get3A_10 = arith.constant 0 : index
    %get3A_11 = vector.load %arg3[%get3A_9, %get3A_10] : memref<128x128xf32, #tpu.memory_space<vmem>>, vector<128x128xf32>
    %dot_general3A = arith.constant dense<0.000000e+00> : vector<1000x128xf32>
    %dot_general3A_12 = tpu.matmul %add3A, %get3A_11, %dot_general3A {dimension_numbers = #tpu.dot_dimension_numbers<[1], [0], [0], [1], [0, 0, 1, 1], [], []>, transpose_lhs_hint = false} : vector<1000x128xf32>, vector<128x128xf32>, vector<1000x128xf32> -> vector<1000x128xf32>
    %get3A_13 = arith.constant 0 : index
    %get3A_14 = arith.constant 0 : index
    %get3A_15 = vector.load %arg4[%get3A_13, %get3A_14] : memref<1x128xf32, #tpu.memory_space<vmem>>, vector<1x128xf32>
    %add3A_16 = vector.broadcast %get3A_15 : vector<1x128xf32> to vector<1000x128xf32>
    %add3A_17 = arith.addf %dot_general3A_12, %add3A_16 : vector<1000x128xf32>
    %swap3A = arith.constant 0 : index
    %swap3A_18 = arith.constant 0 : index
    %swap3A_19 = vector.load %arg5[%swap3A, %swap3A_18] : memref<1000x128xf32, #tpu.memory_space<vmem>>, vector<1000x128xf32>
    tpu.vector_store %arg5[%swap3A, %swap3A_18], %add3A_17 {strides = array<i32>} : memref<1000x128xf32, #tpu.memory_space<vmem>>, vector<1000x128xf32>,
    return
  }
  func.func @transform_0(%arg0: i32) -> (i32, i32, i32) {
    %c0_i32 = arith.constant 0 : i32
    %c0_i32_0 = arith.constant 0 : i32
    %c0_i32_1 = arith.constant 0 : i32
    return %c0_i32, %arg0, %c0_i32_0 : i32, i32, i32
  }
  func.func @transform_1(%arg0: i32) -> (i32, i32, i32) {
    %c1_i32 = arith.constant 1 : i32
    %c0_i32 = arith.constant 0 : i32
    %c0_i32_0 = arith.constant 0 : i32
    return %c1_i32, %arg0, %c0_i32 : i32, i32, i32
  }
  func.func @transform_2(%arg0: i32) -> (i32, i32) {
    %c0_i32 = arith.constant 0 : i32
    %c0_i32_0 = arith.constant 0 : i32
    %c0_i32_1 = arith.constant 0 : i32
    return %c0_i32, %c0_i32_0 : i32, i32
  }
  func.func @transform_3(%arg0: i32) -> (i32, i32) {
    %c0_i32 = arith.constant 0 : i32
    %c0_i32_0 = arith.constant 0 : i32
    %c0_i32_1 = arith.constant 0 : i32
    return %c0_i32, %c0_i32_0 : i32, i32
  }
  func.func @transform_4(%arg0: i32) -> (i32, i32) {
    %c0_i32 = arith.constant 0 : i32
    %c0_i32_0 = arith.constant 0 : i32
    return %arg0, %c0_i32 : i32, i32
  }
}

</mosaic_0001>

<sc_bundles>
// kernel: kernel.6.cloned.1.call-start
scs
__scs_entry_jumppad:
0x0: {  	(pc) =	sbr.rel $0x88, $3  }
0x1: {  	(tag) =	ssettag $0x0;
	lr =	simm.s32 $0x1  }
0x2: {  	[smem:$0x3F9B] =	sst lr;
	_ =	strace $0xD0000000  }
0x3: {  	_ = 	snop  }
0x4: {  	_ = 	snop  }
0x5: {  	_ = 	snop  }
0x6: {  	_ = 	snop  }
0x7: {  	_ = 	snop  }
__scs_overlays_trampoline_lowered:
0x8: {  	[smem:$0x3FAA] =	sst s0  }
0x9: {  	[smem:$0x3FAB] =	sst s1  }
0xa: {  	[smem:$0x3FAC] =	sst s2  }
0xb: {  	[smem:$0x3FAD] =	sst s3  }
0xc: {  	[smem:$0x3FAE] =	sst s4  }
0xd: {  	[smem:$0x3FAF] =	sst s5  }
0xe: {  	[smem:$0x3FB0] =	sst s6  }
0xf: {  	[smem:$0x3FB1] =	sst s7  }
0x10: {  	[smem:$0x3FB2] =	sst s8  }
0x11: {  	[smem:$0x3FB3] =	sst s9;
	s0 =	simm.s32 @!p0 $0x0  }
0x12: {  	s1 =	sld [smem:$0x3F99];
	s0 =	simm.s32 @p0 $0x1  }
0x13: {  	[smem:$0x3FB4] =	sst s0;
	s0 =	simm.s32 @!p1 $0x0  }
0x14: {  	s2 =	sld [smem:$0x3F98];
	s0 =	simm.s32 @p1 $0x1  }
0x15: {  	[smem:$0x3FB5] =	sst s0;
	s0 =	simm.s32 @!p2 $0x0  }
0x16: {  	s3 =	sld [smem:$0x3FDB];
	s0 =	simm.s32 @p2 $0x1  }
0x17: {  	s4 =	simm.s32 $0x1BF5;
	[smem:$0x3FB7] =	sst s0  }
0x18: {  	s0 =	sld [smem:$0x3F9A];
	_ =	swait.ge [sflag:s4], $0x0  }
0x19: {  	s7 =	sld [smem:$0x3F9B]  }
0x1a: {  	s8 =	sadd.s32 $0xFFFFE003, lr  }
0x1b: {  	s9 =	sadd.s32 $0xFFFFFEF7, lr;
	s5 =	simm.s32 $0xFFFFFFFF;
	p2 =	slt.u32 s8, $0xFFFFF086  }
0x1c: {  	p1 =	slt.u32 s9, $0xF7A;
	s5 =	simm.s32 @!p2 $0x0  }
0x1d: {  	s5 =	simm.s32 @p1 $0x1;
	p0 =	seq.s32 s7, s2  }
0x1e: {  	s7 =	smul.u32 @!p0 $0xF7A, s2;
	p2 =	seq.s32 @!p0 s5, $0x0  }
0x1f: {  	s9 =	smul.u32 $0xF7A, s1;
	s8 =	simm.s32 @!p0 $0x1BF5;
	p2 =	por !p2, p0  }
0x20: {  	[sflag:s8] =	ssyncset.s32 @!p0 $0xFFFFF086;
	s6 =	sadd.s32 @!p0 s3, s7;
	s7 =	simm.s32 @!p0 $0x108  }
0x21: {  	s3 =	sadd.s32 s3, s9;
	s6 =	sadd.s32 @!p0 $0x88, s6;
	s7 =	simm.s32 @p2 $0x1082  }
0x22: {  	[simem:s7], [sflag:s8] =	dma.local @!p0 [hbm:s6], $0xF7A  }
0x23: {  	s9 =	sor.u32 $0xD0000000, s2;
	s6 =	simm.s32 $0x108;
	_ =	swait.ge @!p0 [sflag:s8], $0x0  }
0x24: {  	s3 =	sadd.s32 $0x88, s3;
	s6 =	simm.s32 @!p1 $0x1082;
	[sflag:s4] =	ssyncset.s32 $0xFFFFF086  }
0x25: {  	[simem:s6], [sflag:s4] =	dma.local [hbm:s3], $0xF7A  }
0x26: {  	[smem:$0x3F9B] =	sst s1;
	(tag) =	ssettag s2;
	_ =	strace s9  }
0x27: {  	s1 =	sld [smem:$0x3FAB]  }
0x28: {  	s2 =	sld [smem:$0x3FAC]  }
0x29: {  	s4 =	sld [smem:$0x3FAE]  }
0x2a: {  	p0 =	seq.s32 s5, $0x0;
	s5 =	sld [smem:$0x3FAF]  }
0x2b: {  	s6 =	sld [smem:$0x3FB0]  }
0x2c: {  	s7 =	sld [smem:$0x3FB1]  }
0x2d: {  	s3 =	simm.s32 $0x108;
	s8 =	sld [smem:$0x3FB2]  }
0x2e: {  	s3 =	simm.s32 @!p0 $0x1082;
	s9 =	sld [smem:$0x3FB3]  }
0x2f: {  	lr =	sadd.s32 s0, s3;
	s0 =	sld [smem:$0x3FAA]  }
0x30: {  	s3 =	sld [smem:$0x3FAD]  }
0x31: {  	[smem:$0x3FB6] =	sst s10  }
0x32: {  	s10 =	sld [smem:$0x3FB4];
	_ =	sdelay $0x3  }
0x33: {  	p0 =	seq.s32 s10, $0x1;
	s10 =	sld [smem:$0x3FB6];
	_ =	sdelay $0x3  }
0x34: {  	[smem:$0x3FB6] =	sst s10  }
0x35: {  	s10 =	sld [smem:$0x3FB5];
	_ =	sdelay $0x3  }
0x36: {  	p1 =	seq.s32 s10, $0x1;
	s10 =	sld [smem:$0x3FB6];
	_ =	sdelay $0x3  }
0x37: {  	[smem:$0x3FB6] =	sst s10  }
0x38: {  	s10 =	sld [smem:$0x3FB7]  }
0x39: {  	_ = 	snop;
	(pc) =	sbr.ind lr, $3  }
0x3a: {  	_ = 	snop  }
0x3b: {  	_ = 	snop  }
0x3c: {  	p2 =	seq.s32 s10, $0x1;
	s10 =	sld [smem:$0x3FB6]  }
0x3d: {  	_ =	shalt  }
0x3e: {  	_ =	shalt  }
0x3f: {  	_ =	shalt  }
0x40: {  	_ =	shalt  }
0x41: {  	_ =	shalt  }
0x42: {  	_ =	shalt  }
0x43: {  	_ =	shalt  }
0x44: {  	_ =	shalt  }
0x45: {  	_ =	shalt  }
0x46: {  	_ =	shalt  }
0x47: {  	_ =	shalt  }
0x48: {  	_ =	shalt  }
0x49: {  	_ =	shalt  }
0x4a: {  	_ =	shalt  }
0x4b: {  	_ =	shalt  }
0x4c: {  	_ =	shalt  }
0x4d: {  	_ =	shalt  }
0x4e: {  	_ =	shalt  }
0x4f: {  	_ =	shalt  }
0x50: {  	_ =	shalt  }
0x51: {  	_ =	shalt  }
0x52: {  	_ =	shalt  }
0x53: {  	_ =	shalt  }
0x54: {  	_ =	shalt  }
0x55: {  	_ =	shalt  }
0x56: {  	_ =	shalt  }
0x57: {  	_ =	shalt  }
0x58: {  	_ =	shalt  }
0x59: {  	_ =	shalt  }
0x5a: {  	_ =	shalt  }
0x5b: {  	_ =	shalt  }
0x5c: {  	_ =	shalt  }
0x5d: {  	_ =	shalt  }
0x5e: {  	_ =	shalt  }
0x5f: {  	_ =	shalt  }
0x60: {  	_ =	shalt  }
0x61: {  	_ =	shalt  }
0x62: {  	_ =	shalt  }
0x63: {  	_ =	shalt  }
0x64: {  	_ =	shalt  }
0x65: {  	_ =	shalt  }
0x66: {  	_ =	shalt  }
0x67: {  	_ =	shalt  }
0x68: {  	_ =	shalt  }
0x69: {  	_ =	shalt  }
0x6a: {  	_ =	shalt  }
0x6b: {  	_ =	shalt  }
0x6c: {  	_ =	shalt  }
0x6d: {  	_ =	shalt  }
0x6e: {  	_ =	shalt  }
0x6f: {  	_ =	shalt  }
0x70: {  	_ =	shalt  }
0x71: {  	_ =	shalt  }
0x72: {  	_ =	shalt  }
0x73: {  	_ =	shalt  }
0x74: {  	_ =	shalt  }
0x75: {  	_ =	shalt  }
0x76: {  	_ =	shalt  }
0x77: {  	_ =	shalt  }
0x78: {  	_ =	shalt  }
0x79: {  	_ =	shalt  }
0x7a: {  	_ =	shalt  }
0x7b: {  	_ =	shalt  }
0x7c: {  	_ =	shalt  }
0x7d: {  	_ =	shalt  }
0x7e: {  	_ =	shalt  }
0x7f: {  	_ =	shalt  }
0x80: {  	_ =	shalt  }
0x81: {  	_ =	shalt  }
0x82: {  	_ =	shalt  }
0x83: {  	_ =	shalt  }
0x84: {  	_ =	shalt  }
0x85: {  	_ =	shalt  }
0x86: {  	_ =	shalt  }
0x87: {  	_ =	shalt  }
.Lfunc_end0:
.L_simem_size_0:
called_computation_lowered:
.L_overlay_start_0:
0x88: {  	s2 =	sld [smem:$0x3FD9]  }
0x89: {  	s3 =	sld [smem:$0x3FFE];
	_ =	sdelay $0x1  }
0x8a: {  	s1 =	srdreg.scid  }
0x8b: {  	s0 =	sand.u32 $0x1, s1  }
0x8c: {  	s17 =	sshll.u32 s0, $0xA;
	s2 =	sadd.s32 s3, s2  }
0x8d: {  	s2 =	sadd.s32 s2, s17  }
0x8e: {  	[smem:$0x3FC2] =	sst s2  }
0x8f: {  	_ = 	snop  }
0x90: {  	s2 =	sld [smem:$0x3FC9];
	(tm) =	ssettm $0x1  }
0x91: {  	s18 =	sld [smem:$0x3FFB];
	_ =	sdelay $0x3  }
0x92: {  	_ =	strace s18  }
0x93: {  	s3 =	sld [smem:$0x3FFC];
	_ =	sdelay $0x3  }
0x94: {  	_ =	strace s3  }
0x95: {  	s3 =	sld [smem:$0x3FFD];
	_ =	sdelay $0x3  }
0x96: {  	_ =	strace s3  }
0x97: {  	_ =	strace $0x8FFFFFFF  }
0x98: {  	s19 =	sld [smem:$0x3FDB];
	_ =	sdelay $0x1  }
0x99: {  	s4 =	simm.s32 $_scs_section_size  }
0x9a: {  	s5 =	simm.s32 $_size__tile_overlayer_lowered;
	s6 =	simm.s32 $_tile_overlayer_lowered  }
0x9b: {  	s22 =	simm.s32 $0x1BFF;
	s21 =	sshll.u32 s6, $0x1;
	s3 =	sadd.s32 s4, s19  }
0x9c: {  	s7 =	simm.s32 $0x0;
	s20 =	sshll.u32 s5, $0x1;
	s5 =	sadd.s32 s21, s3  }
0x9d: {  	[timem:s7], [sflag:s22] =	dma.local [hbm:s5], s20  }
0x9e: {  	_ =	swait.ge [sflag:s22], s20  }
0x9f: {  	s4 =	ssub.s32 $0x0, s20;
	[sflag:s22] =	ssyncset.done $0x0  }
0xa0: {  	[sflag:s22] =	ssyncadd.s32 s4;
	_ =	sdelay $0x1  }
0xa1: {  	s23 =	simm.s32 $0x1B8B  }
0xa2: {  	_ =	swait.ge [sflag:s23], $0x1  }
0xa3: {  	[sflag:s23] =	ssyncset.done $0x0  }
0xa4: {  	s25 =	simm.s32 $0x1B8E;
	s24 =	sld [smem:$0x3FFE];
	[sflag:s23] =	ssyncadd.s32 $0xFFFFFFFF  }
0xa5: {  	s26 =	simm.s32 $execute0_lowered;
	[smem:$0x3FD2] =	sst s25  }
0xa6: {  	s5 =	sshll.u32 s26, $0x1;
	_ =	strace $0x80000046;
	[dreg:$0x1] =	wrdreg $0xFFFFFFFF  }
0xa7: {  	s28 =	simm.s32 $_size_execute0_lowered;
	s3 =	sadd.s32 s3, s5;
	[dreg:$0x0] =	wrdreg $0x0  }
0xa8: {  	s5 =	sshll.u32 s28, $0x1;
	[dreg:$0x2] =	wrdreg s3  }
0xa9: {  	[dreg:$0x3] =	wrdreg s5  }
0xaa: {  	[dreg:$0x4] =	wrdreg $0xC0  }
0xab: {  	_ =	task [dreg:s7], $0x5FFFF  }
0xac: {  	[dreg:$0x1] =	wrdreg $0xFFFFFFFF  }
0xad: {  	[dreg:$0x0] =	wrdreg $0x60  }
0xae: {  	[dreg:$0x2] =	wrdreg s2  }
0xaf: {  	[dreg:$0x3] =	wrdreg s24  }
0xb0: {  	[dreg:$0x4] =	wrdreg $0xC0000  }
0xb1: {  	[dreg:$0x5] =	wrdreg $0x9  }
0xb2: {  	_ =	task.clear_ibuf [dreg:s7], $0x6FFFF;
	_ =	strace $0x90000046  }
0xb3: {  	s29 =	simm.s32 $0x9;
	_ =	strace $0x80000048  }
0xb4: {  	_ =	swait.ge [sflag:s29], $0x1  }
0xb5: {  	[sflag:s29] =	ssyncadd.s32 $0xFFFFFFFF  }
0xb6: {  	_ =	strace $0x90000048  }
0xb7: {  	_ =	sfence  }
0xb8: {  	s30 =	sld [smem:$0x0];
	_ =	sdelay $0x2  }
0xb9: {  	s31 =	sshll.u32 s1, $0xD;
	s1 =	sshrl.u32 s1, $0x2  }
0xba: {  	s3 =	sand.u32 $0x4000, s31;
	s1 =	sadd.s32 s1, s30  }
0xbb: {  	s0 =	sor.u32 s3, s0;
	s1 =	sshll.u32 s1, $0x11  }
0xbc: {  	s0 =	sor.u32 s1, s0  }
0xbd: {  	s0 =	sadd.s32 $0x8F2B, s0  }
0xbe: {  	[sflag:s0] =	ssyncadd.remote.s32 $0x1  }
0xbf: {  	_ =	sfence.sel $0xFFFF  }
0xc0: {  	[dreg:$0x0] =	wrdreg $0xFFFFFFFF;
	(pc) =	sbr.abs _section_cstart, $3  }
0xc1: {  	[dreg:$0x1] =	wrdreg $0xFFFFFFFF  }
0xc2: {  	_ =	task.clear_ibuf [dreg:s7], $0x2FFFF;
	_ =	strace $0x9FFFFFFF  }
0xc3: {  	(tm) =	ssettm $0x7FFFFFFF  }
tec
execute0_lowered:
.L_overlay_start_1:
0x0: {  	(tag) =	ssettag $0x1  }
0x1: {  	s2 =	rddreg [dreg:$0x0]  }
0x2: {  	s0 =	rddreg [dreg:$0x1]  }
0x3: {  	s3 =	rddreg [dreg:$0x2]  }
0x4: {  	s12 =	stileid.u32;
	s4 =	simm.s32 $0x0;
	s5 =	srdreg.scid  }
0x5: {  	s29 =	simm.s32 $0x8000;
	s31 =	simm.s32 $0xA000;
	s28 =	simm.s32 $0x8  }
0x6: {  	s30 =	simm.s32 $0x9;
	s1 =	smul.u32 $0x13C00, s12;
	[smem:$0x7FF] =	sst s4  }
0x7: {  	s5 =	sand.u32 $0x1, s5;
	s8 =	sadd.s32 $0x1200, s0;
	s9 =	sadd.s32 $0x21200, s0  }
0x8: {  	s10 =	sshll.u32 s12, $0xF;
	s12 =	smul.u32 $0x4F000, s12;
	_ =	strace $0x80000047  }
0x9: {  	s7 =	smul.u32 $0x13C000, s5;
	s15 =	sshll.u32 s5, $0x13;
	s5 =	ssub.s32 $0x2, s5  }
0xa: {  	s6 =	sshrl.u32 s1, $0x3;
	s16 =	sshrl.u32 s5, $0x1;
	s21 =	sshrl.u32 s12, $0x2  }
0xb: {  	s12 =	simm.s32 $0x6;
	s6 =	sadd.s32 s6, s0;
	s1 =	sadd.s32 s1, s7  }
0xc: {  	s7 =	sor.u32 s10, s15;
	s17 =	ssub.s32 s5, s16;
	s22 =	sadd.s32 s21, s3  }
0xd: {  	s21 =	simm.s32 $0x40;
	s10 =	simm.s32 $0x5;
	s1 =	sshrl.u32 s1, $0x3  }
0xe: {  	s11 =	sshrl.u32 s7, $0x3;
	[dreg:$0x8] =	wrdreg s22;
	s23 =	sadd.s32 $0x41200, s6  }
0xf: {  	s24 =	sor.u32 $0x1800, s7;
	s25 =	sor.u32 $0x1000, s7;
	s22 =	simm.s32 $0x2000  }
0x10: {  	s6 =	simm.s32 $0x3;
	s7 =	simm.s32 $0xA;
	s0 =	sadd.s32 s1, s0  }
0x11: {  	s18 =	sadd.s32 s8, s11;
	s19 =	sadd.s32 s9, s11;
	s20 =	sor.u32 $0x100, s11  }
0x12: {  	[dreg:$0x9] =	wrdreg s23;
	s1 =	smax.u32 s17, $0x1;
	s26 =	sshrl.u32 s25, $0x3  }
0x13: {  	s23 =	simm.s32 $0x7;
	s17 =	simm.s32 $0x0;
	[dreg:$0x4] =	wrdreg s18  }
0x14: {  	[dreg:$0x5] =	wrdreg s19;
	s11 =	sadd.s32 s8, s20;
	s5 =	sadd.s32 s9, s20  }
0x15: {  	s0 =	sadd.s32 $0x68A00, s0;
	[dreg:$0xb] =	wrdreg s1;
	s15 =	sadd.s32 s26, s9  }
0x16: {  	s16 =	sadd.s32 s26, s8;
	s19 =	simm.s32 $0x800;
	s20 =	simm.s32 $0x1800  }
.Ltmp0:
0x17: {  	s26 =	simm.s32 $0x6000;
	[dreg:$0x6] =	wrdreg s11;
	(pc) =	sbr.rel .LBB2_1-.Ltmp0, $4  }
0x18: {  	s1 =	simm.s32 $0x2;
	s18 =	simm.s32 $0x1C80;
	[dreg:$0x7] =	wrdreg s5  }
0x19: {  	[dreg:$0xa] =	wrdreg s0;
	s0 =	sshrl.u32 s24, $0x3;
	s24 =	simm.s32 $0x4000  }
0x1a: {  	s11 =	simm.s32 $0xC;
	s13 =	sadd.s32 s0, s9;
	s14 =	sadd.s32 s0, s8  }
0x1b: {  	s9 =	simm.s32 $0xD;
	s0 =	simm.s32 $0x1;
	s8 =	simm.s32 $0x4  }
.LBB2_4:
0x1c: {  	_ =	swait.ge [sflag:s23], $0x2000  }
0x1d: {  	[sflag:s23] =	ssyncset.done $0x0  }
0x1e: {  	[sflag:s23] =	ssyncadd.s32 $0xFFFFE000  }
0x1f: {  	_ =	swait.ge [sflag:s28], $0x2000  }
0x20: {  	[sflag:s28] =	ssyncset.done $0x0  }
0x21: {  	[sflag:s28] =	ssyncadd.s32 $0xFFFFE000  }
0x22: {  	_ =	swait.ge [sflag:s30], $0x2000  }
0x23: {  	[sflag:s30] =	ssyncset.done $0x0  }
0x24: {  	[sflag:s30] =	ssyncadd.s32 $0xFFFFE000  }
0x25: {  	_ =	swait.ge [sflag:s7], $0x2000  }
0x26: {  	[sflag:s7] =	ssyncset.done $0x0  }
0x27: {  	[sflag:s7] =	ssyncadd.s32 $0xFFFFE000  }
0x28: {  	[bflag:$0x0] =	sbarrier.arrive $0xFFFF  }
0x29: {  	s5 =	rddreg [dreg:$0xa]  }
0x2a: {  	s9 =	rddreg [dreg:$0xd]  }
0x2b: {  	s17 =	rddreg [dreg:$0xe]  }
0x2c: {  	[hbm:s5], [sflag:s9] =	dma.local [spmem:s17], $0x2780  }
0x2d: {  	s9 =	simm.s32 $0xD  }
0x2e: {  	_ =	swait.ge [sflag:s9], $0x2780  }
0x2f: {  	s5 =	rddreg [dreg:$0xc]  }
0x30: {  	s25 =	rddreg [dreg:$0xb];
	s17 =	sadd.s32 $0x1, s5  }
0x31: {  	p0 =	sne.s32 s17, s25  }
.Ltmp1:
0x32: {  	_ = 	snop;
	(pc) =	sbr.rel @!p0 .LBB2_5-.Ltmp1, $3  }
0x33: {  	_ =	sdelay $0x1  }
0x34: {  	[sflag:s9] =	ssyncset.done $0x0  }
0x35: {  	[sflag:s9] =	ssyncadd.s32 $0xFFFFD880  }
.LBB2_1:
0x36: {  	[dreg:$0xc] =	wrdreg s17  }
0x37: {  	s5 =	rddreg [dreg:$0x4]  }
0x38: {  	[tilespmem:s4], [sflag:$0xD] =	stream.linear.gather [hbm4b:s5+s4], $0x500, $0x38;
	[tilespmem:$0x1FC00] =	vst v63  }
0x39: {  	_ =	swait.ge [sflag:s9], $0x500  }
0x3a: {  	[sflag:s9] =	ssyncset.done $0x0  }
0x3b: {  	s25 =	simm.s32 $0x1000;
	s17 =	rddreg [dreg:$0x5];
	[sflag:s9] =	ssyncadd.s32 $0xFFFFFB00  }
0x3c: {  	[tilespmem:s25], [sflag:$0xD] =	stream.linear.gather [hbm4b:s17+s4], $0x500, $0x38;
	[tilespmem:$0x1FC00] =	vst v63  }
0x3d: {  	_ =	swait.ge [sflag:s9], $0x500  }
0x3e: {  	[sflag:s9] =	ssyncset.done $0x0  }
0x3f: {  	s17 =	rddreg [dreg:$0x6];
	[sflag:s9] =	ssyncadd.s32 $0xFFFFFB00  }
0x40: {  	[tilespmem:s19], [sflag:$0xC] =	stream.linear.gather [hbm4b:s17+s4], $0x500, $0x38;
	[tilespmem:$0x1FC00] =	vst v63  }
0x41: {  	s25 =	rddreg [dreg:$0x7]  }
0x42: {  	[tilespmem:s20], [sflag:$0xC] =	stream.linear.gather [hbm4b:s25+s4], $0x500, $0x38;
	[tilespmem:$0x1FC00] =	vst v63  }
0x43: {  	_ = 	snop  }
0x44: {  	[tilespmem:s22], [sflag:$0x1] =	stream.indirect.gather [hbm4b:s2+s21], $0x80, s4, s21, $0xb8;
	[tilespmem:$0x1FC00] =	vst v63  }
0x45: {  	s17 =	simm.s32 $0x80  }
0x46: {  	[tilespmem:s24], [sflag:$0x2] =	stream.indirect.gather [hbm4b:s2+s21], $0x80, s17, s21, $0xb8;
	[tilespmem:$0x1FC00] =	vst v63  }
0x47: {  	s25 =	simm.s32 $0x100  }
0x48: {  	[tilespmem:s26], [sflag:$0x3] =	stream.indirect.gather [hbm4b:s2+s21], $0x80, s25, s21, $0xb8;
	[tilespmem:$0x1FC00] =	vst v63  }
0x49: {  	s17 =	simm.s32 $0x180  }
0x4a: {  	[tilespmem:s29], [sflag:$0x4] =	stream.indirect.gather [hbm4b:s2+s21], $0x80, s17, s21, $0xb8;
	[tilespmem:$0x1FC00] =	vst v63  }
0x4b: {  	s25 =	simm.s32 $0x200;
	s17 =	stileid.u32  }
0x4c: {  	[tilespmem:s31], [sflag:$0x5] =	stream.indirect.gather [hbm4b:s2+s21], $0x80, s25, s21, $0xb8;
	[tilespmem:$0x1FC00] =	vst v63  }
0x4d: {  	s5 =	sshll.u32 s17, $0x6;
	s25 =	rddreg [dreg:$0x8]  }
0x4e: {  	s17 =	sor.u32 $0x1C0D, s5;
	s5 =	rddreg [dreg:$0x9]  }
0x4f: {  	s25 =	sshrl.u32 s25, $0x3;
	[dreg:$0xd] =	wrdreg s17  }
0x50: {  	[dreg:$0xe] =	wrdreg s25  }
0x51: {  	[spmem:s25], [sflag:s17] =	dma.local [hbm:s5], $0x2780  }
0x52: {  	_ =	swait.ge [sflag:s9], $0x2780  }
0x53: {  	[sflag:s9] =	ssyncset.done $0x0  }
0x54: {  	[sflag:s9] =	ssyncadd.s32 $0xFFFFD880  }
0x55: {  	s5 =	simm.s32 $0x0;
	[bflag:$0x0] =	sbarrier.arrive $0xFFFF  }
.LBB2_2:
0x56: {  	_ =	swait.ge [sflag:s0], $0x2000  }
0x57: {  	[sflag:s0] =	ssyncset.done $0x0  }
0x58: {  	s9 =	simm.s32 $0x1000;
	[sflag:s0] =	ssyncadd.s32 $0xFFFFE000  }
0x59: {  	[spmem:s3] =	stream.indirect.scatter.add.f32 [tilespmem:s22], [sflag:$0x6], $0x80, s9, s21, $0xb8;
	[tilespmem:$0x1FC00] =	vst v63  }
0x5a: {  	_ =	swait.ge [sflag:s1], $0x2000  }
0x5b: {  	[sflag:s1] =	ssyncset.done $0x0  }
0x5c: {  	s25 =	simm.s32 $0x1080;
	[sflag:s1] =	ssyncadd.s32 $0xFFFFE000  }
0x5d: {  	[spmem:s3] =	stream.indirect.scatter.add.f32 [tilespmem:s24], [sflag:$0x7], $0x80, s25, s21, $0xb8;
	[tilespmem:$0x1FC00] =	vst v63  }
0x5e: {  	_ =	swait.ge [sflag:s6], $0x2000  }
0x5f: {  	[sflag:s6] =	ssyncset.done $0x0  }
0x60: {  	s17 =	simm.s32 $0x1100;
	[sflag:s6] =	ssyncadd.s32 $0xFFFFE000  }
0x61: {  	[spmem:s3] =	stream.indirect.scatter.add.f32 [tilespmem:s26], [sflag:$0x8], $0x80, s17, s21, $0xb8;
	[tilespmem:$0x1FC00] =	vst v63  }
0x62: {  	_ =	swait.ge [sflag:s8], $0x2000  }
0x63: {  	[sflag:s8] =	ssyncset.done $0x0  }
0x64: {  	s25 =	simm.s32 $0x1180;
	[sflag:s8] =	ssyncadd.s32 $0xFFFFE000  }
0x65: {  	[spmem:s3] =	stream.indirect.scatter.add.f32 [tilespmem:s29], [sflag:$0x9], $0x80, s25, s21, $0xb8;
	[tilespmem:$0x1FC00] =	vst v63  }
0x66: {  	_ =	swait.ge [sflag:s10], $0x2000  }
0x67: {  	[sflag:s10] =	ssyncset.done $0x0  }
0x68: {  	s17 =	simm.s32 $0x1200;
	[sflag:s10] =	ssyncadd.s32 $0xFFFFE000  }
0x69: {  	[spmem:s3] =	stream.indirect.scatter.add.f32 [tilespmem:s31], [sflag:$0xA], $0x80, s17, s21, $0xb8;
	[tilespmem:$0x1FC00] =	vst v63  }
0x6a: {  	_ =	swait.ge [sflag:s12], $0x2000  }
0x6b: {  	[sflag:s12] =	ssyncset.done $0x0  }
0x6c: {  	s25 =	simm.s32 $0x280;
	[sflag:s12] =	ssyncadd.s32 $0xFFFFE000  }
0x6d: {  	[tilespmem:s22], [sflag:$0x1] =	stream.indirect.gather [hbm4b:s2+s21], $0x80, s25, s21, $0xb8;
	[tilespmem:$0x1FC00] =	vst v63  }
0x6e: {  	_ =	swait.ge [sflag:s23], $0x2000  }
0x6f: {  	[sflag:s23] =	ssyncset.done $0x0  }
0x70: {  	s17 =	simm.s32 $0x300;
	[sflag:s23] =	ssyncadd.s32 $0xFFFFE000  }
0x71: {  	[tilespmem:s24], [sflag:$0x2] =	stream.indirect.gather [hbm4b:s2+s21], $0x80, s17, s21, $0xb8;
	[tilespmem:$0x1FC00] =	vst v63  }
0x72: {  	_ =	swait.ge [sflag:s28], $0x2000  }
0x73: {  	[sflag:s28] =	ssyncset.done $0x0  }
0x74: {  	s25 =	simm.s32 $0x380;
	[sflag:s28] =	ssyncadd.s32 $0xFFFFE000  }
0x75: {  	[tilespmem:s26], [sflag:$0x3] =	stream.indirect.gather [hbm4b:s2+s21], $0x80, s25, s21, $0xb8;
	[tilespmem:$0x1FC00] =	vst v63  }
0x76: {  	_ =	swait.ge [sflag:s30], $0x2000  }
0x77: {  	[sflag:s30] =	ssyncset.done $0x0  }
0x78: {  	s17 =	simm.s32 $0x400;
	[sflag:s30] =	ssyncadd.s32 $0xFFFFE000  }
0x79: {  	[tilespmem:s29], [sflag:$0x4] =	stream.indirect.gather [hbm4b:s2+s21], $0x80, s17, s21, $0xb8;
	[tilespmem:$0x1FC00] =	vst v63  }
0x7a: {  	_ =	swait.ge [sflag:s7], $0x2000  }
0x7b: {  	[sflag:s7] =	ssyncset.done $0x0  }
0x7c: {  	s25 =	simm.s32 $0x480;
	[sflag:s7] =	ssyncadd.s32 $0xFFFFE000  }
0x7d: {  	[tilespmem:s31], [sflag:$0x5] =	stream.indirect.gather [hbm4b:s2+s21], $0x80, s25, s21, $0xb8;
	[tilespmem:$0x1FC00] =	vst v63  }
0x7e: {  	_ =	swait.ge [sflag:s11], $0x500  }
0x7f: {  	[sflag:s11] =	ssyncset.done $0x0  }
0x80: {  	[sflag:s11] =	ssyncadd.s32 $0xFFFFFB00  }
0x81: {  	_ =	swait.ge [sflag:s11], $0x500  }
0x82: {  	[sflag:s11] =	ssyncset.done $0x0  }
0x83: {  	[sflag:s11] =	ssyncadd.s32 $0xFFFFFB00  }
0x84: {  	_ =	swait.ge [sflag:s0], $0x2000  }
0x85: {  	[sflag:s0] =	ssyncset.done $0x0  }
0x86: {  	s17 =	simm.s32 $0x1280;
	[sflag:s0] =	ssyncadd.s32 $0xFFFFE000  }
0x87: {  	[spmem:s3] =	stream.indirect.scatter.add.f32 [tilespmem:s22], [sflag:$0x6], $0x80, s17, s21, $0xb8;
	[tilespmem:$0x1FC00] =	vst v63  }
0x88: {  	_ =	swait.ge [sflag:s1], $0x2000  }
0x89: {  	[sflag:s1] =	ssyncset.done $0x0  }
0x8a: {  	s25 =	simm.s32 $0x1300;
	[sflag:s1] =	ssyncadd.s32 $0xFFFFE000  }
0x8b: {  	[spmem:s3] =	stream.indirect.scatter.add.f32 [tilespmem:s24], [sflag:$0x7], $0x80, s25, s21, $0xb8;
	[tilespmem:$0x1FC00] =	vst v63  }
0x8c: {  	_ =	swait.ge [sflag:s6], $0x2000  }
0x8d: {  	[sflag:s6] =	ssyncset.done $0x0  }
0x8e: {  	s17 =	simm.s32 $0x1380;
	[sflag:s6] =	ssyncadd.s32 $0xFFFFE000  }
0x8f: {  	[spmem:s3] =	stream.indirect.scatter.add.f32 [tilespmem:s26], [sflag:$0x8], $0x80, s17, s21, $0xb8;
	[tilespmem:$0x1FC00] =	vst v63  }
0x90: {  	_ =	swait.ge [sflag:s8], $0x2000  }
0x91: {  	[sflag:s8] =	ssyncset.done $0x0  }
0x92: {  	s25 =	simm.s32 $0x1400;
	[sflag:s8] =	ssyncadd.s32 $0xFFFFE000  }
0x93: {  	[spmem:s3] =	stream.indirect.scatter.add.f32 [tilespmem:s29], [sflag:$0x9], $0x80, s25, s21, $0xb8;
	[tilespmem:$0x1FC00] =	vst v63  }
0x94: {  	_ =	swait.ge [sflag:s10], $0x2000  }
0x95: {  	[sflag:s10] =	ssyncset.done $0x0  }
0x96: {  	s17 =	simm.s32 $0x1480;
	[sflag:s10] =	ssyncadd.s32 $0xFFFFE000  }
0x97: {  	[spmem:s3] =	stream.indirect.scatter.add.f32 [tilespmem:s31], [sflag:$0xA], $0x80, s17, s21, $0xb8;
	[tilespmem:$0x1FC00] =	vst v63  }
0x98: {  	_ =	swait.ge [sflag:s12], $0x2000  }
0x99: {  	[sflag:s12] =	ssyncset.done $0x0  }
0x9a: {  	[sflag:s12] =	ssyncadd.s32 $0xFFFFE000  }
0x9b: {  	[tilespmem:s22], [sflag:$0x1] =	stream.indirect.gather [hbm4b:s2+s21], $0x80, s19, s21, $0xb8;
	[tilespmem:$0x1FC00] =	vst v63  }
0x9c: {  	_ =	swait.ge [sflag:s23], $0x2000  }
0x9d: {  	[sflag:s23] =	ssyncset.done $0x0  }
0x9e: {  	s25 =	simm.s32 $0x880;
	[sflag:s23] =	ssyncadd.s32 $0xFFFFE000  }
0x9f: {  	[tilespmem:s24], [sflag:$0x2] =	stream.indirect.gather [hbm4b:s2+s21], $0x80, s25, s21, $0xb8;
	[tilespmem:$0x1FC00] =	vst v63  }
0xa0: {  	_ =	swait.ge [sflag:s28], $0x2000  }
0xa1: {  	[sflag:s28] =	ssyncset.done $0x0  }
0xa2: {  	s17 =	simm.s32 $0x900;
	[sflag:s28] =	ssyncadd.s32 $0xFFFFE000  }
0xa3: {  	[tilespmem:s26], [sflag:$0x3] =	stream.indirect.gather [hbm4b:s2+s21], $0x80, s17, s21, $0xb8;
	[tilespmem:$0x1FC00] =	vst v63  }
0xa4: {  	_ =	swait.ge [sflag:s30], $0x2000  }
0xa5: {  	[sflag:s30] =	ssyncset.done $0x0  }
0xa6: {  	s25 =	simm.s32 $0x980;
	[sflag:s30] =	ssyncadd.s32 $0xFFFFE000  }
0xa7: {  	[tilespmem:s29], [sflag:$0x4] =	stream.indirect.gather [hbm4b:s2+s21], $0x80, s25, s21, $0xb8;
	[tilespmem:$0x1FC00] =	vst v63  }
0xa8: {  	_ =	swait.ge [sflag:s7], $0x2000  }
0xa9: {  	[sflag:s7] =	ssyncset.done $0x0  }
0xaa: {  	p0 =	seq.s32 s5, $0xE00;
	s17 =	simm.s32 $0xA00;
	[sflag:s7] =	ssyncadd.s32 $0xFFFFE000  }
0xab: {  	[tilespmem:s31], [sflag:$0x5] =	stream.indirect.gather [hbm4b:s2+s21], $0x80, s17, s21, $0xb8;
	[tilespmem:$0x1FC00] =	vst v63  }
0xac: {  	s9 =	sadd.s32 @!p0 s5, s16;
	s17 =	simm.s32 @!p0 $0x0  }
0xad: {  	[tilespmem:s17], [sflag:$0xB] =	stream.linear.gather @!p0 [hbm4b:s9+s17], $0x500, $0x38;
	[tilespmem:$0x1FC00] =	vst v63  }
0xae: {  	s25 =	simm.s32 @!p0 $0x1000;
	s9 =	sadd.s32 @!p0 s5, s15  }
0xaf: {  	[tilespmem:s25], [sflag:$0xB] =	stream.linear.gather @!p0 [hbm4b:s9+s17], $0x500, $0x38;
	[tilespmem:$0x1FC00] =	vst v63  }
0xb0: {  	_ =	swait.ge [sflag:s0], $0x2000  }
0xb1: {  	[sflag:s0] =	ssyncset.done $0x0  }
0xb2: {  	[sflag:s0] =	ssyncadd.s32 $0xFFFFE000  }
0xb3: {  	[spmem:s3] =	stream.indirect.scatter.add.f32 [tilespmem:s22], [sflag:$0x6], $0x80, s20, s21, $0xb8;
	[tilespmem:$0x1FC00] =	vst v63  }
0xb4: {  	_ =	swait.ge [sflag:s1], $0x2000  }
0xb5: {  	[sflag:s1] =	ssyncset.done $0x0  }
0xb6: {  	s25 =	simm.s32 $0x1880;
	[sflag:s1] =	ssyncadd.s32 $0xFFFFE000  }
0xb7: {  	[spmem:s3] =	stream.indirect.scatter.add.f32 [tilespmem:s24], [sflag:$0x7], $0x80, s25, s21, $0xb8;
	[tilespmem:$0x1FC00] =	vst v63  }
0xb8: {  	_ =	swait.ge [sflag:s6], $0x2000  }
0xb9: {  	[sflag:s6] =	ssyncset.done $0x0  }
0xba: {  	s17 =	simm.s32 $0x1900;
	[sflag:s6] =	ssyncadd.s32 $0xFFFFE000  }
0xbb: {  	[spmem:s3] =	stream.indirect.scatter.add.f32 [tilespmem:s26], [sflag:$0x8], $0x80, s17, s21, $0xb8;
	[tilespmem:$0x1FC00] =	vst v63  }
0xbc: {  	_ =	swait.ge [sflag:s8], $0x2000  }
0xbd: {  	[sflag:s8] =	ssyncset.done $0x0  }
0xbe: {  	s25 =	simm.s32 $0x1980;
	[sflag:s8] =	ssyncadd.s32 $0xFFFFE000  }
0xbf: {  	[spmem:s3] =	stream.indirect.scatter.add.f32 [tilespmem:s29], [sflag:$0x9], $0x80, s25, s21, $0xb8;
	[tilespmem:$0x1FC00] =	vst v63  }
0xc0: {  	_ =	swait.ge [sflag:s10], $0x2000  }
0xc1: {  	[sflag:s10] =	ssyncset.done $0x0  }
0xc2: {  	s17 =	simm.s32 $0x1A00;
	[sflag:s10] =	ssyncadd.s32 $0xFFFFE000  }
0xc3: {  	[spmem:s3] =	stream.indirect.scatter.add.f32 [tilespmem:s31], [sflag:$0xA], $0x80, s17, s21, $0xb8;
	[tilespmem:$0x1FC00] =	vst v63  }
0xc4: {  	_ =	swait.ge [sflag:s12], $0x2000  }
0xc5: {  	[sflag:s12] =	ssyncset.done $0x0  }
0xc6: {  	s25 =	simm.s32 $0xA80;
	[sflag:s12] =	ssyncadd.s32 $0xFFFFE000  }
0xc7: {  	[tilespmem:s22], [sflag:$0x1] =	stream.indirect.gather [hbm4b:s2+s21], $0x80, s25, s21, $0xb8;
	[tilespmem:$0x1FC00] =	vst v63  }
0xc8: {  	_ =	swait.ge [sflag:s23], $0x2000  }
0xc9: {  	[sflag:s23] =	ssyncset.done $0x0  }
0xca: {  	s17 =	simm.s32 $0xB00;
	[sflag:s23] =	ssyncadd.s32 $0xFFFFE000  }
0xcb: {  	[tilespmem:s24], [sflag:$0x2] =	stream.indirect.gather [hbm4b:s2+s21], $0x80, s17, s21, $0xb8;
	[tilespmem:$0x1FC00] =	vst v63  }
0xcc: {  	_ =	swait.ge [sflag:s28], $0x2000  }
0xcd: {  	[sflag:s28] =	ssyncset.done $0x0  }
0xce: {  	s25 =	simm.s32 $0xB80;
	[sflag:s28] =	ssyncadd.s32 $0xFFFFE000  }
0xcf: {  	[tilespmem:s26], [sflag:$0x3] =	stream.indirect.gather [hbm4b:s2+s21], $0x80, s25, s21, $0xb8;
	[tilespmem:$0x1FC00] =	vst v63  }
0xd0: {  	_ =	swait.ge [sflag:s30], $0x2000  }
0xd1: {  	[sflag:s30] =	ssyncset.done $0x0  }
0xd2: {  	s17 =	simm.s32 $0xC00;
	[sflag:s30] =	ssyncadd.s32 $0xFFFFE000  }
0xd3: {  	[tilespmem:s29], [sflag:$0x4] =	stream.indirect.gather [hbm4b:s2+s21], $0x80, s17, s21, $0xb8;
	[tilespmem:$0x1FC00] =	vst v63  }
0xd4: {  	_ =	swait.ge [sflag:s7], $0x2000  }
0xd5: {  	[sflag:s7] =	ssyncset.done $0x0  }
0xd6: {  	s9 =	simm.s32 @!p0 $0xB;
	s25 =	simm.s32 $0xC80;
	[sflag:s7] =	ssyncadd.s32 $0xFFFFE000  }
0xd7: {  	[tilespmem:s31], [sflag:$0x5] =	stream.indirect.gather [hbm4b:s2+s21], $0x80, s25, s21, $0xb8;
	[tilespmem:$0x1FC00] =	vst v63  }
0xd8: {  	_ =	swait.ge @!p0 [sflag:s9], $0x500  }
0xd9: {  	[sflag:s9] =	ssyncset.done @!p0 $0x0  }
0xda: {  	[sflag:s9] =	ssyncadd.s32 @!p0 $0xFFFFFB00  }
0xdb: {  	_ =	swait.ge @!p0 [sflag:s9], $0x500  }
0xdc: {  	[sflag:s9] =	ssyncset.done @!p0 $0x0  }
0xdd: {  	[sflag:s9] =	ssyncadd.s32 @!p0 $0xFFFFFB00  }
0xde: {  	_ =	swait.ge [sflag:s0], $0x2000  }
0xdf: {  	[sflag:s0] =	ssyncset.done $0x0  }
0xe0: {  	s17 =	simm.s32 $0x1A80;
	[sflag:s0] =	ssyncadd.s32 $0xFFFFE000  }
0xe1: {  	[spmem:s3] =	stream.indirect.scatter.add.f32 [tilespmem:s22], [sflag:$0x6], $0x80, s17, s21, $0xb8;
	[tilespmem:$0x1FC00] =	vst v63  }
0xe2: {  	_ =	swait.ge [sflag:s1], $0x2000  }
0xe3: {  	[sflag:s1] =	ssyncset.done $0x0  }
0xe4: {  	s25 =	simm.s32 $0x1B00;
	[sflag:s1] =	ssyncadd.s32 $0xFFFFE000  }
0xe5: {  	[spmem:s3] =	stream.indirect.scatter.add.f32 [tilespmem:s24], [sflag:$0x7], $0x80, s25, s21, $0xb8;
	[tilespmem:$0x1FC00] =	vst v63  }
0xe6: {  	_ =	swait.ge [sflag:s6], $0x2000  }
0xe7: {  	[sflag:s6] =	ssyncset.done $0x0  }
0xe8: {  	s17 =	simm.s32 $0x1B80;
	[sflag:s6] =	ssyncadd.s32 $0xFFFFE000  }
0xe9: {  	[spmem:s3] =	stream.indirect.scatter.add.f32 [tilespmem:s26], [sflag:$0x8], $0x80, s17, s21, $0xb8;
	[tilespmem:$0x1FC00] =	vst v63  }
0xea: {  	_ =	swait.ge [sflag:s8], $0x2000  }
0xeb: {  	[sflag:s8] =	ssyncset.done $0x0  }
0xec: {  	s25 =	simm.s32 $0x1C00;
	[sflag:s8] =	ssyncadd.s32 $0xFFFFE000  }
0xed: {  	[spmem:s3] =	stream.indirect.scatter.add.f32 [tilespmem:s29], [sflag:$0x9], $0x80, s25, s21, $0xb8;
	[tilespmem:$0x1FC00] =	vst v63  }
0xee: {  	_ =	swait.ge [sflag:s10], $0x2000  }
0xef: {  	[sflag:s10] =	ssyncset.done $0x0  }
.Ltmp2:
0xf0: {  	[sflag:s10] =	ssyncadd.s32 $0xFFFFE000;
	(pc) =	sbr.rel @p0 .LBB2_4-.Ltmp2, $4  }
0xf1: {  	[spmem:s3] =	stream.indirect.scatter.add.f32 [tilespmem:s31], [sflag:$0xA], $0x80, s18, s21, $0xb8;
	[tilespmem:$0x1FC00] =	vst v63  }
0xf2: {  	_ =	swait.ge [sflag:s12], $0x2000  }
0xf3: {  	[sflag:s12] =	ssyncset.done $0x0  }
0xf4: {  	[sflag:s12] =	ssyncadd.s32 $0xFFFFE000  }
0xf5: {  	[tilespmem:s22], [sflag:$0x1] =	stream.indirect.gather [hbm4b:s2+s21], $0x80, s4, s21, $0xb8;
	[tilespmem:$0x1FC00] =	vst v63  }
0xf6: {  	_ =	swait.ge [sflag:s23], $0x2000  }
0xf7: {  	[sflag:s23] =	ssyncset.done $0x0  }
0xf8: {  	s9 =	simm.s32 $0x80;
	[sflag:s23] =	ssyncadd.s32 $0xFFFFE000  }
0xf9: {  	[tilespmem:s24], [sflag:$0x2] =	stream.indirect.gather [hbm4b:s2+s21], $0x80, s9, s21, $0xb8;
	[tilespmem:$0x1FC00] =	vst v63  }
0xfa: {  	_ =	swait.ge [sflag:s28], $0x2000  }
0xfb: {  	[sflag:s28] =	ssyncset.done $0x0  }
0xfc: {  	s25 =	simm.s32 $0x100;
	[sflag:s28] =	ssyncadd.s32 $0xFFFFE000  }
0xfd: {  	[tilespmem:s26], [sflag:$0x3] =	stream.indirect.gather [hbm4b:s2+s21], $0x80, s25, s21, $0xb8;
	[tilespmem:$0x1FC00] =	vst v63  }
0xfe: {  	_ =	swait.ge [sflag:s30], $0x2000  }
0xff: {  	[sflag:s30] =	ssyncset.done $0x0  }
0x100: {  	s17 =	simm.s32 $0x180;
	[sflag:s30] =	ssyncadd.s32 $0xFFFFE000  }
0x101: {  	[tilespmem:s29], [sflag:$0x4] =	stream.indirect.gather [hbm4b:s2+s21], $0x80, s17, s21, $0xb8;
	[tilespmem:$0x1FC00] =	vst v63  }
0x102: {  	_ =	swait.ge [sflag:s7], $0x2000  }
0x103: {  	[sflag:s7] =	ssyncset.done $0x0  }
0x104: {  	s25 =	simm.s32 $0x200;
	[sflag:s7] =	ssyncadd.s32 $0xFFFFE000  }
0x105: {  	[tilespmem:s31], [sflag:$0x5] =	stream.indirect.gather [hbm4b:s2+s21], $0x80, s25, s21, $0xb8;
	[tilespmem:$0x1FC00] =	vst v63  }
.Ltmp3:
0x106: {  	_ = 	snop;
	(pc) =	sbr.rel .LBB2_2-.Ltmp3, $4  }
0x107: {  	s17 =	sadd.s32 s5, s14  }
0x108: {  	[tilespmem:s19], [sflag:$0xC] =	stream.linear.gather [hbm4b:s17+s4], $0x500, $0x38;
	[tilespmem:$0x1FC00] =	vst v63  }
0x109: {  	s25 =	sadd.s32 s5, s13;
	s5 =	sadd.s32 $0x200, s5  }
0x10a: {  	[tilespmem:s20], [sflag:$0xC] =	stream.linear.gather [hbm4b:s25+s4], $0x500, $0x38;
	[tilespmem:$0x1FC00] =	vst v63  }
.LBB2_5:
0x10b: {  	_ =	sfence.sel $0x180000  }
0x10c: {  	[bflag:$0x0] =	sbarrier.arrive $0xFFFF  }
0x10d: {  	_ =	strace $0x90000047  }
0x10e: {  	s0 =	stileid.u32;
	[bflag:$0x2] =	sbarrier.arrive $0xFFFF  }
0x10f: {  	p0 =	sne.s32 s0, $0x0;
	s0 =	rddreg [dreg:$0x3]  }
0x110: {  	s0 =	sadd.s32 @!p0 $0x100000, s0  }
0x111: {  	[sflag:s0] =	ssyncadd.tile.s32 @!p0 $0x1;
	_ =	shalt  }
.Lfunc_end2:
_tile_overlayer_lowered:
.L_overlay_start_2:
0x112: {  	(tag) =	ssettag $0x2  }
0x113: {  	s0 =	rddreg [dreg:$0x0];
	s2 =	stileid.u32  }
0x114: {  	s1 =	rddreg [dreg:$0x1];
	p0 =	sne.s32 s2, $0x0  }
0x115: {  	s3 =	rddreg [dreg:$0x2];
	[bflag:$0x3] =	sbarrier.arrive $0xFFFF;
	s2 =	simm.s32 @!p0 $0x1C0D  }
0x116: {  	[timem:s3], [sflag:s2] =	dma.local @!p0 [hbm:s0], s1  }
0x117: {  	s0 =	simm.s32 @!p0 $0xD  }
0x118: {  	_ =	swait.ge @!p0 [sflag:s0], s1  }
0x119: {  	s1 =	ssub.s32 @!p0 $0x0, s1;
	[sflag:s0] =	ssyncset.done @!p0 $0x0  }
0x11a: {  	[sflag:s0] =	ssyncadd.s32 @!p0 s1  }
0x11b: {  	[bflag:$0x3] =	sbarrier.arrive $0xFFFF  }
0x11c: {  	_ =	shalt  }

// kernel: kernel.9.cloned.1.call-start
scs
__scs_entry_jumppad:
0x0: {  	(pc) =	sbr.rel $0x88, $3  }
0x1: {  	(tag) =	ssettag $0x0;
	lr =	simm.s32 $0x1  }
0x2: {  	[smem:$0x3F9B] =	sst lr;
	_ =	strace $0xD0000000  }
0x3: {  	_ = 	snop  }
0x4: {  	_ = 	snop  }
0x5: {  	_ = 	snop  }
0x6: {  	_ = 	snop  }
0x7: {  	_ = 	snop  }
__scs_overlays_trampoline_lowered:
0x8: {  	[smem:$0x3FAA] =	sst s0  }
0x9: {  	[smem:$0x3FAB] =	sst s1  }
0xa: {  	[smem:$0x3FAC] =	sst s2  }
0xb: {  	[smem:$0x3FAD] =	sst s3  }
0xc: {  	[smem:$0x3FAE] =	sst s4  }
0xd: {  	[smem:$0x3FAF] =	sst s5  }
0xe: {  	[smem:$0x3FB0] =	sst s6  }
0xf: {  	[smem:$0x3FB1] =	sst s7  }
0x10: {  	[smem:$0x3FB2] =	sst s8  }
0x11: {  	[smem:$0x3FB3] =	sst s9;
	s0 =	simm.s32 @!p0 $0x0  }
0x12: {  	s1 =	sld [smem:$0x3F99];
	s0 =	simm.s32 @p0 $0x1  }
0x13: {  	[smem:$0x3FB4] =	sst s0;
	s0 =	simm.s32 @!p1 $0x0  }
0x14: {  	s2 =	sld [smem:$0x3F98];
	s0 =	simm.s32 @p1 $0x1  }
0x15: {  	[smem:$0x3FB5] =	sst s0;
	s0 =	simm.s32 @!p2 $0x0  }
0x16: {  	s3 =	sld [smem:$0x3FDB];
	s0 =	simm.s32 @p2 $0x1  }
0x17: {  	s4 =	simm.s32 $0x1BF5;
	[smem:$0x3FB7] =	sst s0  }
0x18: {  	s0 =	sld [smem:$0x3F9A];
	_ =	swait.ge [sflag:s4], $0x0  }
0x19: {  	s7 =	sld [smem:$0x3F9B]  }
0x1a: {  	s8 =	sadd.s32 $0xFFFFE003, lr  }
0x1b: {  	s9 =	sadd.s32 $0xFFFFFEF7, lr;
	s5 =	simm.s32 $0xFFFFFFFF;
	p2 =	slt.u32 s8, $0xFFFFF086  }
0x1c: {  	p1 =	slt.u32 s9, $0xF7A;
	s5 =	simm.s32 @!p2 $0x0  }
0x1d: {  	s5 =	simm.s32 @p1 $0x1;
	p0 =	seq.s32 s7, s2  }
0x1e: {  	s7 =	smul.u32 @!p0 $0xF7A, s2;
	p2 =	seq.s32 @!p0 s5, $0x0  }
0x1f: {  	s9 =	smul.u32 $0xF7A, s1;
	s8 =	simm.s32 @!p0 $0x1BF5;
	p2 =	por !p2, p0  }
0x20: {  	[sflag:s8] =	ssyncset.s32 @!p0 $0xFFFFF086;
	s6 =	sadd.s32 @!p0 s3, s7;
	s7 =	simm.s32 @!p0 $0x108  }
0x21: {  	s3 =	sadd.s32 s3, s9;
	s6 =	sadd.s32 @!p0 $0x88, s6;
	s7 =	simm.s32 @p2 $0x1082  }
0x22: {  	[simem:s7], [sflag:s8] =	dma.local @!p0 [hbm:s6], $0xF7A  }
0x23: {  	s9 =	sor.u32 $0xD0000000, s2;
	s6 =	simm.s32 $0x108;
	_ =	swait.ge @!p0 [sflag:s8], $0x0  }
0x24: {  	s3 =	sadd.s32 $0x88, s3;
	s6 =	simm.s32 @!p1 $0x1082;
	[sflag:s4] =	ssyncset.s32 $0xFFFFF086  }
0x25: {  	[simem:s6], [sflag:s4] =	dma.local [hbm:s3], $0xF7A  }
0x26: {  	[smem:$0x3F9B] =	sst s1;
	(tag) =	ssettag s2;
	_ =	strace s9  }
0x27: {  	s1 =	sld [smem:$0x3FAB]  }
0x28: {  	s2 =	sld [smem:$0x3FAC]  }
0x29: {  	s4 =	sld [smem:$0x3FAE]  }
0x2a: {  	p0 =	seq.s32 s5, $0x0;
	s5 =	sld [smem:$0x3FAF]  }
0x2b: {  	s6 =	sld [smem:$0x3FB0]  }
0x2c: {  	s7 =	sld [smem:$0x3FB1]  }
0x2d: {  	s3 =	simm.s32 $0x108;
	s8 =	sld [smem:$0x3FB2]  }
0x2e: {  	s3 =	simm.s32 @!p0 $0x1082;
	s9 =	sld [smem:$0x3FB3]  }
0x2f: {  	lr =	sadd.s32 s0, s3;
	s0 =	sld [smem:$0x3FAA]  }
0x30: {  	s3 =	sld [smem:$0x3FAD]  }
0x31: {  	[smem:$0x3FB6] =	sst s10  }
0x32: {  	s10 =	sld [smem:$0x3FB4];
	_ =	sdelay $0x3  }
0x33: {  	p0 =	seq.s32 s10, $0x1;
	s10 =	sld [smem:$0x3FB6];
	_ =	sdelay $0x3  }
0x34: {  	[smem:$0x3FB6] =	sst s10  }
0x35: {  	s10 =	sld [smem:$0x3FB5];
	_ =	sdelay $0x3  }
0x36: {  	p1 =	seq.s32 s10, $0x1;
	s10 =	sld [smem:$0x3FB6];
	_ =	sdelay $0x3  }
0x37: {  	[smem:$0x3FB6] =	sst s10  }
0x38: {  	s10 =	sld [smem:$0x3FB7]  }
0x39: {  	_ = 	snop;
	(pc) =	sbr.ind lr, $3  }
0x3a: {  	_ = 	snop  }
0x3b: {  	_ = 	snop  }
0x3c: {  	p2 =	seq.s32 s10, $0x1;
	s10 =	sld [smem:$0x3FB6]  }
0x3d: {  	_ =	shalt  }
0x3e: {  	_ =	shalt  }
0x3f: {  	_ =	shalt  }
0x40: {  	_ =	shalt  }
0x41: {  	_ =	shalt  }
0x42: {  	_ =	shalt  }
0x43: {  	_ =	shalt  }
0x44: {  	_ =	shalt  }
0x45: {  	_ =	shalt  }
0x46: {  	_ =	shalt  }
0x47: {  	_ =	shalt  }
0x48: {  	_ =	shalt  }
0x49: {  	_ =	shalt  }
0x4a: {  	_ =	shalt  }
0x4b: {  	_ =	shalt  }
0x4c: {  	_ =	shalt  }
0x4d: {  	_ =	shalt  }
0x4e: {  	_ =	shalt  }
0x4f: {  	_ =	shalt  }
0x50: {  	_ =	shalt  }
0x51: {  	_ =	shalt  }
0x52: {  	_ =	shalt  }
0x53: {  	_ =	shalt  }
0x54: {  	_ =	shalt  }
0x55: {  	_ =	shalt  }
0x56: {  	_ =	shalt  }
0x57: {  	_ =	shalt  }
0x58: {  	_ =	shalt  }
0x59: {  	_ =	shalt  }
0x5a: {  	_ =	shalt  }
0x5b: {  	_ =	shalt  }
0x5c: {  	_ =	shalt  }
0x5d: {  	_ =	shalt  }
0x5e: {  	_ =	shalt  }
0x5f: {  	_ =	shalt  }
0x60: {  	_ =	shalt  }
0x61: {  	_ =	shalt  }
0x62: {  	_ =	shalt  }
0x63: {  	_ =	shalt  }
0x64: {  	_ =	shalt  }
0x65: {  	_ =	shalt  }
0x66: {  	_ =	shalt  }
0x67: {  	_ =	shalt  }
0x68: {  	_ =	shalt  }
0x69: {  	_ =	shalt  }
0x6a: {  	_ =	shalt  }
0x6b: {  	_ =	shalt  }
0x6c: {  	_ =	shalt  }
0x6d: {  	_ =	shalt  }
0x6e: {  	_ =	shalt  }
0x6f: {  	_ =	shalt  }
0x70: {  	_ =	shalt  }
0x71: {  	_ =	shalt  }
0x72: {  	_ =	shalt  }
0x73: {  	_ =	shalt  }
0x74: {  	_ =	shalt  }
0x75: {  	_ =	shalt  }
0x76: {  	_ =	shalt  }
0x77: {  	_ =	shalt  }
0x78: {  	_ =	shalt  }
0x79: {  	_ =	shalt  }
0x7a: {  	_ =	shalt  }
0x7b: {  	_ =	shalt  }
0x7c: {  	_ =	shalt  }
0x7d: {  	_ =	shalt  }
0x7e: {  	_ =	shalt  }
0x7f: {  	_ =	shalt  }
0x80: {  	_ =	shalt  }
0x81: {  	_ =	shalt  }
0x82: {  	_ =	shalt  }
0x83: {  	_ =	shalt  }
0x84: {  	_ =	shalt  }
0x85: {  	_ =	shalt  }
0x86: {  	_ =	shalt  }
0x87: {  	_ =	shalt  }
.Lfunc_end0:
.L_simem_size_0:
called_computation.1_lowered:
.L_overlay_start_0:
0x88: {  	s2 =	sld [smem:$0x3FD9]  }
0x89: {  	s3 =	sld [smem:$0x3FFE];
	_ =	sdelay $0x1  }
0x8a: {  	s1 =	srdreg.scid  }
0x8b: {  	s0 =	sand.u32 $0x1, s1  }
0x8c: {  	s17 =	sshll.u32 s0, $0xA;
	s2 =	sadd.s32 s3, s2  }
0x8d: {  	s2 =	sadd.s32 s2, s17  }
0x8e: {  	[smem:$0x3FC2] =	sst s2  }
0x8f: {  	_ = 	snop  }
0x90: {  	s2 =	sld [smem:$0x3FD0];
	(tm) =	ssettm $0x1  }
0x91: {  	s18 =	sld [smem:$0x3FFB];
	_ =	sdelay $0x3  }
0x92: {  	_ =	strace s18  }
0x93: {  	s3 =	sld [smem:$0x3FFC];
	_ =	sdelay $0x3  }
0x94: {  	_ =	strace s3  }
0x95: {  	s3 =	sld [smem:$0x3FFD];
	_ =	sdelay $0x3  }
0x96: {  	_ =	strace s3  }
0x97: {  	_ =	strace $0x8FFFFFFF  }
0x98: {  	s19 =	sld [smem:$0x3FDB];
	_ =	sdelay $0x1  }
0x99: {  	s4 =	simm.s32 $_scs_section_size  }
0x9a: {  	s5 =	simm.s32 $_size__tile_overlayer_lowered;
	s6 =	simm.s32 $_tile_overlayer_lowered  }
0x9b: {  	s22 =	simm.s32 $0x1BFF;
	s21 =	sshll.u32 s6, $0x1;
	s3 =	sadd.s32 s4, s19  }
0x9c: {  	s7 =	simm.s32 $0x0;
	s20 =	sshll.u32 s5, $0x1;
	s5 =	sadd.s32 s21, s3  }
0x9d: {  	[timem:s7], [sflag:s22] =	dma.local [hbm:s5], s20  }
0x9e: {  	_ =	swait.ge [sflag:s22], s20  }
0x9f: {  	s4 =	ssub.s32 $0x0, s20;
	[sflag:s22] =	ssyncset.done $0x0  }
0xa0: {  	[sflag:s22] =	ssyncadd.s32 s4;
	_ =	sdelay $0x1  }
0xa1: {  	s23 =	simm.s32 $0x1B8B  }
0xa2: {  	_ =	swait.ge [sflag:s23], $0x1  }
0xa3: {  	[sflag:s23] =	ssyncset.done $0x0  }
0xa4: {  	s25 =	simm.s32 $0x1B8E;
	s24 =	sld [smem:$0x3FFE];
	[sflag:s23] =	ssyncadd.s32 $0xFFFFFFFF  }
0xa5: {  	s26 =	simm.s32 $execute0_lowered;
	[smem:$0x3FD2] =	sst s25  }
0xa6: {  	s5 =	sshll.u32 s26, $0x1;
	_ =	strace $0x80000049;
	[dreg:$0x1] =	wrdreg $0xFFFFFFFF  }
0xa7: {  	s28 =	simm.s32 $_size_execute0_lowered;
	s3 =	sadd.s32 s3, s5;
	[dreg:$0x0] =	wrdreg $0x0  }
0xa8: {  	s5 =	sshll.u32 s28, $0x1;
	[dreg:$0x2] =	wrdreg s3  }
0xa9: {  	[dreg:$0x3] =	wrdreg s5  }
0xaa: {  	[dreg:$0x4] =	wrdreg $0xC0  }
0xab: {  	_ =	task [dreg:s7], $0x5FFFF  }
0xac: {  	[dreg:$0x1] =	wrdreg $0xFFFFFFFF  }
0xad: {  	[dreg:$0x0] =	wrdreg $0x60  }
0xae: {  	[dreg:$0x2] =	wrdreg s2  }
0xaf: {  	[dreg:$0x3] =	wrdreg s24  }
0xb0: {  	[dreg:$0x4] =	wrdreg $0xC0000  }
0xb1: {  	[dreg:$0x5] =	wrdreg $0x9  }
0xb2: {  	_ =	task.clear_ibuf [dreg:s7], $0x6FFFF;
	_ =	strace $0x90000049  }
0xb3: {  	s29 =	simm.s32 $0x9;
	_ =	strace $0x8000004B  }
0xb4: {  	_ =	swait.ge [sflag:s29], $0x1  }
0xb5: {  	[sflag:s29] =	ssyncadd.s32 $0xFFFFFFFF  }
0xb6: {  	_ =	strace $0x9000004B  }
0xb7: {  	_ =	sfence  }
0xb8: {  	s30 =	sld [smem:$0x0];
	_ =	sdelay $0x2  }
0xb9: {  	s31 =	sshll.u32 s1, $0xD;
	s1 =	sshrl.u32 s1, $0x2  }
0xba: {  	s3 =	sand.u32 $0x4000, s31;
	s1 =	sadd.s32 s1, s30  }
0xbb: {  	s0 =	sor.u32 s3, s0;
	s1 =	sshll.u32 s1, $0x11  }
0xbc: {  	s0 =	sor.u32 s1, s0  }
0xbd: {  	s0 =	sadd.s32 $0x8F2B, s0  }
0xbe: {  	[sflag:s0] =	ssyncadd.remote.s32 $0x1  }
0xbf: {  	_ =	sfence.sel $0xFFFF  }
0xc0: {  	[dreg:$0x0] =	wrdreg $0xFFFFFFFF;
	(pc) =	sbr.abs _section_cstart, $3  }
0xc1: {  	[dreg:$0x1] =	wrdreg $0xFFFFFFFF  }
0xc2: {  	_ =	task.clear_ibuf [dreg:s7], $0x2FFFF;
	_ =	strace $0x9FFFFFFF  }
0xc3: {  	(tm) =	ssettm $0x7FFFFFFF  }
tec
execute0_lowered:
.L_overlay_start_1:
0x0: {  	(tag) =	ssettag $0x1  }
0x1: {  	s2 =	rddreg [dreg:$0x0]  }
0x2: {  	s0 =	rddreg [dreg:$0x1]  }
0x3: {  	s3 =	rddreg [dreg:$0x2]  }
0x4: {  	s12 =	stileid.u32;
	s4 =	simm.s32 $0x0;
	s5 =	srdreg.scid  }
0x5: {  	s29 =	simm.s32 $0x8000;
	s31 =	simm.s32 $0xA000;
	s28 =	simm.s32 $0x8  }
0x6: {  	s30 =	simm.s32 $0x9;
	s1 =	smul.u32 $0x13C00, s12;
	[smem:$0x7FF] =	sst s4  }
0x7: {  	s5 =	sand.u32 $0x1, s5;
	s8 =	sadd.s32 $0x1200, s0;
	s9 =	sadd.s32 $0x21200, s0  }
0x8: {  	s10 =	sshll.u32 s12, $0xF;
	s12 =	smul.u32 $0x4F000, s12;
	_ =	strace $0x8000004A  }
0x9: {  	s7 =	smul.u32 $0x13C000, s5;
	s15 =	sshll.u32 s5, $0x13;
	s5 =	ssub.s32 $0x2, s5  }
0xa: {  	s6 =	sshrl.u32 s1, $0x3;
	s16 =	sshrl.u32 s5, $0x1;
	s21 =	sshrl.u32 s12, $0x2  }
0xb: {  	s12 =	simm.s32 $0x6;
	s6 =	sadd.s32 s6, s0;
	s1 =	sadd.s32 s1, s7  }
0xc: {  	s7 =	sor.u32 s10, s15;
	s17 =	ssub.s32 s5, s16;
	s22 =	sadd.s32 s21, s3  }
0xd: {  	s21 =	simm.s32 $0x40;
	s10 =	simm.s32 $0x5;
	s1 =	sshrl.u32 s1, $0x3  }
0xe: {  	s11 =	sshrl.u32 s7, $0x3;
	[dreg:$0x8] =	wrdreg s22;
	s23 =	sadd.s32 $0x41200, s6  }
0xf: {  	s24 =	sor.u32 $0x1800, s7;
	s25 =	sor.u32 $0x1000, s7;
	s22 =	simm.s32 $0x2000  }
0x10: {  	s6 =	simm.s32 $0x3;
	s7 =	simm.s32 $0xA;
	s0 =	sadd.s32 s1, s0  }
0x11: {  	s18 =	sadd.s32 s8, s11;
	s19 =	sadd.s32 s9, s11;
	s20 =	sor.u32 $0x100, s11  }
0x12: {  	[dreg:$0x9] =	wrdreg s23;
	s1 =	smax.u32 s17, $0x1;
	s26 =	sshrl.u32 s25, $0x3  }
0x13: {  	s23 =	simm.s32 $0x7;
	s17 =	simm.s32 $0x0;
	[dreg:$0x4] =	wrdreg s18  }
0x14: {  	[dreg:$0x5] =	wrdreg s19;
	s11 =	sadd.s32 s8, s20;
	s5 =	sadd.s32 s9, s20  }
0x15: {  	s0 =	sadd.s32 $0x68A00, s0;
	[dreg:$0xb] =	wrdreg s1;
	s15 =	sadd.s32 s26, s9  }
0x16: {  	s16 =	sadd.s32 s26, s8;
	s19 =	simm.s32 $0x800;
	s20 =	simm.s32 $0x1800  }
.Ltmp0:
0x17: {  	s26 =	simm.s32 $0x6000;
	[dreg:$0x6] =	wrdreg s11;
	(pc) =	sbr.rel .LBB2_1-.Ltmp0, $4  }
0x18: {  	s1 =	simm.s32 $0x2;
	s18 =	simm.s32 $0x1C80;
	[dreg:$0x7] =	wrdreg s5  }
0x19: {  	[dreg:$0xa] =	wrdreg s0;
	s0 =	sshrl.u32 s24, $0x3;
	s24 =	simm.s32 $0x4000  }
0x1a: {  	s11 =	simm.s32 $0xC;
	s13 =	sadd.s32 s0, s9;
	s14 =	sadd.s32 s0, s8  }
0x1b: {  	s9 =	simm.s32 $0xD;
	s0 =	simm.s32 $0x1;
	s8 =	simm.s32 $0x4  }
.LBB2_4:
0x1c: {  	_ =	swait.ge [sflag:s23], $0x2000  }
0x1d: {  	[sflag:s23] =	ssyncset.done $0x0  }
0x1e: {  	[sflag:s23] =	ssyncadd.s32 $0xFFFFE000  }
0x1f: {  	_ =	swait.ge [sflag:s28], $0x2000  }
0x20: {  	[sflag:s28] =	ssyncset.done $0x0  }
0x21: {  	[sflag:s28] =	ssyncadd.s32 $0xFFFFE000  }
0x22: {  	_ =	swait.ge [sflag:s30], $0x2000  }
0x23: {  	[sflag:s30] =	ssyncset.done $0x0  }
0x24: {  	[sflag:s30] =	ssyncadd.s32 $0xFFFFE000  }
0x25: {  	_ =	swait.ge [sflag:s7], $0x2000  }
0x26: {  	[sflag:s7] =	ssyncset.done $0x0  }
0x27: {  	[sflag:s7] =	ssyncadd.s32 $0xFFFFE000  }
0x28: {  	[bflag:$0x0] =	sbarrier.arrive $0xFFFF  }
0x29: {  	s5 =	rddreg [dreg:$0xa]  }
0x2a: {  	s9 =	rddreg [dreg:$0xd]  }
0x2b: {  	s17 =	rddreg [dreg:$0xe]  }
0x2c: {  	[hbm:s5], [sflag:s9] =	dma.local [spmem:s17], $0x2780  }
0x2d: {  	s9 =	simm.s32 $0xD  }
0x2e: {  	_ =	swait.ge [sflag:s9], $0x2780  }
0x2f: {  	s5 =	rddreg [dreg:$0xc]  }
0x30: {  	s25 =	rddreg [dreg:$0xb];
	s17 =	sadd.s32 $0x1, s5  }
0x31: {  	p0 =	sne.s32 s17, s25  }
.Ltmp1:
0x32: {  	_ = 	snop;
	(pc) =	sbr.rel @!p0 .LBB2_5-.Ltmp1, $3  }
0x33: {  	_ =	sdelay $0x1  }
0x34: {  	[sflag:s9] =	ssyncset.done $0x0  }
0x35: {  	[sflag:s9] =	ssyncadd.s32 $0xFFFFD880  }
.LBB2_1:
0x36: {  	[dreg:$0xc] =	wrdreg s17  }
0x37: {  	s5 =	rddreg [dreg:$0x4]  }
0x38: {  	[tilespmem:s4], [sflag:$0xD] =	stream.linear.gather [hbm4b:s5+s4], $0x500, $0x38;
	[tilespmem:$0x1FC00] =	vst v63  }
0x39: {  	_ =	swait.ge [sflag:s9], $0x500  }
0x3a: {  	[sflag:s9] =	ssyncset.done $0x0  }
0x3b: {  	s25 =	simm.s32 $0x1000;
	s17 =	rddreg [dreg:$0x5];
	[sflag:s9] =	ssyncadd.s32 $0xFFFFFB00  }
0x3c: {  	[tilespmem:s25], [sflag:$0xD] =	stream.linear.gather [hbm4b:s17+s4], $0x500, $0x38;
	[tilespmem:$0x1FC00] =	vst v63  }
0x3d: {  	_ =	swait.ge [sflag:s9], $0x500  }
0x3e: {  	[sflag:s9] =	ssyncset.done $0x0  }
0x3f: {  	s17 =	rddreg [dreg:$0x6];
	[sflag:s9] =	ssyncadd.s32 $0xFFFFFB00  }
0x40: {  	[tilespmem:s19], [sflag:$0xC] =	stream.linear.gather [hbm4b:s17+s4], $0x500, $0x38;
	[tilespmem:$0x1FC00] =	vst v63  }
0x41: {  	s25 =	rddreg [dreg:$0x7]  }
0x42: {  	[tilespmem:s20], [sflag:$0xC] =	stream.linear.gather [hbm4b:s25+s4], $0x500, $0x38;
	[tilespmem:$0x1FC00] =	vst v63  }
0x43: {  	_ = 	snop  }
0x44: {  	[tilespmem:s22], [sflag:$0x1] =	stream.indirect.gather [hbm4b:s2+s21], $0x80, s4, s21, $0xb8;
	[tilespmem:$0x1FC00] =	vst v63  }
0x45: {  	s17 =	simm.s32 $0x80  }
0x46: {  	[tilespmem:s24], [sflag:$0x2] =	stream.indirect.gather [hbm4b:s2+s21], $0x80, s17, s21, $0xb8;
	[tilespmem:$0x1FC00] =	vst v63  }
0x47: {  	s25 =	simm.s32 $0x100  }
0x48: {  	[tilespmem:s26], [sflag:$0x3] =	stream.indirect.gather [hbm4b:s2+s21], $0x80, s25, s21, $0xb8;
	[tilespmem:$0x1FC00] =	vst v63  }
0x49: {  	s17 =	simm.s32 $0x180  }
0x4a: {  	[tilespmem:s29], [sflag:$0x4] =	stream.indirect.gather [hbm4b:s2+s21], $0x80, s17, s21, $0xb8;
	[tilespmem:$0x1FC00] =	vst v63  }
0x4b: {  	s25 =	simm.s32 $0x200;
	s17 =	stileid.u32  }
0x4c: {  	[tilespmem:s31], [sflag:$0x5] =	stream.indirect.gather [hbm4b:s2+s21], $0x80, s25, s21, $0xb8;
	[tilespmem:$0x1FC00] =	vst v63  }
0x4d: {  	s5 =	sshll.u32 s17, $0x6;
	s25 =	rddreg [dreg:$0x8]  }
0x4e: {  	s17 =	sor.u32 $0x1C0D, s5;
	s5 =	rddreg [dreg:$0x9]  }
0x4f: {  	s25 =	sshrl.u32 s25, $0x3;
	[dreg:$0xd] =	wrdreg s17  }
0x50: {  	[dreg:$0xe] =	wrdreg s25  }
0x51: {  	[spmem:s25], [sflag:s17] =	dma.local [hbm:s5], $0x2780  }
0x52: {  	_ =	swait.ge [sflag:s9], $0x2780  }
0x53: {  	[sflag:s9] =	ssyncset.done $0x0  }
0x54: {  	[sflag:s9] =	ssyncadd.s32 $0xFFFFD880  }
0x55: {  	s5 =	simm.s32 $0x0;
	[bflag:$0x0] =	sbarrier.arrive $0xFFFF  }
.LBB2_2:
0x56: {  	_ =	swait.ge [sflag:s0], $0x2000  }
0x57: {  	[sflag:s0] =	ssyncset.done $0x0  }
0x58: {  	s9 =	simm.s32 $0x1000;
	[sflag:s0] =	ssyncadd.s32 $0xFFFFE000  }
0x59: {  	[spmem:s3] =	stream.indirect.scatter.add.f32 [tilespmem:s22], [sflag:$0x6], $0x80, s9, s21, $0xb8;
	[tilespmem:$0x1FC00] =	vst v63  }
0x5a: {  	_ =	swait.ge [sflag:s1], $0x2000  }
0x5b: {  	[sflag:s1] =	ssyncset.done $0x0  }
0x5c: {  	s25 =	simm.s32 $0x1080;
	[sflag:s1] =	ssyncadd.s32 $0xFFFFE000  }
0x5d: {  	[spmem:s3] =	stream.indirect.scatter.add.f32 [tilespmem:s24], [sflag:$0x7], $0x80, s25, s21, $0xb8;
	[tilespmem:$0x1FC00] =	vst v63  }
0x5e: {  	_ =	swait.ge [sflag:s6], $0x2000  }
0x5f: {  	[sflag:s6] =	ssyncset.done $0x0  }
0x60: {  	s17 =	simm.s32 $0x1100;
	[sflag:s6] =	ssyncadd.s32 $0xFFFFE000  }
0x61: {  	[spmem:s3] =	stream.indirect.scatter.add.f32 [tilespmem:s26], [sflag:$0x8], $0x80, s17, s21, $0xb8;
	[tilespmem:$0x1FC00] =	vst v63  }
0x62: {  	_ =	swait.ge [sflag:s8], $0x2000  }
0x63: {  	[sflag:s8] =	ssyncset.done $0x0  }
0x64: {  	s25 =	simm.s32 $0x1180;
	[sflag:s8] =	ssyncadd.s32 $0xFFFFE000  }
0x65: {  	[spmem:s3] =	stream.indirect.scatter.add.f32 [tilespmem:s29], [sflag:$0x9], $0x80, s25, s21, $0xb8;
	[tilespmem:$0x1FC00] =	vst v63  }
0x66: {  	_ =	swait.ge [sflag:s10], $0x2000  }
0x67: {  	[sflag:s10] =	ssyncset.done $0x0  }
0x68: {  	s17 =	simm.s32 $0x1200;
	[sflag:s10] =	ssyncadd.s32 $0xFFFFE000  }
0x69: {  	[spmem:s3] =	stream.indirect.scatter.add.f32 [tilespmem:s31], [sflag:$0xA], $0x80, s17, s21, $0xb8;
	[tilespmem:$0x1FC00] =	vst v63  }
0x6a: {  	_ =	swait.ge [sflag:s12], $0x2000  }
0x6b: {  	[sflag:s12] =	ssyncset.done $0x0  }
0x6c: {  	s25 =	simm.s32 $0x280;
	[sflag:s12] =	ssyncadd.s32 $0xFFFFE000  }
0x6d: {  	[tilespmem:s22], [sflag:$0x1] =	stream.indirect.gather [hbm4b:s2+s21], $0x80, s25, s21, $0xb8;
	[tilespmem:$0x1FC00] =	vst v63  }
0x6e: {  	_ =	swait.ge [sflag:s23], $0x2000  }
0x6f: {  	[sflag:s23] =	ssyncset.done $0x0  }
0x70: {  	s17 =	simm.s32 $0x300;
	[sflag:s23] =	ssyncadd.s32 $0xFFFFE000  }
0x71: {  	[tilespmem:s24], [sflag:$0x2] =	stream.indirect.gather [hbm4b:s2+s21], $0x80, s17, s21, $0xb8;
	[tilespmem:$0x1FC00] =	vst v63  }
0x72: {  	_ =	swait.ge [sflag:s28], $0x2000  }
0x73: {  	[sflag:s28] =	ssyncset.done $0x0  }
0x74: {  	s25 =	simm.s32 $0x380;
	[sflag:s28] =	ssyncadd.s32 $0xFFFFE000  }
0x75: {  	[tilespmem:s26], [sflag:$0x3] =	stream.indirect.gather [hbm4b:s2+s21], $0x80, s25, s21, $0xb8;
	[tilespmem:$0x1FC00] =	vst v63  }
0x76: {  	_ =	swait.ge [sflag:s30], $0x2000  }
0x77: {  	[sflag:s30] =	ssyncset.done $0x0  }
0x78: {  	s17 =	simm.s32 $0x400;
	[sflag:s30] =	ssyncadd.s32 $0xFFFFE000  }
0x79: {  	[tilespmem:s29], [sflag:$0x4] =	stream.indirect.gather [hbm4b:s2+s21], $0x80, s17, s21, $0xb8;
	[tilespmem:$0x1FC00] =	vst v63  }
0x7a: {  	_ =	swait.ge [sflag:s7], $0x2000  }
0x7b: {  	[sflag:s7] =	ssyncset.done $0x0  }
0x7c: {  	s25 =	simm.s32 $0x480;
	[sflag:s7] =	ssyncadd.s32 $0xFFFFE000  }
0x7d: {  	[tilespmem:s31], [sflag:$0x5] =	stream.indirect.gather [hbm4b:s2+s21], $0x80, s25, s21, $0xb8;
	[tilespmem:$0x1FC00] =	vst v63  }
0x7e: {  	_ =	swait.ge [sflag:s11], $0x500  }
0x7f: {  	[sflag:s11] =	ssyncset.done $0x0  }
0x80: {  	[sflag:s11] =	ssyncadd.s32 $0xFFFFFB00  }
0x81: {  	_ =	swait.ge [sflag:s11], $0x500  }
0x82: {  	[sflag:s11] =	ssyncset.done $0x0  }
0x83: {  	[sflag:s11] =	ssyncadd.s32 $0xFFFFFB00  }
0x84: {  	_ =	swait.ge [sflag:s0], $0x2000  }
0x85: {  	[sflag:s0] =	ssyncset.done $0x0  }
0x86: {  	s17 =	simm.s32 $0x1280;
	[sflag:s0] =	ssyncadd.s32 $0xFFFFE000  }
0x87: {  	[spmem:s3] =	stream.indirect.scatter.add.f32 [tilespmem:s22], [sflag:$0x6], $0x80, s17, s21, $0xb8;
	[tilespmem:$0x1FC00] =	vst v63  }
0x88: {  	_ =	swait.ge [sflag:s1], $0x2000  }
0x89: {  	[sflag:s1] =	ssyncset.done $0x0  }
0x8a: {  	s25 =	simm.s32 $0x1300;
	[sflag:s1] =	ssyncadd.s32 $0xFFFFE000  }
0x8b: {  	[spmem:s3] =	stream.indirect.scatter.add.f32 [tilespmem:s24], [sflag:$0x7], $0x80, s25, s21, $0xb8;
	[tilespmem:$0x1FC00] =	vst v63  }
0x8c: {  	_ =	swait.ge [sflag:s6], $0x2000  }
0x8d: {  	[sflag:s6] =	ssyncset.done $0x0  }
0x8e: {  	s17 =	simm.s32 $0x1380;
	[sflag:s6] =	ssyncadd.s32 $0xFFFFE000  }
0x8f: {  	[spmem:s3] =	stream.indirect.scatter.add.f32 [tilespmem:s26], [sflag:$0x8], $0x80, s17, s21, $0xb8;
	[tilespmem:$0x1FC00] =	vst v63  }
0x90: {  	_ =	swait.ge [sflag:s8], $0x2000  }
0x91: {  	[sflag:s8] =	ssyncset.done $0x0  }
0x92: {  	s25 =	simm.s32 $0x1400;
	[sflag:s8] =	ssyncadd.s32 $0xFFFFE000  }
0x93: {  	[spmem:s3] =	stream.indirect.scatter.add.f32 [tilespmem:s29], [sflag:$0x9], $0x80, s25, s21, $0xb8;
	[tilespmem:$0x1FC00] =	vst v63  }
0x94: {  	_ =	swait.ge [sflag:s10], $0x2000  }
0x95: {  	[sflag:s10] =	ssyncset.done $0x0  }
0x96: {  	s17 =	simm.s32 $0x1480;
	[sflag:s10] =	ssyncadd.s32 $0xFFFFE000  }
0x97: {  	[spmem:s3] =	stream.indirect.scatter.add.f32 [tilespmem:s31], [sflag:$0xA], $0x80, s17, s21, $0xb8;
	[tilespmem:$0x1FC00] =	vst v63  }
0x98: {  	_ =	swait.ge [sflag:s12], $0x2000  }
0x99: {  	[sflag:s12] =	ssyncset.done $0x0  }
0x9a: {  	[sflag:s12] =	ssyncadd.s32 $0xFFFFE000  }
0x9b: {  	[tilespmem:s22], [sflag:$0x1] =	stream.indirect.gather [hbm4b:s2+s21], $0x80, s19, s21, $0xb8;
	[tilespmem:$0x1FC00] =	vst v63  }
0x9c: {  	_ =	swait.ge [sflag:s23], $0x2000  }
0x9d: {  	[sflag:s23] =	ssyncset.done $0x0  }
0x9e: {  	s25 =	simm.s32 $0x880;
	[sflag:s23] =	ssyncadd.s32 $0xFFFFE000  }
0x9f: {  	[tilespmem:s24], [sflag:$0x2] =	stream.indirect.gather [hbm4b:s2+s21], $0x80, s25, s21, $0xb8;
	[tilespmem:$0x1FC00] =	vst v63  }
0xa0: {  	_ =	swait.ge [sflag:s28], $0x2000  }
0xa1: {  	[sflag:s28] =	ssyncset.done $0x0  }
0xa2: {  	s17 =	simm.s32 $0x900;
	[sflag:s28] =	ssyncadd.s32 $0xFFFFE000  }
0xa3: {  	[tilespmem:s26], [sflag:$0x3] =	stream.indirect.gather [hbm4b:s2+s21], $0x80, s17, s21, $0xb8;
	[tilespmem:$0x1FC00] =	vst v63  }
0xa4: {  	_ =	swait.ge [sflag:s30], $0x2000  }
0xa5: {  	[sflag:s30] =	ssyncset.done $0x0  }
0xa6: {  	s25 =	simm.s32 $0x980;
	[sflag:s30] =	ssyncadd.s32 $0xFFFFE000  }
0xa7: {  	[tilespmem:s29], [sflag:$0x4] =	stream.indirect.gather [hbm4b:s2+s21], $0x80, s25, s21, $0xb8;
	[tilespmem:$0x1FC00] =	vst v63  }
0xa8: {  	_ =	swait.ge [sflag:s7], $0x2000  }
0xa9: {  	[sflag:s7] =	ssyncset.done $0x0  }
0xaa: {  	p0 =	seq.s32 s5, $0xE00;
	s17 =	simm.s32 $0xA00;
	[sflag:s7] =	ssyncadd.s32 $0xFFFFE000  }
0xab: {  	[tilespmem:s31], [sflag:$0x5] =	stream.indirect.gather [hbm4b:s2+s21], $0x80, s17, s21, $0xb8;
	[tilespmem:$0x1FC00] =	vst v63  }
0xac: {  	s9 =	sadd.s32 @!p0 s5, s16;
	s17 =	simm.s32 @!p0 $0x0  }
0xad: {  	[tilespmem:s17], [sflag:$0xB] =	stream.linear.gather @!p0 [hbm4b:s9+s17], $0x500, $0x38;
	[tilespmem:$0x1FC00] =	vst v63  }
0xae: {  	s25 =	simm.s32 @!p0 $0x1000;
	s9 =	sadd.s32 @!p0 s5, s15  }
0xaf: {  	[tilespmem:s25], [sflag:$0xB] =	stream.linear.gather @!p0 [hbm4b:s9+s17], $0x500, $0x38;
	[tilespmem:$0x1FC00] =	vst v63  }
0xb0: {  	_ =	swait.ge [sflag:s0], $0x2000  }
0xb1: {  	[sflag:s0] =	ssyncset.done $0x0  }
0xb2: {  	[sflag:s0] =	ssyncadd.s32 $0xFFFFE000  }
0xb3: {  	[spmem:s3] =	stream.indirect.scatter.add.f32 [tilespmem:s22], [sflag:$0x6], $0x80, s20, s21, $0xb8;
	[tilespmem:$0x1FC00] =	vst v63  }
0xb4: {  	_ =	swait.ge [sflag:s1], $0x2000  }
0xb5: {  	[sflag:s1] =	ssyncset.done $0x0  }
0xb6: {  	s25 =	simm.s32 $0x1880;
	[sflag:s1] =	ssyncadd.s32 $0xFFFFE000  }
0xb7: {  	[spmem:s3] =	stream.indirect.scatter.add.f32 [tilespmem:s24], [sflag:$0x7], $0x80, s25, s21, $0xb8;
	[tilespmem:$0x1FC00] =	vst v63  }
0xb8: {  	_ =	swait.ge [sflag:s6], $0x2000  }
0xb9: {  	[sflag:s6] =	ssyncset.done $0x0  }
0xba: {  	s17 =	simm.s32 $0x1900;
	[sflag:s6] =	ssyncadd.s32 $0xFFFFE000  }
0xbb: {  	[spmem:s3] =	stream.indirect.scatter.add.f32 [tilespmem:s26], [sflag:$0x8], $0x80, s17, s21, $0xb8;
	[tilespmem:$0x1FC00] =	vst v63  }
0xbc: {  	_ =	swait.ge [sflag:s8], $0x2000  }
0xbd: {  	[sflag:s8] =	ssyncset.done $0x0  }
0xbe: {  	s25 =	simm.s32 $0x1980;
	[sflag:s8] =	ssyncadd.s32 $0xFFFFE000  }
0xbf: {  	[spmem:s3] =	stream.indirect.scatter.add.f32 [tilespmem:s29], [sflag:$0x9], $0x80, s25, s21, $0xb8;
	[tilespmem:$0x1FC00] =	vst v63  }
0xc0: {  	_ =	swait.ge [sflag:s10], $0x2000  }
0xc1: {  	[sflag:s10] =	ssyncset.done $0x0  }
0xc2: {  	s17 =	simm.s32 $0x1A00;
	[sflag:s10] =	ssyncadd.s32 $0xFFFFE000  }
0xc3: {  	[spmem:s3] =	stream.indirect.scatter.add.f32 [tilespmem:s31], [sflag:$0xA], $0x80, s17, s21, $0xb8;
	[tilespmem:$0x1FC00] =	vst v63  }
0xc4: {  	_ =	swait.ge [sflag:s12], $0x2000  }
0xc5: {  	[sflag:s12] =	ssyncset.done $0x0  }
0xc6: {  	s25 =	simm.s32 $0xA80;
	[sflag:s12] =	ssyncadd.s32 $0xFFFFE000  }
0xc7: {  	[tilespmem:s22], [sflag:$0x1] =	stream.indirect.gather [hbm4b:s2+s21], $0x80, s25, s21, $0xb8;
	[tilespmem:$0x1FC00] =	vst v63  }
0xc8: {  	_ =	swait.ge [sflag:s23], $0x2000  }
0xc9: {  	[sflag:s23] =	ssyncset.done $0x0  }
0xca: {  	s17 =	simm.s32 $0xB00;
	[sflag:s23] =	ssyncadd.s32 $0xFFFFE000  }
0xcb: {  	[tilespmem:s24], [sflag:$0x2] =	stream.indirect.gather [hbm4b:s2+s21], $0x80, s17, s21, $0xb8;
	[tilespmem:$0x1FC00] =	vst v63  }
0xcc: {  	_ =	swait.ge [sflag:s28], $0x2000  }
0xcd: {  	[sflag:s28] =	ssyncset.done $0x0  }
0xce: {  	s25 =	simm.s32 $0xB80;
	[sflag:s28] =	ssyncadd.s32 $0xFFFFE000  }
0xcf: {  	[tilespmem:s26], [sflag:$0x3] =	stream.indirect.gather [hbm4b:s2+s21], $0x80, s25, s21, $0xb8;
	[tilespmem:$0x1FC00] =	vst v63  }
0xd0: {  	_ =	swait.ge [sflag:s30], $0x2000  }
0xd1: {  	[sflag:s30] =	ssyncset.done $0x0  }
0xd2: {  	s17 =	simm.s32 $0xC00;
	[sflag:s30] =	ssyncadd.s32 $0xFFFFE000  }
0xd3: {  	[tilespmem:s29], [sflag:$0x4] =	stream.indirect.gather [hbm4b:s2+s21], $0x80, s17, s21, $0xb8;
	[tilespmem:$0x1FC00] =	vst v63  }
0xd4: {  	_ =	swait.ge [sflag:s7], $0x2000  }
0xd5: {  	[sflag:s7] =	ssyncset.done $0x0  }
0xd6: {  	s9 =	simm.s32 @!p0 $0xB;
	s25 =	simm.s32 $0xC80;
	[sflag:s7] =	ssyncadd.s32 $0xFFFFE000  }
0xd7: {  	[tilespmem:s31], [sflag:$0x5] =	stream.indirect.gather [hbm4b:s2+s21], $0x80, s25, s21, $0xb8;
	[tilespmem:$0x1FC00] =	vst v63  }
0xd8: {  	_ =	swait.ge @!p0 [sflag:s9], $0x500  }
0xd9: {  	[sflag:s9] =	ssyncset.done @!p0 $0x0  }
0xda: {  	[sflag:s9] =	ssyncadd.s32 @!p0 $0xFFFFFB00  }
0xdb: {  	_ =	swait.ge @!p0 [sflag:s9], $0x500  }
0xdc: {  	[sflag:s9] =	ssyncset.done @!p0 $0x0  }
0xdd: {  	[sflag:s9] =	ssyncadd.s32 @!p0 $0xFFFFFB00  }
0xde: {  	_ =	swait.ge [sflag:s0], $0x2000  }
0xdf: {  	[sflag:s0] =	ssyncset.done $0x0  }
0xe0: {  	s17 =	simm.s32 $0x1A80;
	[sflag:s0] =	ssyncadd.s32 $0xFFFFE000  }
0xe1: {  	[spmem:s3] =	stream.indirect.scatter.add.f32 [tilespmem:s22], [sflag:$0x6], $0x80, s17, s21, $0xb8;
	[tilespmem:$0x1FC00] =	vst v63  }
0xe2: {  	_ =	swait.ge [sflag:s1], $0x2000  }
0xe3: {  	[sflag:s1] =	ssyncset.done $0x0  }
0xe4: {  	s25 =	simm.s32 $0x1B00;
	[sflag:s1] =	ssyncadd.s32 $0xFFFFE000  }
0xe5: {  	[spmem:s3] =	stream.indirect.scatter.add.f32 [tilespmem:s24], [sflag:$0x7], $0x80, s25, s21, $0xb8;
	[tilespmem:$0x1FC00] =	vst v63  }
0xe6: {  	_ =	swait.ge [sflag:s6], $0x2000  }
0xe7: {  	[sflag:s6] =	ssyncset.done $0x0  }
0xe8: {  	s17 =	simm.s32 $0x1B80;
	[sflag:s6] =	ssyncadd.s32 $0xFFFFE000  }
0xe9: {  	[spmem:s3] =	stream.indirect.scatter.add.f32 [tilespmem:s26], [sflag:$0x8], $0x80, s17, s21, $0xb8;
	[tilespmem:$0x1FC00] =	vst v63  }
0xea: {  	_ =	swait.ge [sflag:s8], $0x2000  }
0xeb: {  	[sflag:s8] =	ssyncset.done $0x0  }
0xec: {  	s25 =	simm.s32 $0x1C00;
	[sflag:s8] =	ssyncadd.s32 $0xFFFFE000  }
0xed: {  	[spmem:s3] =	stream.indirect.scatter.add.f32 [tilespmem:s29], [sflag:$0x9], $0x80, s25, s21, $0xb8;
	[tilespmem:$0x1FC00] =	vst v63  }
0xee: {  	_ =	swait.ge [sflag:s10], $0x2000  }
0xef: {  	[sflag:s10] =	ssyncset.done $0x0  }
.Ltmp2:
0xf0: {  	[sflag:s10] =	ssyncadd.s32 $0xFFFFE000;
	(pc) =	sbr.rel @p0 .LBB2_4-.Ltmp2, $4  }
0xf1: {  	[spmem:s3] =	stream.indirect.scatter.add.f32 [tilespmem:s31], [sflag:$0xA], $0x80, s18, s21, $0xb8;
	[tilespmem:$0x1FC00] =	vst v63  }
0xf2: {  	_ =	swait.ge [sflag:s12], $0x2000  }
0xf3: {  	[sflag:s12] =	ssyncset.done $0x0  }
0xf4: {  	[sflag:s12] =	ssyncadd.s32 $0xFFFFE000  }
0xf5: {  	[tilespmem:s22], [sflag:$0x1] =	stream.indirect.gather [hbm4b:s2+s21], $0x80, s4, s21, $0xb8;
	[tilespmem:$0x1FC00] =	vst v63  }
0xf6: {  	_ =	swait.ge [sflag:s23], $0x2000  }
0xf7: {  	[sflag:s23] =	ssyncset.done $0x0  }
0xf8: {  	s9 =	simm.s32 $0x80;
	[sflag:s23] =	ssyncadd.s32 $0xFFFFE000  }
0xf9: {  	[tilespmem:s24], [sflag:$0x2] =	stream.indirect.gather [hbm4b:s2+s21], $0x80, s9, s21, $0xb8;
	[tilespmem:$0x1FC00] =	vst v63  }
0xfa: {  	_ =	swait.ge [sflag:s28], $0x2000  }
0xfb: {  	[sflag:s28] =	ssyncset.done $0x0  }
0xfc: {  	s25 =	simm.s32 $0x100;
	[sflag:s28] =	ssyncadd.s32 $0xFFFFE000  }
0xfd: {  	[tilespmem:s26], [sflag:$0x3] =	stream.indirect.gather [hbm4b:s2+s21], $0x80, s25, s21, $0xb8;
	[tilespmem:$0x1FC00] =	vst v63  }
0xfe: {  	_ =	swait.ge [sflag:s30], $0x2000  }
0xff: {  	[sflag:s30] =	ssyncset.done $0x0  }
0x100: {  	s17 =	simm.s32 $0x180;
	[sflag:s30] =	ssyncadd.s32 $0xFFFFE000  }
0x101: {  	[tilespmem:s29], [sflag:$0x4] =	stream.indirect.gather [hbm4b:s2+s21], $0x80, s17, s21, $0xb8;
	[tilespmem:$0x1FC00] =	vst v63  }
0x102: {  	_ =	swait.ge [sflag:s7], $0x2000  }
0x103: {  	[sflag:s7] =	ssyncset.done $0x0  }
0x104: {  	s25 =	simm.s32 $0x200;
	[sflag:s7] =	ssyncadd.s32 $0xFFFFE000  }
0x105: {  	[tilespmem:s31], [sflag:$0x5] =	stream.indirect.gather [hbm4b:s2+s21], $0x80, s25, s21, $0xb8;
	[tilespmem:$0x1FC00] =	vst v63  }
.Ltmp3:
0x106: {  	_ = 	snop;
	(pc) =	sbr.rel .LBB2_2-.Ltmp3, $4  }
0x107: {  	s17 =	sadd.s32 s5, s14  }
0x108: {  	[tilespmem:s19], [sflag:$0xC] =	stream.linear.gather [hbm4b:s17+s4], $0x500, $0x38;
	[tilespmem:$0x1FC00] =	vst v63  }
0x109: {  	s25 =	sadd.s32 s5, s13;
	s5 =	sadd.s32 $0x200, s5  }
0x10a: {  	[tilespmem:s20], [sflag:$0xC] =	stream.linear.gather [hbm4b:s25+s4], $0x500, $0x38;
	[tilespmem:$0x1FC00] =	vst v63  }
.LBB2_5:
0x10b: {  	_ =	sfence.sel $0x180000  }
0x10c: {  	[bflag:$0x0] =	sbarrier.arrive $0xFFFF  }
0x10d: {  	_ =	strace $0x9000004A  }
0x10e: {  	s0 =	stileid.u32;
	[bflag:$0x2] =	sbarrier.arrive $0xFFFF  }
0x10f: {  	p0 =	sne.s32 s0, $0x0;
	s0 =	rddreg [dreg:$0x3]  }
0x110: {  	s0 =	sadd.s32 @!p0 $0x100000, s0  }
0x111: {  	[sflag:s0] =	ssyncadd.tile.s32 @!p0 $0x1;
	_ =	shalt  }
.Lfunc_end2:
_tile_overlayer_lowered:
.L_overlay_start_2:
0x112: {  	(tag) =	ssettag $0x2  }
0x113: {  	s0 =	rddreg [dreg:$0x0];
	s2 =	stileid.u32  }
0x114: {  	s1 =	rddreg [dreg:$0x1];
	p0 =	sne.s32 s2, $0x0  }
0x115: {  	s3 =	rddreg [dreg:$0x2];
	[bflag:$0x3] =	sbarrier.arrive $0xFFFF;
	s2 =	simm.s32 @!p0 $0x1C0D  }
0x116: {  	[timem:s3], [sflag:s2] =	dma.local @!p0 [hbm:s0], s1  }
0x117: {  	s0 =	simm.s32 @!p0 $0xD  }
0x118: {  	_ =	swait.ge @!p0 [sflag:s0], s1  }
0x119: {  	s1 =	ssub.s32 @!p0 $0x0, s1;
	[sflag:s0] =	ssyncset.done @!p0 $0x0  }
0x11a: {  	[sflag:s0] =	ssyncadd.s32 @!p0 s1  }
0x11b: {  	[bflag:$0x3] =	sbarrier.arrive $0xFFFF  }
0x11c: {  	_ =	shalt  }

</sc_bundles>
